<compile_context>
chip_gen: v7x
topology: tpu7x:2x2x1
jax: 0.10.2.dev20260603
libtpu: 0.0.44.dev20260713+nightly
codegen_flags: <defaults>
</compile_context>

<pallas_src>
import functools
import jax
import jax.numpy as jnp
from jax import lax
from jax.experimental import pallas as pl
from jax.experimental.pallas import tpu as pltpu
from jax.experimental.pallas import tpu_sc as plsc

N = 10000
E = 320000
NPAD = 10016
NACC = 10240
EPAD = 327680
CHUNK = 128
ROWS_PER_TILE = 640
TAB_PER_TILE = 626
PAD_SRC = N
PAD_DST = N
NBUF = 4
EC_CHUNKS = 80
CC_CHUNKS = 160
PHASES = 4
PH_CHUNKS = CC_CHUNKS // PHASES

_mesh = plsc.VectorSubcoreMesh(core_axis_name="c", subcore_axis_name="s")


@functools.partial(
    pl.kernel,
    out_type=jax.ShapeDtypeStruct((2 * NACC, 64), jnp.float32),
    mesh=_mesh,
    compiler_params=pltpu.CompilerParams(use_tc_tiling_on_sc=False),
    scratch_types=[
        pltpu.VMEM((PH_CHUNKS, CHUNK), jnp.int32),
        pltpu.VMEM((PH_CHUNKS, CHUNK), jnp.int32),
        [pltpu.VMEM((CHUNK, 64), jnp.float32)
         for _ in range(NBUF)],
        pltpu.VMEM_SHARED((NACC, 64), jnp.float32),
        pltpu.VMEM_SHARED((NPAD, 64), jnp.float32),
        [pltpu.SemaphoreType.DMA for _ in range(NBUF)],
        [pltpu.SemaphoreType.DMA for _ in range(NBUF)],
    ],
)
def _sc_agg_chan(src_hbm, dst_hbm, table_hbm, zrows_hbm, out_hbm,
                 src_v, dst_v, rows_v, acc, stab, gsem, ssem):
    cid = lax.axis_index("c")
    sid = lax.axis_index("s")

    pltpu.sync_copy(zrows_hbm, acc.at[pl.ds(sid * ROWS_PER_TILE,
                                            ROWS_PER_TILE)])
    t0 = sid * TAB_PER_TILE
    pltpu.sync_copy(table_hbm.at[pl.ds(cid * NPAD + t0, TAB_PER_TILE)],
                    stab.at[pl.ds(t0, TAB_PER_TILE)])
    plsc.subcore_barrier()

    for ph in range(PHASES):
        base = sid * CC_CHUNKS + ph * PH_CHUNKS
        pltpu.sync_copy(src_hbm.at[pl.ds(base, PH_CHUNKS)], src_v)
        pltpu.sync_copy(dst_hbm.at[pl.ds(base, PH_CHUNKS)], dst_v)

        def gat_spm(row, b):
            pltpu.async_copy(stab.at[src_v.at[row]], rows_v[b], gsem[b])

        for b in range(NBUF):
            gat_spm(b, b)

        def body(j, carry):
            for b in range(NBUF):
                jj = j * NBUF + b
                pltpu.make_async_copy(table_hbm.at[src_v.at[0]],
                                      rows_v[b], gsem[b]).wait()
                pltpu.async_copy(rows_v[b], acc.at[dst_v.at[jj]], ssem[b],
                                 add=True)
                b2 = (b - 2) % NBUF

                @pl.when(jj >= 2)
                def _():
                    pltpu.make_async_copy(rows_v[b2],
                                          acc.at[dst_v.at[0]],
                                          ssem[b2]).wait()

                can_refill = jnp.logical_and(jj >= 2, jj <= PH_CHUNKS - 3)

                @pl.when(can_refill)
                def _():
                    gat_spm(jj + 2, b2)
            return carry

        lax.fori_loop(0, PH_CHUNKS // NBUF, body, 0)
        for b in ((PH_CHUNKS - 2) % NBUF, (PH_CHUNKS - 1) % NBUF):
            pltpu.make_async_copy(rows_v[b], acc.at[dst_v.at[0]],
                                  ssem[b]).wait()

    plsc.subcore_barrier()
    r0 = sid * ROWS_PER_TILE
    pltpu.sync_copy(acc.at[pl.ds(r0, ROWS_PER_TILE)],
                    out_hbm.at[pl.ds(cid * NACC + r0, ROWS_PER_TILE)])


@functools.partial(
    pl.kernel,
    out_type=jax.ShapeDtypeStruct((2 * NACC, 16), jnp.float32),
    mesh=_mesh,
    compiler_params=pltpu.CompilerParams(use_tc_tiling_on_sc=False),
    scratch_types=[
        pltpu.VMEM((EC_CHUNKS, CHUNK), jnp.int32),
        pltpu.VMEM((EC_CHUNKS, CHUNK), jnp.int32),
        [pltpu.VMEM((CHUNK, 16), jnp.float32)
         for _ in range(NBUF)],
        pltpu.VMEM_SHARED((NACC, 16), jnp.float32),
        pltpu.VMEM_SHARED((NPAD, 16), jnp.float32),
        [pltpu.SemaphoreType.DMA for _ in range(NBUF)],
        [pltpu.SemaphoreType.DMA for _ in range(NBUF)],
    ],
)
def _sc_agg16(src_hbm, dst_hbm, table_hbm, zrows_hbm, out_hbm,
              src_v, dst_v, rows_v, acc, stab, gsem, ssem):
    cid = lax.axis_index("c")
    sid = lax.axis_index("s")
    wid = cid * 16 + sid

    pltpu.sync_copy(zrows_hbm, acc.at[pl.ds(sid * ROWS_PER_TILE,
                                            ROWS_PER_TILE)])
    t0 = sid * TAB_PER_TILE
    pltpu.sync_copy(table_hbm.at[pl.ds(t0, TAB_PER_TILE)],
                    stab.at[pl.ds(t0, TAB_PER_TILE)])
    base = wid * EC_CHUNKS
    pltpu.sync_copy(src_hbm.at[pl.ds(base, EC_CHUNKS)], src_v)
    pltpu.sync_copy(dst_hbm.at[pl.ds(base, EC_CHUNKS)], dst_v)
    plsc.subcore_barrier()

    for b in range(NBUF):
        pltpu.async_copy(stab.at[src_v.at[b]], rows_v[b], gsem[b])

    def body(j, carry):
        for b in range(NBUF):
            jj = j * NBUF + b
            pltpu.make_async_copy(table_hbm.at[src_v.at[0]],
                                  rows_v[b], gsem[b]).wait()
            pltpu.async_copy(rows_v[b], acc.at[dst_v.at[jj]], ssem[b],
                             add=True)
            b2 = (b - 2) % NBUF

            @pl.when(jj >= 2)
            def _():
                pltpu.make_async_copy(rows_v[b2], acc.at[dst_v.at[0]],
                                      ssem[b2]).wait()

            @pl.when(jnp.logical_and(jj >= 2, jj <= EC_CHUNKS - 3))
            def _():
                pltpu.async_copy(stab.at[src_v.at[jj + 2]],
                                 rows_v[b2], gsem[b2])
        return carry

    lax.fori_loop(0, EC_CHUNKS // NBUF, body, 0)
    for b in ((EC_CHUNKS - 2) % NBUF, (EC_CHUNKS - 1) % NBUF):
        pltpu.make_async_copy(rows_v[b], acc.at[dst_v.at[0]],
                              ssem[b]).wait()
    plsc.subcore_barrier()

    r0 = sid * ROWS_PER_TILE
    pltpu.sync_copy(acc.at[pl.ds(r0, ROWS_PER_TILE)],
                    out_hbm.at[pl.ds(cid * NACC + r0, ROWS_PER_TILE)])


@functools.partial(
    pl.kernel,
    out_type=jax.ShapeDtypeStruct((2 * NACC, 16), jnp.float32),
    mesh=_mesh,
    compiler_params=pltpu.CompilerParams(use_tc_tiling_on_sc=False),
    scratch_types=[
        pltpu.VMEM((EC_CHUNKS, CHUNK), jnp.int32),
        pltpu.VMEM((CHUNK, 16), jnp.float32),
        pltpu.VMEM_SHARED((NACC, 16), jnp.float32),
        pltpu.SemaphoreType.DMA,
    ],
)
def _sc_deg(dst_hbm, ones_hbm, zrows_hbm, out_hbm, dst_v, ones_v, acc, sem):
    cid = lax.axis_index("c")
    sid = lax.axis_index("s")
    wid = cid * 16 + sid

    pltpu.sync_copy(zrows_hbm, acc.at[pl.ds(sid * ROWS_PER_TILE,
                                            ROWS_PER_TILE)])
    pltpu.sync_copy(dst_hbm.at[pl.ds(wid * EC_CHUNKS, EC_CHUNKS)], dst_v)
    pltpu.sync_copy(ones_hbm, ones_v)
    plsc.subcore_barrier()

    def body(j, carry):
        pltpu.async_copy(ones_v, acc.at[dst_v.at[j]], sem, add=True)
        return carry

    lax.fori_loop(0, EC_CHUNKS, body, 0)

    def drain(j, carry):
        pltpu.make_async_copy(ones_v, acc.at[dst_v.at[0]], sem).wait()
        return carry

    lax.fori_loop(0, EC_CHUNKS, drain, 0)
    plsc.subcore_barrier()

    r0 = sid * ROWS_PER_TILE
    pltpu.sync_copy(acc.at[pl.ds(r0, ROWS_PER_TILE)],
                    out_hbm.at[pl.ds(cid * NACC + r0, ROWS_PER_TILE)])


def _tc_layer1(x, W1, degout):

    def body(x_ref, w_ref, deg_ref, g_ref, dinv_ref):
        deg = (deg_ref[0:N, 0:1] + deg_ref[NACC:NACC + N, 0:1] + 1.0)
        dinv = lax.rsqrt(deg)
        h = jnp.dot(x_ref[...], w_ref[...],
                    preferred_element_type=jnp.float32)
        g = h * dinv
        g_ref[0:N, :] = g[:, 0:64]
        g_ref[N:NPAD, :] = jnp.zeros((NPAD - N, 64), jnp.float32)
        g_ref[NPAD:NPAD + N, :] = g[:, 64:128]
        g_ref[NPAD + N:, :] = jnp.zeros((NPAD - N, 64), jnp.float32)
        dinv_ref[0:N, :] = dinv
        dinv_ref[N:, :] = jnp.ones((NPAD - N, 1), jnp.float32)

    return pl.pallas_call(
        body,
        out_shape=(
            jax.ShapeDtypeStruct((2 * NPAD, 64), jnp.float32),
            jax.ShapeDtypeStruct((NPAD, 1), jnp.float32),
        ),
    )(x, W1, degout)


def _tc_layer2(agg1, gtab, dinv, b1, W2p):

    def body(a_ref, g_ref, dinv_ref, b1_ref, w2_ref, g2_ref):
        dinv = dinv_ref[...]
        a = jnp.concatenate([a_ref[0:NPAD, :], a_ref[NACC:NACC + NPAD, :]],
                            axis=1)
        g = jnp.concatenate([g_ref[0:NPAD, :], g_ref[NPAD:2 * NPAD, :]],
                            axis=1)
        s = (a + g) * dinv + b1_ref[...]
        r = jnp.maximum(s, 0.0)
        p = jnp.dot(r, w2_ref[...], preferred_element_type=jnp.float32)
        row = lax.broadcasted_iota(jnp.int32, (NPAD, 1), 0)
        g2_ref[...] = jnp.where(row < N, p * dinv, 0.0)

    return pl.pallas_call(
        body,
        out_shape=jax.ShapeDtypeStruct((NPAD, 16), jnp.float32),
    )(agg1, gtab, dinv, b1, W2p)


def _tc_final(agg2, g2, dinv, b2p):
    def body(a_ref, g2_ref, dinv_ref, b2_ref, o_ref):
        o_ref[...] = ((a_ref[0:N, :] + a_ref[NACC:NACC + N, :]
                       + g2_ref[0:N, :]) * dinv_ref[0:N, :] + b2_ref[...])

    return pl.pallas_call(
        body,
        out_shape=jax.ShapeDtypeStruct((N, 16), jnp.float32),
    )(agg2, g2, dinv, b2p)


@jax.jit
def kernel(x, edge_index, W1, b1, W2, b2):
    src = edge_index[0].astype(jnp.int32)
    dst = edge_index[1].astype(jnp.int32)
    pad = jnp.full((EPAD - E,), PAD_SRC, jnp.int32)
    src2d = jnp.concatenate([src, pad]).reshape(EPAD // CHUNK, CHUNK)
    dst2d = jnp.concatenate([dst, jnp.full((EPAD - E,), PAD_DST, jnp.int32)]
                            ).reshape(EPAD // CHUNK, CHUNK)

    zrows64 = jnp.zeros((ROWS_PER_TILE, 64), jnp.float32)
    zrows16 = jnp.zeros((ROWS_PER_TILE, 16), jnp.float32)
    ones16 = jnp.ones((CHUNK, 16), jnp.float32)

    degout = _sc_deg(dst2d, ones16, zrows16)

    gtab, dinv = _tc_layer1(x, W1, degout)

    agg1 = _sc_agg_chan(src2d, dst2d, gtab, zrows64)

    W2p = jnp.zeros((128, 16), jnp.float32).at[:, :3].set(W2)
    b1r = b1.reshape(1, 128)
    g2 = _tc_layer2(agg1, gtab, dinv, b1r, W2p)

    agg2 = _sc_agg16(src2d, dst2d, g2, zrows16)

    b2p = jnp.zeros((1, 16), jnp.float32).at[0, :3].set(b2)
    out = _tc_final(agg2, g2, dinv, b2p)
    return out[:, :3]

# --- scband reference (transcript-rebuilt; emitter-appended) ---
"""Pipeline reference for scband-traffic-gcn-29549374996691 (READ-ONLY COPY).

The authoritative reference and input builder live on the scoring server;
editing this copy changes nothing except your own understanding.
"""

import jax, jax.numpy as jnp
import numpy as np

N_NODES = 10000
N_EDGES = 320000
IN_CH = 128
HID_CH = 128
OUT_CH = 3


def _gcn_conv(x, edge_index, W, b, num_nodes):
    # PyG GCNConv semantics (normalize=True, add_self_loops=True):
    # h = X @ W; out_i = sum_{j in N(i) U {i}} norm_ij * h_j + b
    h = x @ W
    src = edge_index[0]
    dst = edge_index[1]
    loops = jnp.arange(num_nodes, dtype=edge_index.dtype)
    src = jnp.concatenate([src, loops])
    dst = jnp.concatenate([dst, loops])
    ones = jnp.ones(src.shape[0], dtype=h.dtype)
    deg = jnp.zeros(num_nodes, dtype=h.dtype).at[dst].add(ones)
    dinv = jnp.where(deg > 0, 1.0 / jnp.sqrt(deg), 0.0)
    norm = dinv[src] * dinv[dst]
    msg = h[src] * norm[:, None]
    out = jax.ops.segment_sum(msg, dst, num_segments=num_nodes)
    return out + b


def setup_inputs(seed: int = 0) -> dict:
    key = jax.random.key(seed)
    k_x, k_ei, k_w1, k_b1, k_w2, k_b2 = jax.random.split(key, 6)
    x = jax.random.normal(k_x, (N_NODES, IN_CH), dtype=jnp.float32)
    edge_index = jax.random.randint(k_ei, (2, N_EDGES), 0, N_NODES, dtype=jnp.int64)
    # Glorot init like PyG GCNConv linear layers
    s1 = float(np.sqrt(6.0 / (IN_CH + HID_CH)))
    s2 = float(np.sqrt(6.0 / (HID_CH + OUT_CH)))
    W1 = jax.random.uniform(k_w1, (IN_CH, HID_CH), dtype=jnp.float32, minval=-s1, maxval=s1)
    b1 = jnp.zeros((HID_CH,), dtype=jnp.float32)
    W2 = jax.random.uniform(k_w2, (HID_CH, OUT_CH), dtype=jnp.float32, minval=-s2, maxval=s2)
    b2 = jnp.zeros((OUT_CH,), dtype=jnp.float32)
    return {"x": x, "edge_index": edge_index, "W1": W1, "b1": b1, "W2": W2, "b2": b2}


def reference(x, edge_index, W1, b1, W2, b2):
    h = _gcn_conv(x, edge_index, W1, b1, N_NODES)
    h = jax.nn.relu(h)
    # dropout is identity in eval mode (training=False)
    out = _gcn_conv(h, edge_index, W2, b2, N_NODES)
    return out

if __name__ == "__main__":
    import jax
    _d = setup_inputs()
    print(jax.jit(kernel)(*tuple(_d.values())))

</pallas_src>

<mosaic_0001>
#map = affine_map<(d0, d1) -> (0, 0)>
module attributes {stable_mosaic.version = 14 : i64} {
  func.func @_sc_deg(%arg0: i32, %arg1: i32, %arg2: memref<2560x128xi32, #tpu.memory_space<hbm>>, %arg3: memref<128x16xf32, #tpu.memory_space<hbm>>, %arg4: memref<640x16xf32, #tpu.memory_space<hbm>>, %arg5: memref<20480x16xf32, #tpu.memory_space<hbm>>, %arg6: memref<80x128xi32, #tpu.memory_space<vmem>>, %arg7: memref<128x16xf32, #tpu.memory_space<vmem>>, %arg8: memref<10240x16xf32, #tpu.memory_space<vmem_shared>>, %arg9: memref<!tpu.dma_semaphore, #tpu.memory_space<semaphore_mem>>) attributes {dimension_semantics = [#tpu.dimension_semantics<core_parallel>, #tpu.dimension_semantics<subcore_parallel>], iteration_bounds = array<i64: 2, 16>, scalar_prefetch = 0 : i64, scratch_operands = 4 : i64, tpu.core_type = #tpu.core_type<sc_vector_subcore>, window_params = [{transform_indices = #map}, {transform_indices = #map}, {transform_indices = #map}, {transform_indices = #map}]} {
    %mul3A = arith.constant 16 : i32
    %mul3A_0 = arith.muli %arg0, %mul3A : i32
    %add3A = arith.addi %mul3A_0, %arg1 : i32
    %mul3A_1 = arith.constant 640 : i32
    %mul3A_2 = arith.muli %arg1, %mul3A_1 : i32
    "tpu.region"() ({
      %run_scoped3A = tpu.sem_alloc : memref<!tpu.dma_semaphore, #tpu.memory_space<semaphore_mem>>
      %dma_start3A = arith.constant 0 : i32
      %dma_start3A_22 = tpu.memref_slice %arg8[%mul3A_2, %dma_start3A] : memref<10240x16xf32, #tpu.memory_space<vmem_shared>> -> memref<640x16xf32, #tpu.memory_space<vmem_shared>>
      tpu.enqueue_dma source(%arg4 : memref<640x16xf32, #tpu.memory_space<hbm>>) target(%dma_start3A_22 : memref<640x16xf32, #tpu.memory_space<vmem_shared>>) target_semaphore(%run_scoped3A : memref<!tpu.dma_semaphore, #tpu.memory_space<semaphore_mem>>)
      %dma_wait3A = arith.constant 0 : i32
      %dma_wait3A_23 = tpu.memref_slice %arg8[%mul3A_2, %dma_wait3A] : memref<10240x16xf32, #tpu.memory_space<vmem_shared>> -> memref<640x16xf32, #tpu.memory_space<vmem_shared>>
      tpu.wait_dma2 semaphore(%run_scoped3A : memref<!tpu.dma_semaphore, #tpu.memory_space<semaphore_mem>>) src(%arg4 : memref<640x16xf32, #tpu.memory_space<hbm>>) dst(%dma_wait3A_23 : memref<640x16xf32, #tpu.memory_space<vmem_shared>>)
      tpu.yield
    }) : () -> ()
    %mul3A_3 = arith.constant 80 : i32
    %mul3A_4 = arith.muli %add3A, %mul3A_3 : i32
    "tpu.region"() ({
      %run_scoped3A = tpu.sem_alloc : memref<!tpu.dma_semaphore, #tpu.memory_space<semaphore_mem>>
      %dma_start3A = arith.constant 0 : i32
      %dma_start3A_22 = tpu.memref_slice %arg2[%mul3A_4, %dma_start3A] : memref<2560x128xi32, #tpu.memory_space<hbm>> -> memref<80x128xi32, #tpu.memory_space<hbm>>
      %dma_start3A_23 = arith.constant 0 : i32
      %dma_start3A_24 = tpu.memref_slice %arg2[%mul3A_4, %dma_start3A_23] : memref<2560x128xi32, #tpu.memory_space<hbm>> -> memref<80x128xi32, #tpu.memory_space<hbm>>
      tpu.enqueue_dma source(%dma_start3A_24 : memref<80x128xi32, #tpu.memory_space<hbm>>) target(%arg6 : memref<80x128xi32, #tpu.memory_space<vmem>>) target_semaphore(%run_scoped3A : memref<!tpu.dma_semaphore, #tpu.memory_space<semaphore_mem>>)
      %dma_wait3A = arith.constant 0 : i32
      %dma_wait3A_25 = tpu.memref_slice %arg2[%mul3A_4, %dma_wait3A] : memref<2560x128xi32, #tpu.memory_space<hbm>> -> memref<80x128xi32, #tpu.memory_space<hbm>>
      %dma_wait3A_26 = arith.constant 0 : i32
      %dma_wait3A_27 = tpu.memref_slice %arg2[%mul3A_4, %dma_wait3A_26] : memref<2560x128xi32, #tpu.memory_space<hbm>> -> memref<80x128xi32, #tpu.memory_space<hbm>>
      tpu.wait_dma2 semaphore(%run_scoped3A : memref<!tpu.dma_semaphore, #tpu.memory_space<semaphore_mem>>) src(%dma_wait3A_27 : memref<80x128xi32, #tpu.memory_space<hbm>>) dst(%arg6 : memref<80x128xi32, #tpu.memory_space<vmem>>)
      tpu.yield
    }) : () -> ()
    "tpu.region"() ({
      %run_scoped3A = tpu.sem_alloc : memref<!tpu.dma_semaphore, #tpu.memory_space<semaphore_mem>>
      tpu.enqueue_dma source(%arg3 : memref<128x16xf32, #tpu.memory_space<hbm>>) target(%arg7 : memref<128x16xf32, #tpu.memory_space<vmem>>) target_semaphore(%run_scoped3A : memref<!tpu.dma_semaphore, #tpu.memory_space<semaphore_mem>>)
      tpu.wait_dma2 semaphore(%run_scoped3A : memref<!tpu.dma_semaphore, #tpu.memory_space<semaphore_mem>>) src(%arg3 : memref<128x16xf32, #tpu.memory_space<hbm>>) dst(%arg7 : memref<128x16xf32, #tpu.memory_space<vmem>>)
      tpu.yield
    }) : () -> ()
    %barrier3A = arith.constant 0 : index
    tpu.barrier barrier_id(%barrier3A)
    %scan3A = arith.constant 0 : i32
    %scan3A_5 = arith.constant 0 : i32
    %scan3A_6 = arith.constant 80 : i32
    %scan3A_7 = arith.addi %scan3A_5, %scan3A_6 : i32
    %scan3A_8 = arith.constant 1 : i32
    scf.for %scan3A_22 = %scan3A_5 to %scan3A_7 step %scan3A_8  : i32 {
      %dma_start3A = arith.constant 0 : i32
      %dma_start3A_23 = tpu.memref_slice %arg6[%scan3A_22, %dma_start3A] : memref<80x128xi32, #tpu.memory_space<vmem>> -> memref<1x128xi32, #tpu.memory_space<vmem>>
      %dma_start3A_24 = tpu.memref_squeeze %dma_start3A_23 : memref<1x128xi32, #tpu.memory_space<vmem>> -> memref<128xi32, #tpu.memory_space<vmem>>
      %dma_start3A_25 = arith.constant 0 : i32
      %dma_start3A_26 = arith.constant 0 : i32
      %dma_start3A_27 = tpu.memref_slice %arg8[%dma_start3A_25, %dma_start3A_26] : memref<10240x16xf32, #tpu.memory_space<vmem_shared>> -> memref<10240x16xf32, #tpu.memory_space<vmem_shared>>
      tpu.enqueue_indirect_dma source(%arg7 : memref<128x16xf32, #tpu.memory_space<vmem>>) target(%dma_start3A_27 : memref<10240x16xf32, #tpu.memory_space<vmem_shared>>) offsets(%dma_start3A_24 : memref<128xi32, #tpu.memory_space<vmem>>) semaphore(%arg9 : memref<!tpu.dma_semaphore, #tpu.memory_space<semaphore_mem>>) {add = true}
    }
    %scan3A_9 = arith.constant 80 : i32
    %scan3A_10 = arith.constant 0 : i32
    %scan3A_11 = arith.constant 0 : i32
    %scan3A_12 = arith.constant 80 : i32
    %scan3A_13 = arith.addi %scan3A_11, %scan3A_12 : i32
    %scan3A_14 = arith.constant 1 : i32
    scf.for %scan3A_22 = %scan3A_11 to %scan3A_13 step %scan3A_14  : i32 {
      %dma_wait3A = arith.constant 0 : i32
      %dma_wait3A_23 = arith.constant 0 : i32
      %dma_wait3A_24 = tpu.memref_slice %arg6[%dma_wait3A, %dma_wait3A_23] : memref<80x128xi32, #tpu.memory_space<vmem>> -> memref<1x128xi32, #tpu.memory_space<vmem>>
      %dma_wait3A_25 = tpu.memref_squeeze %dma_wait3A_24 : memref<1x128xi32, #tpu.memory_space<vmem>> -> memref<128xi32, #tpu.memory_space<vmem>>
      %dma_wait3A_26 = arith.constant 0 : i32
      %dma_wait3A_27 = arith.constant 0 : i32
      %dma_wait3A_28 = tpu.memref_slice %arg8[%dma_wait3A_26, %dma_wait3A_27] : memref<10240x16xf32, #tpu.memory_space<vmem_shared>> -> memref<10240x16xf32, #tpu.memory_space<vmem_shared>>
      tpu.wait_indirect_dma semaphore(%arg9 : memref<!tpu.dma_semaphore, #tpu.memory_space<semaphore_mem>>) src(%arg7 : memref<128x16xf32, #tpu.memory_space<vmem>>) dst(%dma_wait3A_28 : memref<10240x16xf32, #tpu.memory_space<vmem_shared>>)
    }
    %scan3A_15 = arith.constant 80 : i32
    %barrier3A_16 = arith.constant 0 : index
    tpu.barrier barrier_id(%barrier3A_16)
    %mul3A_17 = arith.constant 640 : i32
    %mul3A_18 = arith.muli %arg1, %mul3A_17 : i32
    %mul3A_19 = arith.constant 10240 : i32
    %mul3A_20 = arith.muli %arg0, %mul3A_19 : i32
    %add3A_21 = arith.addi %mul3A_20, %mul3A_18 : i32
    "tpu.region"() ({
      %run_scoped3A = tpu.sem_alloc : memref<!tpu.dma_semaphore, #tpu.memory_space<semaphore_mem>>
      %dma_start3A = arith.constant 0 : i32
      %dma_start3A_22 = tpu.memref_slice %arg5[%add3A_21, %dma_start3A] : memref<20480x16xf32, #tpu.memory_space<hbm>> -> memref<640x16xf32, #tpu.memory_space<hbm>>
      %dma_start3A_23 = arith.constant 0 : i32
      %dma_start3A_24 = tpu.memref_slice %arg8[%mul3A_18, %dma_start3A_23] : memref<10240x16xf32, #tpu.memory_space<vmem_shared>> -> memref<640x16xf32, #tpu.memory_space<vmem_shared>>
      tpu.enqueue_dma source(%dma_start3A_24 : memref<640x16xf32, #tpu.memory_space<vmem_shared>>) target(%dma_start3A_22 : memref<640x16xf32, #tpu.memory_space<hbm>>) target_semaphore(%run_scoped3A : memref<!tpu.dma_semaphore, #tpu.memory_space<semaphore_mem>>)
      %dma_wait3A = arith.constant 0 : i32
      %dma_wait3A_25 = tpu.memref_slice %arg5[%add3A_21, %dma_wait3A] : memref<20480x16xf32, #tpu.memory_space<hbm>> -> memref<640x16xf32, #tpu.memory_space<hbm>>
      %dma_wait3A_26 = arith.constant 0 : i32
      %dma_wait3A_27 = tpu.memref_slice %arg8[%mul3A_18, %dma_wait3A_26] : memref<10240x16xf32, #tpu.memory_space<vmem_shared>> -> memref<640x16xf32, #tpu.memory_space<vmem_shared>>
      tpu.wait_dma2 semaphore(%run_scoped3A : memref<!tpu.dma_semaphore, #tpu.memory_space<semaphore_mem>>) src(%dma_wait3A_27 : memref<640x16xf32, #tpu.memory_space<vmem_shared>>) dst(%dma_wait3A_25 : memref<640x16xf32, #tpu.memory_space<hbm>>)
      tpu.yield
    }) : () -> ()
    return
  }
}

#map = affine_map<(d0, d1) -> (0, 0)>
module attributes {stable_mosaic.version = 14 : i64} {
  func.func @_sc_agg_chan(%arg0: i32, %arg1: i32, %arg2: memref<2560x128xi32, #tpu.memory_space<hbm>>, %arg3: memref<2560x128xi32, #tpu.memory_space<hbm>>, %arg4: memref<20032x64xf32, #tpu.memory_space<hbm>>, %arg5: memref<640x64xf32, #tpu.memory_space<hbm>>, %arg6: memref<20480x64xf32, #tpu.memory_space<hbm>>, %arg7: memref<40x128xi32, #tpu.memory_space<vmem>>, %arg8: memref<40x128xi32, #tpu.memory_space<vmem>>, %arg9: memref<128x64xf32, #tpu.memory_space<vmem>>, %arg10: memref<128x64xf32, #tpu.memory_space<vmem>>, %arg11: memref<128x64xf32, #tpu.memory_space<vmem>>, %arg12: memref<128x64xf32, #tpu.memory_space<vmem>>, %arg13: memref<10240x64xf32, #tpu.memory_space<vmem_shared>>, %arg14: memref<10016x64xf32, #tpu.memory_space<vmem_shared>>, %arg15: memref<!tpu.dma_semaphore, #tpu.memory_space<semaphore_mem>>, %arg16: memref<!tpu.dma_semaphore, #tpu.memory_space<semaphore_mem>>, %arg17: memref<!tpu.dma_semaphore, #tpu.memory_space<semaphore_mem>>, %arg18: memref<!tpu.dma_semaphore, #tpu.memory_space<semaphore_mem>>, %arg19: memref<!tpu.dma_semaphore, #tpu.memory_space<semaphore_mem>>, %arg20: memref<!tpu.dma_semaphore, #tpu.memory_space<semaphore_mem>>, %arg21: memref<!tpu.dma_semaphore, #tpu.memory_space<semaphore_mem>>, %arg22: memref<!tpu.dma_semaphore, #tpu.memory_space<semaphore_mem>>) attributes {dimension_semantics = [#tpu.dimension_semantics<core_parallel>, #tpu.dimension_semantics<subcore_parallel>], iteration_bounds = array<i64: 2, 16>, scalar_prefetch = 0 : i64, scratch_operands = 16 : i64, tpu.core_type = #tpu.core_type<sc_vector_subcore>, window_params = [{transform_indices = #map}, {transform_indices = #map}, {transform_indices = #map}, {transform_indices = #map}, {transform_indices = #map}]} {
    %mul3A = arith.constant 640 : i32
    %mul3A_0 = arith.muli %arg1, %mul3A : i32
    "tpu.region"() ({
      %run_scoped3A = tpu.sem_alloc : memref<!tpu.dma_semaphore, #tpu.memory_space<semaphore_mem>>
      %dma_start3A_216 = arith.constant 0 : i32
      %dma_start3A_217 = tpu.memref_slice %arg13[%mul3A_0, %dma_start3A_216] : memref<10240x64xf32, #tpu.memory_space<vmem_shared>> -> memref<640x64xf32, #tpu.memory_space<vmem_shared>>
      tpu.enqueue_dma source(%arg5 : memref<640x64xf32, #tpu.memory_space<hbm>>) target(%dma_start3A_217 : memref<640x64xf32, #tpu.memory_space<vmem_shared>>) target_semaphore(%run_scoped3A : memref<!tpu.dma_semaphore, #tpu.memory_space<semaphore_mem>>)
      %dma_wait3A_218 = arith.constant 0 : i32
      %dma_wait3A_219 = tpu.memref_slice %arg13[%mul3A_0, %dma_wait3A_218] : memref<10240x64xf32, #tpu.memory_space<vmem_shared>> -> memref<640x64xf32, #tpu.memory_space<vmem_shared>>
      tpu.wait_dma2 semaphore(%run_scoped3A : memref<!tpu.dma_semaphore, #tpu.memory_space<semaphore_mem>>) src(%arg5 : memref<640x64xf32, #tpu.memory_space<hbm>>) dst(%dma_wait3A_219 : memref<640x64xf32, #tpu.memory_space<vmem_shared>>)
      tpu.yield
    }) : () -> ()
    %mul3A_1 = arith.constant 626 : i32
    %mul3A_2 = arith.muli %arg1, %mul3A_1 : i32
    %mul3A_3 = arith.constant 10016 : i32
    %mul3A_4 = arith.muli %arg0, %mul3A_3 : i32
    %add3A = arith.addi %mul3A_4, %mul3A_2 : i32
    "tpu.region"() ({
      %run_scoped3A = tpu.sem_alloc : memref<!tpu.dma_semaphore, #tpu.memory_space<semaphore_mem>>
      %dma_start3A_216 = arith.constant 0 : i32
      %dma_start3A_217 = tpu.memref_slice %arg14[%mul3A_2, %dma_start3A_216] : memref<10016x64xf32, #tpu.memory_space<vmem_shared>> -> memref<626x64xf32, #tpu.memory_space<vmem_shared>>
      %dma_start3A_218 = arith.constant 0 : i32
      %dma_start3A_219 = tpu.memref_slice %arg4[%add3A, %dma_start3A_218] : memref<20032x64xf32, #tpu.memory_space<hbm>> -> memref<626x64xf32, #tpu.memory_space<hbm>>
      tpu.enqueue_dma source(%dma_start3A_219 : memref<626x64xf32, #tpu.memory_space<hbm>>) target(%dma_start3A_217 : memref<626x64xf32, #tpu.memory_space<vmem_shared>>) target_semaphore(%run_scoped3A : memref<!tpu.dma_semaphore, #tpu.memory_space<semaphore_mem>>)
      %dma_wait3A_220 = arith.constant 0 : i32
      %dma_wait3A_221 = tpu.memref_slice %arg14[%mul3A_2, %dma_wait3A_220] : memref<10016x64xf32, #tpu.memory_space<vmem_shared>> -> memref<626x64xf32, #tpu.memory_space<vmem_shared>>
      %dma_wait3A_222 = arith.constant 0 : i32
      %dma_wait3A_223 = tpu.memref_slice %arg4[%add3A, %dma_wait3A_222] : memref<20032x64xf32, #tpu.memory_space<hbm>> -> memref<626x64xf32, #tpu.memory_space<hbm>>
      tpu.wait_dma2 semaphore(%run_scoped3A : memref<!tpu.dma_semaphore, #tpu.memory_space<semaphore_mem>>) src(%dma_wait3A_223 : memref<626x64xf32, #tpu.memory_space<hbm>>) dst(%dma_wait3A_221 : memref<626x64xf32, #tpu.memory_space<vmem_shared>>)
      tpu.yield
    }) : () -> ()
    %barrier3A = arith.constant 0 : index
    tpu.barrier barrier_id(%barrier3A)
    %mul3A_5 = arith.constant 160 : i32
    %mul3A_6 = arith.muli %arg1, %mul3A_5 : i32
    %add3A_7 = arith.constant 0 : i32
    %add3A_8 = arith.addi %mul3A_6, %add3A_7 : i32
    "tpu.region"() ({
      %run_scoped3A = tpu.sem_alloc : memref<!tpu.dma_semaphore, #tpu.memory_space<semaphore_mem>>
      %dma_start3A_216 = arith.constant 0 : i32
      %dma_start3A_217 = tpu.memref_slice %arg2[%add3A_8, %dma_start3A_216] : memref<2560x128xi32, #tpu.memory_space<hbm>> -> memref<40x128xi32, #tpu.memory_space<hbm>>
      %dma_start3A_218 = arith.constant 0 : i32
      %dma_start3A_219 = tpu.memref_slice %arg2[%add3A_8, %dma_start3A_218] : memref<2560x128xi32, #tpu.memory_space<hbm>> -> memref<40x128xi32, #tpu.memory_space<hbm>>
      tpu.enqueue_dma source(%dma_start3A_219 : memref<40x128xi32, #tpu.memory_space<hbm>>) target(%arg7 : memref<40x128xi32, #tpu.memory_space<vmem>>) target_semaphore(%run_scoped3A : memref<!tpu.dma_semaphore, #tpu.memory_space<semaphore_mem>>)
      %dma_wait3A_220 = arith.constant 0 : i32
      %dma_wait3A_221 = tpu.memref_slice %arg2[%add3A_8, %dma_wait3A_220] : memref<2560x128xi32, #tpu.memory_space<hbm>> -> memref<40x128xi32, #tpu.memory_space<hbm>>
      %dma_wait3A_222 = arith.constant 0 : i32
      %dma_wait3A_223 = tpu.memref_slice %arg2[%add3A_8, %dma_wait3A_222] : memref<2560x128xi32, #tpu.memory_space<hbm>> -> memref<40x128xi32, #tpu.memory_space<hbm>>
      tpu.wait_dma2 semaphore(%run_scoped3A : memref<!tpu.dma_semaphore, #tpu.memory_space<semaphore_mem>>) src(%dma_wait3A_223 : memref<40x128xi32, #tpu.memory_space<hbm>>) dst(%arg7 : memref<40x128xi32, #tpu.memory_space<vmem>>)
      tpu.yield
    }) : () -> ()
    "tpu.region"() ({
      %run_scoped3A = tpu.sem_alloc : memref<!tpu.dma_semaphore, #tpu.memory_space<semaphore_mem>>
      %dma_start3A_216 = arith.constant 0 : i32
      %dma_start3A_217 = tpu.memref_slice %arg3[%add3A_8, %dma_start3A_216] : memref<2560x128xi32, #tpu.memory_space<hbm>> -> memref<40x128xi32, #tpu.memory_space<hbm>>
      %dma_start3A_218 = arith.constant 0 : i32
      %dma_start3A_219 = tpu.memref_slice %arg3[%add3A_8, %dma_start3A_218] : memref<2560x128xi32, #tpu.memory_space<hbm>> -> memref<40x128xi32, #tpu.memory_space<hbm>>
      tpu.enqueue_dma source(%dma_start3A_219 : memref<40x128xi32, #tpu.memory_space<hbm>>) target(%arg8 : memref<40x128xi32, #tpu.memory_space<vmem>>) target_semaphore(%run_scoped3A : memref<!tpu.dma_semaphore, #tpu.memory_space<semaphore_mem>>)
      %dma_wait3A_220 = arith.constant 0 : i32
      %dma_wait3A_221 = tpu.memref_slice %arg3[%add3A_8, %dma_wait3A_220] : memref<2560x128xi32, #tpu.memory_space<hbm>> -> memref<40x128xi32, #tpu.memory_space<hbm>>
      %dma_wait3A_222 = arith.constant 0 : i32
      %dma_wait3A_223 = tpu.memref_slice %arg3[%add3A_8, %dma_wait3A_222] : memref<2560x128xi32, #tpu.memory_space<hbm>> -> memref<40x128xi32, #tpu.memory_space<hbm>>
      tpu.wait_dma2 semaphore(%run_scoped3A : memref<!tpu.dma_semaphore, #tpu.memory_space<semaphore_mem>>) src(%dma_wait3A_223 : memref<40x128xi32, #tpu.memory_space<hbm>>) dst(%arg8 : memref<40x128xi32, #tpu.memory_space<vmem>>)
      tpu.yield
    }) : () -> ()
    %dma_start3A = arith.constant 0 : i32
    %dma_start3A_9 = arith.constant 0 : i32
    %dma_start3A_10 = tpu.memref_slice %arg7[%dma_start3A, %dma_start3A_9] : memref<40x128xi32, #tpu.memory_space<vmem>> -> memref<1x128xi32, #tpu.memory_space<vmem>>
    %dma_start3A_11 = tpu.memref_squeeze %dma_start3A_10 : memref<1x128xi32, #tpu.memory_space<vmem>> -> memref<128xi32, #tpu.memory_space<vmem>>
    %dma_start3A_12 = arith.constant 0 : i32
    %dma_start3A_13 = arith.constant 0 : i32
    %dma_start3A_14 = tpu.memref_slice %arg14[%dma_start3A_12, %dma_start3A_13] : memref<10016x64xf32, #tpu.memory_space<vmem_shared>> -> memref<10016x64xf32, #tpu.memory_space<vmem_shared>>
    tpu.enqueue_indirect_dma source(%dma_start3A_14 : memref<10016x64xf32, #tpu.memory_space<vmem_shared>>) target(%arg9 : memref<128x64xf32, #tpu.memory_space<vmem>>) offsets(%dma_start3A_11 : memref<128xi32, #tpu.memory_space<vmem>>) semaphore(%arg15 : memref<!tpu.dma_semaphore, #tpu.memory_space<semaphore_mem>>)
    %dma_start3A_15 = arith.constant 1 : i32
    %dma_start3A_16 = arith.constant 0 : i32
    %dma_start3A_17 = tpu.memref_slice %arg7[%dma_start3A_15, %dma_start3A_16] : memref<40x128xi32, #tpu.memory_space<vmem>> -> memref<1x128xi32, #tpu.memory_space<vmem>>
    %dma_start3A_18 = tpu.memref_squeeze %dma_start3A_17 : memref<1x128xi32, #tpu.memory_space<vmem>> -> memref<128xi32, #tpu.memory_space<vmem>>
    %dma_start3A_19 = arith.constant 0 : i32
    %dma_start3A_20 = arith.constant 0 : i32
    %dma_start3A_21 = tpu.memref_slice %arg14[%dma_start3A_19, %dma_start3A_20] : memref<10016x64xf32, #tpu.memory_space<vmem_shared>> -> memref<10016x64xf32, #tpu.memory_space<vmem_shared>>
    tpu.enqueue_indirect_dma source(%dma_start3A_21 : memref<10016x64xf32, #tpu.memory_space<vmem_shared>>) target(%arg10 : memref<128x64xf32, #tpu.memory_space<vmem>>) offsets(%dma_start3A_18 : memref<128xi32, #tpu.memory_space<vmem>>) semaphore(%arg16 : memref<!tpu.dma_semaphore, #tpu.memory_space<semaphore_mem>>)
    %dma_start3A_22 = arith.constant 2 : i32
    %dma_start3A_23 = arith.constant 0 : i32
    %dma_start3A_24 = tpu.memref_slice %arg7[%dma_start3A_22, %dma_start3A_23] : memref<40x128xi32, #tpu.memory_space<vmem>> -> memref<1x128xi32, #tpu.memory_space<vmem>>
    %dma_start3A_25 = tpu.memref_squeeze %dma_start3A_24 : memref<1x128xi32, #tpu.memory_space<vmem>> -> memref<128xi32, #tpu.memory_space<vmem>>
    %dma_start3A_26 = arith.constant 0 : i32
    %dma_start3A_27 = arith.constant 0 : i32
    %dma_start3A_28 = tpu.memref_slice %arg14[%dma_start3A_26, %dma_start3A_27] : memref<10016x64xf32, #tpu.memory_space<vmem_shared>> -> memref<10016x64xf32, #tpu.memory_space<vmem_shared>>
    tpu.enqueue_indirect_dma source(%dma_start3A_28 : memref<10016x64xf32, #tpu.memory_space<vmem_shared>>) target(%arg11 : memref<128x64xf32, #tpu.memory_space<vmem>>) offsets(%dma_start3A_25 : memref<128xi32, #tpu.memory_space<vmem>>) semaphore(%arg17 : memref<!tpu.dma_semaphore, #tpu.memory_space<semaphore_mem>>)
    %dma_start3A_29 = arith.constant 3 : i32
    %dma_start3A_30 = arith.constant 0 : i32
    %dma_start3A_31 = tpu.memref_slice %arg7[%dma_start3A_29, %dma_start3A_30] : memref<40x128xi32, #tpu.memory_space<vmem>> -> memref<1x128xi32, #tpu.memory_space<vmem>>
    %dma_start3A_32 = tpu.memref_squeeze %dma_start3A_31 : memref<1x128xi32, #tpu.memory_space<vmem>> -> memref<128xi32, #tpu.memory_space<vmem>>
    %dma_start3A_33 = arith.constant 0 : i32
    %dma_start3A_34 = arith.constant 0 : i32
    %dma_start3A_35 = tpu.memref_slice %arg14[%dma_start3A_33, %dma_start3A_34] : memref<10016x64xf32, #tpu.memory_space<vmem_shared>> -> memref<10016x64xf32, #tpu.memory_space<vmem_shared>>
    tpu.enqueue_indirect_dma source(%dma_start3A_35 : memref<10016x64xf32, #tpu.memory_space<vmem_shared>>) target(%arg12 : memref<128x64xf32, #tpu.memory_space<vmem>>) offsets(%dma_start3A_32 : memref<128xi32, #tpu.memory_space<vmem>>) semaphore(%arg18 : memref<!tpu.dma_semaphore, #tpu.memory_space<semaphore_mem>>)
    %scan3A = arith.constant 0 : i32
    %scan3A_36 = arith.constant 0 : i32
    %scan3A_37 = arith.constant 10 : i32
    %scan3A_38 = arith.addi %scan3A_36, %scan3A_37 : i32
    %scan3A_39 = arith.constant 1 : i32
    scf.for %scan3A_216 = %scan3A_36 to %scan3A_38 step %scan3A_39  : i32 {
      %mul3A_217 = arith.constant 4 : i32
      %mul3A_218 = arith.muli %scan3A_216, %mul3A_217 : i32
      %add3A_219 = arith.constant 0 : i32
      %add3A_220 = arith.addi %mul3A_218, %add3A_219 : i32
      %dma_wait3A_221 = arith.constant 0 : i32
      %dma_wait3A_222 = arith.constant 0 : i32
      %dma_wait3A_223 = tpu.memref_slice %arg7[%dma_wait3A_221, %dma_wait3A_222] : memref<40x128xi32, #tpu.memory_space<vmem>> -> memref<1x128xi32, #tpu.memory_space<vmem>>
      %dma_wait3A_224 = tpu.memref_squeeze %dma_wait3A_223 : memref<1x128xi32, #tpu.memory_space<vmem>> -> memref<128xi32, #tpu.memory_space<vmem>>
      %dma_wait3A_225 = arith.constant 0 : i32
      %dma_wait3A_226 = arith.constant 0 : i32
      %dma_wait3A_227 = tpu.memref_slice %arg4[%dma_wait3A_225, %dma_wait3A_226] : memref<20032x64xf32, #tpu.memory_space<hbm>> -> memref<20032x64xf32, #tpu.memory_space<hbm>>
      tpu.wait_indirect_dma semaphore(%arg15 : memref<!tpu.dma_semaphore, #tpu.memory_space<semaphore_mem>>) src(%dma_wait3A_227 : memref<20032x64xf32, #tpu.memory_space<hbm>>) dst(%arg9 : memref<128x64xf32, #tpu.memory_space<vmem>>)
      %dma_start3A_228 = arith.constant 0 : i32
      %dma_start3A_229 = tpu.memref_slice %arg8[%add3A_220, %dma_start3A_228] : memref<40x128xi32, #tpu.memory_space<vmem>> -> memref<1x128xi32, #tpu.memory_space<vmem>>
      %dma_start3A_230 = tpu.memref_squeeze %dma_start3A_229 : memref<1x128xi32, #tpu.memory_space<vmem>> -> memref<128xi32, #tpu.memory_space<vmem>>
      %dma_start3A_231 = arith.constant 0 : i32
      %dma_start3A_232 = arith.constant 0 : i32
      %dma_start3A_233 = tpu.memref_slice %arg13[%dma_start3A_231, %dma_start3A_232] : memref<10240x64xf32, #tpu.memory_space<vmem_shared>> -> memref<10240x64xf32, #tpu.memory_space<vmem_shared>>
      tpu.enqueue_indirect_dma source(%arg9 : memref<128x64xf32, #tpu.memory_space<vmem>>) target(%dma_start3A_233 : memref<10240x64xf32, #tpu.memory_space<vmem_shared>>) offsets(%dma_start3A_230 : memref<128xi32, #tpu.memory_space<vmem>>) semaphore(%arg19 : memref<!tpu.dma_semaphore, #tpu.memory_space<semaphore_mem>>) {add = true}
      %ge3A = arith.constant 2 : i32
      %ge3A_234 = arith.cmpi sge, %add3A_220, %ge3A : i32
      %convert_element_type3A = arith.extui %ge3A_234 : i1 to i32
      %cond3A = arith.constant 0 : i32
      %cond3A_235 = arith.cmpi ne, %convert_element_type3A, %cond3A : i32
      scf.if %cond3A_235 {
        %dma_wait3A_332 = arith.constant 0 : i32
        %dma_wait3A_333 = arith.constant 0 : i32
        %dma_wait3A_334 = tpu.memref_slice %arg8[%dma_wait3A_332, %dma_wait3A_333] : memref<40x128xi32, #tpu.memory_space<vmem>> -> memref<1x128xi32, #tpu.memory_space<vmem>>
        %dma_wait3A_335 = tpu.memref_squeeze %dma_wait3A_334 : memref<1x128xi32, #tpu.memory_space<vmem>> -> memref<128xi32, #tpu.memory_space<vmem>>
        %dma_wait3A_336 = arith.constant 0 : i32
        %dma_wait3A_337 = arith.constant 0 : i32
        %dma_wait3A_338 = tpu.memref_slice %arg13[%dma_wait3A_336, %dma_wait3A_337] : memref<10240x64xf32, #tpu.memory_space<vmem_shared>> -> memref<10240x64xf32, #tpu.memory_space<vmem_shared>>
        tpu.wait_indirect_dma semaphore(%arg21 : memref<!tpu.dma_semaphore, #tpu.memory_space<semaphore_mem>>) src(%arg11 : memref<128x64xf32, #tpu.memory_space<vmem>>) dst(%dma_wait3A_338 : memref<10240x64xf32, #tpu.memory_space<vmem_shared>>)
      } else {
      }
      %ge3A_236 = arith.constant 2 : i32
      %ge3A_237 = arith.cmpi sge, %add3A_220, %ge3A_236 : i32
      %le3A = arith.constant 37 : i32
      %le3A_238 = arith.cmpi sle, %add3A_220, %le3A : i32
      %and3A = arith.andi %ge3A_237, %le3A_238 : i1
      %convert_element_type3A_239 = arith.extui %and3A : i1 to i32
      %cond3A_240 = arith.constant 0 : i32
      %cond3A_241 = arith.cmpi ne, %convert_element_type3A_239, %cond3A_240 : i32
      scf.if %cond3A_241 {
        %add3A_332 = arith.constant 2 : i32
        %add3A_333 = arith.addi %add3A_220, %add3A_332 : i32
        %dma_start3A_334 = arith.constant 0 : i32
        %dma_start3A_335 = tpu.memref_slice %arg7[%add3A_333, %dma_start3A_334] : memref<40x128xi32, #tpu.memory_space<vmem>> -> memref<1x128xi32, #tpu.memory_space<vmem>>
        %dma_start3A_336 = tpu.memref_squeeze %dma_start3A_335 : memref<1x128xi32, #tpu.memory_space<vmem>> -> memref<128xi32, #tpu.memory_space<vmem>>
        %dma_start3A_337 = arith.constant 0 : i32
        %dma_start3A_338 = arith.constant 0 : i32
        %dma_start3A_339 = tpu.memref_slice %arg14[%dma_start3A_337, %dma_start3A_338] : memref<10016x64xf32, #tpu.memory_space<vmem_shared>> -> memref<10016x64xf32, #tpu.memory_space<vmem_shared>>
        tpu.enqueue_indirect_dma source(%dma_start3A_339 : memref<10016x64xf32, #tpu.memory_space<vmem_shared>>) target(%arg11 : memref<128x64xf32, #tpu.memory_space<vmem>>) offsets(%dma_start3A_336 : memref<128xi32, #tpu.memory_space<vmem>>) semaphore(%arg17 : memref<!tpu.dma_semaphore, #tpu.memory_space<semaphore_mem>>)
      } else {
      }
      %mul3A_242 = arith.constant 4 : i32
      %mul3A_243 = arith.muli %scan3A_216, %mul3A_242 : i32
      %add3A_244 = arith.constant 1 : i32
      %add3A_245 = arith.addi %mul3A_243, %add3A_244 : i32
      %dma_wait3A_246 = arith.constant 0 : i32
      %dma_wait3A_247 = arith.constant 0 : i32
      %dma_wait3A_248 = tpu.memref_slice %arg7[%dma_wait3A_246, %dma_wait3A_247] : memref<40x128xi32, #tpu.memory_space<vmem>> -> memref<1x128xi32, #tpu.memory_space<vmem>>
      %dma_wait3A_249 = tpu.memref_squeeze %dma_wait3A_248 : memref<1x128xi32, #tpu.memory_space<vmem>> -> memref<128xi32, #tpu.memory_space<vmem>>
      %dma_wait3A_250 = arith.constant 0 : i32
      %dma_wait3A_251 = arith.constant 0 : i32
      %dma_wait3A_252 = tpu.memref_slice %arg4[%dma_wait3A_250, %dma_wait3A_251] : memref<20032x64xf32, #tpu.memory_space<hbm>> -> memref<20032x64xf32, #tpu.memory_space<hbm>>
      tpu.wait_indirect_dma semaphore(%arg16 : memref<!tpu.dma_semaphore, #tpu.memory_space<semaphore_mem>>) src(%dma_wait3A_252 : memref<20032x64xf32, #tpu.memory_space<hbm>>) dst(%arg10 : memref<128x64xf32, #tpu.memory_space<vmem>>)
      %dma_start3A_253 = arith.constant 0 : i32
      %dma_start3A_254 = tpu.memref_slice %arg8[%add3A_245, %dma_start3A_253] : memref<40x128xi32, #tpu.memory_space<vmem>> -> memref<1x128xi32, #tpu.memory_space<vmem>>
      %dma_start3A_255 = tpu.memref_squeeze %dma_start3A_254 : memref<1x128xi32, #tpu.memory_space<vmem>> -> memref<128xi32, #tpu.memory_space<vmem>>
      %dma_start3A_256 = arith.constant 0 : i32
      %dma_start3A_257 = arith.constant 0 : i32
      %dma_start3A_258 = tpu.memref_slice %arg13[%dma_start3A_256, %dma_start3A_257] : memref<10240x64xf32, #tpu.memory_space<vmem_shared>> -> memref<10240x64xf32, #tpu.memory_space<vmem_shared>>
      tpu.enqueue_indirect_dma source(%arg10 : memref<128x64xf32, #tpu.memory_space<vmem>>) target(%dma_start3A_258 : memref<10240x64xf32, #tpu.memory_space<vmem_shared>>) offsets(%dma_start3A_255 : memref<128xi32, #tpu.memory_space<vmem>>) semaphore(%arg20 : memref<!tpu.dma_semaphore, #tpu.memory_space<semaphore_mem>>) {add = true}
      %ge3A_259 = arith.constant 2 : i32
      %ge3A_260 = arith.cmpi sge, %add3A_245, %ge3A_259 : i32
      %convert_element_type3A_261 = arith.extui %ge3A_260 : i1 to i32
      %cond3A_262 = arith.constant 0 : i32
      %cond3A_263 = arith.cmpi ne, %convert_element_type3A_261, %cond3A_262 : i32
      scf.if %cond3A_263 {
        %dma_wait3A_332 = arith.constant 0 : i32
        %dma_wait3A_333 = arith.constant 0 : i32
        %dma_wait3A_334 = tpu.memref_slice %arg8[%dma_wait3A_332, %dma_wait3A_333] : memref<40x128xi32, #tpu.memory_space<vmem>> -> memref<1x128xi32, #tpu.memory_space<vmem>>
        %dma_wait3A_335 = tpu.memref_squeeze %dma_wait3A_334 : memref<1x128xi32, #tpu.memory_space<vmem>> -> memref<128xi32, #tpu.memory_space<vmem>>
        %dma_wait3A_336 = arith.constant 0 : i32
        %dma_wait3A_337 = arith.constant 0 : i32
        %dma_wait3A_338 = tpu.memref_slice %arg13[%dma_wait3A_336, %dma_wait3A_337] : memref<10240x64xf32, #tpu.memory_space<vmem_shared>> -> memref<10240x64xf32, #tpu.memory_space<vmem_shared>>
        tpu.wait_indirect_dma semaphore(%arg22 : memref<!tpu.dma_semaphore, #tpu.memory_space<semaphore_mem>>) src(%arg12 : memref<128x64xf32, #tpu.memory_space<vmem>>) dst(%dma_wait3A_338 : memref<10240x64xf32, #tpu.memory_space<vmem_shared>>)
      } else {
      }
      %ge3A_264 = arith.constant 2 : i32
      %ge3A_265 = arith.cmpi sge, %add3A_245, %ge3A_264 : i32
      %le3A_266 = arith.constant 37 : i32
      %le3A_267 = arith.cmpi sle, %add3A_245, %le3A_266 : i32
      %and3A_268 = arith.andi %ge3A_265, %le3A_267 : i1
      %convert_element_type3A_269 = arith.extui %and3A_268 : i1 to i32
      %cond3A_270 = arith.constant 0 : i32
      %cond3A_271 = arith.cmpi ne, %convert_element_type3A_269, %cond3A_270 : i32
      scf.if %cond3A_271 {
        %add3A_332 = arith.constant 2 : i32
        %add3A_333 = arith.addi %add3A_245, %add3A_332 : i32
        %dma_start3A_334 = arith.constant 0 : i32
        %dma_start3A_335 = tpu.memref_slice %arg7[%add3A_333, %dma_start3A_334] : memref<40x128xi32, #tpu.memory_space<vmem>> -> memref<1x128xi32, #tpu.memory_space<vmem>>
        %dma_start3A_336 = tpu.memref_squeeze %dma_start3A_335 : memref<1x128xi32, #tpu.memory_space<vmem>> -> memref<128xi32, #tpu.memory_space<vmem>>
        %dma_start3A_337 = arith.constant 0 : i32
        %dma_start3A_338 = arith.constant 0 : i32
        %dma_start3A_339 = tpu.memref_slice %arg14[%dma_start3A_337, %dma_start3A_338] : memref<10016x64xf32, #tpu.memory_space<vmem_shared>> -> memref<10016x64xf32, #tpu.memory_space<vmem_shared>>
        tpu.enqueue_indirect_dma source(%dma_start3A_339 : memref<10016x64xf32, #tpu.memory_space<vmem_shared>>) target(%arg12 : memref<128x64xf32, #tpu.memory_space<vmem>>) offsets(%dma_start3A_336 : memref<128xi32, #tpu.memory_space<vmem>>) semaphore(%arg18 : memref<!tpu.dma_semaphore, #tpu.memory_space<semaphore_mem>>)
      } else {
      }
      %mul3A_272 = arith.constant 4 : i32
      %mul3A_273 = arith.muli %scan3A_216, %mul3A_272 : i32
      %add3A_274 = arith.constant 2 : i32
      %add3A_275 = arith.addi %mul3A_273, %add3A_274 : i32
      %dma_wait3A_276 = arith.constant 0 : i32
      %dma_wait3A_277 = arith.constant 0 : i32
      %dma_wait3A_278 = tpu.memref_slice %arg7[%dma_wait3A_276, %dma_wait3A_277] : memref<40x128xi32, #tpu.memory_space<vmem>> -> memref<1x128xi32, #tpu.memory_space<vmem>>
      %dma_wait3A_279 = tpu.memref_squeeze %dma_wait3A_278 : memref<1x128xi32, #tpu.memory_space<vmem>> -> memref<128xi32, #tpu.memory_space<vmem>>
      %dma_wait3A_280 = arith.constant 0 : i32
      %dma_wait3A_281 = arith.constant 0 : i32
      %dma_wait3A_282 = tpu.memref_slice %arg4[%dma_wait3A_280, %dma_wait3A_281] : memref<20032x64xf32, #tpu.memory_space<hbm>> -> memref<20032x64xf32, #tpu.memory_space<hbm>>
      tpu.wait_indirect_dma semaphore(%arg17 : memref<!tpu.dma_semaphore, #tpu.memory_space<semaphore_mem>>) src(%dma_wait3A_282 : memref<20032x64xf32, #tpu.memory_space<hbm>>) dst(%arg11 : memref<128x64xf32, #tpu.memory_space<vmem>>)
      %dma_start3A_283 = arith.constant 0 : i32
      %dma_start3A_284 = tpu.memref_slice %arg8[%add3A_275, %dma_start3A_283] : memref<40x128xi32, #tpu.memory_space<vmem>> -> memref<1x128xi32, #tpu.memory_space<vmem>>
      %dma_start3A_285 = tpu.memref_squeeze %dma_start3A_284 : memref<1x128xi32, #tpu.memory_space<vmem>> -> memref<128xi32, #tpu.memory_space<vmem>>
      %dma_start3A_286 = arith.constant 0 : i32
      %dma_start3A_287 = arith.constant 0 : i32
      %dma_start3A_288 = tpu.memref_slice %arg13[%dma_start3A_286, %dma_start3A_287] : memref<10240x64xf32, #tpu.memory_space<vmem_shared>> -> memref<10240x64xf32, #tpu.memory_space<vmem_shared>>
      tpu.enqueue_indirect_dma source(%arg11 : memref<128x64xf32, #tpu.memory_space<vmem>>) target(%dma_start3A_288 : memref<10240x64xf32, #tpu.memory_space<vmem_shared>>) offsets(%dma_start3A_285 : memref<128xi32, #tpu.memory_space<vmem>>) semaphore(%arg21 : memref<!tpu.dma_semaphore, #tpu.memory_space<semaphore_mem>>) {add = true}
      %ge3A_289 = arith.constant 2 : i32
      %ge3A_290 = arith.cmpi sge, %add3A_275, %ge3A_289 : i32
      %convert_element_type3A_291 = arith.extui %ge3A_290 : i1 to i32
      %cond3A_292 = arith.constant 0 : i32
      %cond3A_293 = arith.cmpi ne, %convert_element_type3A_291, %cond3A_292 : i32
      scf.if %cond3A_293 {
        %dma_wait3A_332 = arith.constant 0 : i32
        %dma_wait3A_333 = arith.constant 0 : i32
        %dma_wait3A_334 = tpu.memref_slice %arg8[%dma_wait3A_332, %dma_wait3A_333] : memref<40x128xi32, #tpu.memory_space<vmem>> -> memref<1x128xi32, #tpu.memory_space<vmem>>
        %dma_wait3A_335 = tpu.memref_squeeze %dma_wait3A_334 : memref<1x128xi32, #tpu.memory_space<vmem>> -> memref<128xi32, #tpu.memory_space<vmem>>
        %dma_wait3A_336 = arith.constant 0 : i32
        %dma_wait3A_337 = arith.constant 0 : i32
        %dma_wait3A_338 = tpu.memref_slice %arg13[%dma_wait3A_336, %dma_wait3A_337] : memref<10240x64xf32, #tpu.memory_space<vmem_shared>> -> memref<10240x64xf32, #tpu.memory_space<vmem_shared>>
        tpu.wait_indirect_dma semaphore(%arg19 : memref<!tpu.dma_semaphore, #tpu.memory_space<semaphore_mem>>) src(%arg9 : memref<128x64xf32, #tpu.memory_space<vmem>>) dst(%dma_wait3A_338 : memref<10240x64xf32, #tpu.memory_space<vmem_shared>>)
      } else {
      }
      %ge3A_294 = arith.constant 2 : i32
      %ge3A_295 = arith.cmpi sge, %add3A_275, %ge3A_294 : i32
      %le3A_296 = arith.constant 37 : i32
      %le3A_297 = arith.cmpi sle, %add3A_275, %le3A_296 : i32
      %and3A_298 = arith.andi %ge3A_295, %le3A_297 : i1
      %convert_element_type3A_299 = arith.extui %and3A_298 : i1 to i32
      %cond3A_300 = arith.constant 0 : i32
      %cond3A_301 = arith.cmpi ne, %convert_element_type3A_299, %cond3A_300 : i32
      scf.if %cond3A_301 {
        %add3A_332 = arith.constant 2 : i32
        %add3A_333 = arith.addi %add3A_275, %add3A_332 : i32
        %dma_start3A_334 = arith.constant 0 : i32
        %dma_start3A_335 = tpu.memref_slice %arg7[%add3A_333, %dma_start3A_334] : memref<40x128xi32, #tpu.memory_space<vmem>> -> memref<1x128xi32, #tpu.memory_space<vmem>>
        %dma_start3A_336 = tpu.memref_squeeze %dma_start3A_335 : memref<1x128xi32, #tpu.memory_space<vmem>> -> memref<128xi32, #tpu.memory_space<vmem>>
        %dma_start3A_337 = arith.constant 0 : i32
        %dma_start3A_338 = arith.constant 0 : i32
        %dma_start3A_339 = tpu.memref_slice %arg14[%dma_start3A_337, %dma_start3A_338] : memref<10016x64xf32, #tpu.memory_space<vmem_shared>> -> memref<10016x64xf32, #tpu.memory_space<vmem_shared>>
        tpu.enqueue_indirect_dma source(%dma_start3A_339 : memref<10016x64xf32, #tpu.memory_space<vmem_shared>>) target(%arg9 : memref<128x64xf32, #tpu.memory_space<vmem>>) offsets(%dma_start3A_336 : memref<128xi32, #tpu.memory_space<vmem>>) semaphore(%arg15 : memref<!tpu.dma_semaphore, #tpu.memory_space<semaphore_mem>>)
      } else {
      }
      %mul3A_302 = arith.constant 4 : i32
      %mul3A_303 = arith.muli %scan3A_216, %mul3A_302 : i32
      %add3A_304 = arith.constant 3 : i32
      %add3A_305 = arith.addi %mul3A_303, %add3A_304 : i32
      %dma_wait3A_306 = arith.constant 0 : i32
      %dma_wait3A_307 = arith.constant 0 : i32
      %dma_wait3A_308 = tpu.memref_slice %arg7[%dma_wait3A_306, %dma_wait3A_307] : memref<40x128xi32, #tpu.memory_space<vmem>> -> memref<1x128xi32, #tpu.memory_space<vmem>>
      %dma_wait3A_309 = tpu.memref_squeeze %dma_wait3A_308 : memref<1x128xi32, #tpu.memory_space<vmem>> -> memref<128xi32, #tpu.memory_space<vmem>>
      %dma_wait3A_310 = arith.constant 0 : i32
      %dma_wait3A_311 = arith.constant 0 : i32
      %dma_wait3A_312 = tpu.memref_slice %arg4[%dma_wait3A_310, %dma_wait3A_311] : memref<20032x64xf32, #tpu.memory_space<hbm>> -> memref<20032x64xf32, #tpu.memory_space<hbm>>
      tpu.wait_indirect_dma semaphore(%arg18 : memref<!tpu.dma_semaphore, #tpu.memory_space<semaphore_mem>>) src(%dma_wait3A_312 : memref<20032x64xf32, #tpu.memory_space<hbm>>) dst(%arg12 : memref<128x64xf32, #tpu.memory_space<vmem>>)
      %dma_start3A_313 = arith.constant 0 : i32
      %dma_start3A_314 = tpu.memref_slice %arg8[%add3A_305, %dma_start3A_313] : memref<40x128xi32, #tpu.memory_space<vmem>> -> memref<1x128xi32, #tpu.memory_space<vmem>>
      %dma_start3A_315 = tpu.memref_squeeze %dma_start3A_314 : memref<1x128xi32, #tpu.memory_space<vmem>> -> memref<128xi32, #tpu.memory_space<vmem>>
      %dma_start3A_316 = arith.constant 0 : i32
      %dma_start3A_317 = arith.constant 0 : i32
      %dma_start3A_318 = tpu.memref_slice %arg13[%dma_start3A_316, %dma_start3A_317] : memref<10240x64xf32, #tpu.memory_space<vmem_shared>> -> memref<10240x64xf32, #tpu.memory_space<vmem_shared>>
      tpu.enqueue_indirect_dma source(%arg12 : memref<128x64xf32, #tpu.memory_space<vmem>>) target(%dma_start3A_318 : memref<10240x64xf32, #tpu.memory_space<vmem_shared>>) offsets(%dma_start3A_315 : memref<128xi32, #tpu.memory_space<vmem>>) semaphore(%arg22 : memref<!tpu.dma_semaphore, #tpu.memory_space<semaphore_mem>>) {add = true}
      %ge3A_319 = arith.constant 2 : i32
      %ge3A_320 = arith.cmpi sge, %add3A_305, %ge3A_319 : i32
      %convert_element_type3A_321 = arith.extui %ge3A_320 : i1 to i32
      %cond3A_322 = arith.constant 0 : i32
      %cond3A_323 = arith.cmpi ne, %convert_element_type3A_321, %cond3A_322 : i32
      scf.if %cond3A_323 {
        %dma_wait3A_332 = arith.constant 0 : i32
        %dma_wait3A_333 = arith.constant 0 : i32
        %dma_wait3A_334 = tpu.memref_slice %arg8[%dma_wait3A_332, %dma_wait3A_333] : memref<40x128xi32, #tpu.memory_space<vmem>> -> memref<1x128xi32, #tpu.memory_space<vmem>>
        %dma_wait3A_335 = tpu.memref_squeeze %dma_wait3A_334 : memref<1x128xi32, #tpu.memory_space<vmem>> -> memref<128xi32, #tpu.memory_space<vmem>>
        %dma_wait3A_336 = arith.constant 0 : i32
        %dma_wait3A_337 = arith.constant 0 : i32
        %dma_wait3A_338 = tpu.memref_slice %arg13[%dma_wait3A_336, %dma_wait3A_337] : memref<10240x64xf32, #tpu.memory_space<vmem_shared>> -> memref<10240x64xf32, #tpu.memory_space<vmem_shared>>
        tpu.wait_indirect_dma semaphore(%arg20 : memref<!tpu.dma_semaphore, #tpu.memory_space<semaphore_mem>>) src(%arg10 : memref<128x64xf32, #tpu.memory_space<vmem>>) dst(%dma_wait3A_338 : memref<10240x64xf32, #tpu.memory_space<vmem_shared>>)
      } else {
      }
      %ge3A_324 = arith.constant 2 : i32
      %ge3A_325 = arith.cmpi sge, %add3A_305, %ge3A_324 : i32
      %le3A_326 = arith.constant 37 : i32
      %le3A_327 = arith.cmpi sle, %add3A_305, %le3A_326 : i32
      %and3A_328 = arith.andi %ge3A_325, %le3A_327 : i1
      %convert_element_type3A_329 = arith.extui %and3A_328 : i1 to i32
      %cond3A_330 = arith.constant 0 : i32
      %cond3A_331 = arith.cmpi ne, %convert_element_type3A_329, %cond3A_330 : i32
      scf.if %cond3A_331 {
        %add3A_332 = arith.constant 2 : i32
        %add3A_333 = arith.addi %add3A_305, %add3A_332 : i32
        %dma_start3A_334 = arith.constant 0 : i32
        %dma_start3A_335 = tpu.memref_slice %arg7[%add3A_333, %dma_start3A_334] : memref<40x128xi32, #tpu.memory_space<vmem>> -> memref<1x128xi32, #tpu.memory_space<vmem>>
        %dma_start3A_336 = tpu.memref_squeeze %dma_start3A_335 : memref<1x128xi32, #tpu.memory_space<vmem>> -> memref<128xi32, #tpu.memory_space<vmem>>
        %dma_start3A_337 = arith.constant 0 : i32
        %dma_start3A_338 = arith.constant 0 : i32
        %dma_start3A_339 = tpu.memref_slice %arg14[%dma_start3A_337, %dma_start3A_338] : memref<10016x64xf32, #tpu.memory_space<vmem_shared>> -> memref<10016x64xf32, #tpu.memory_space<vmem_shared>>
        tpu.enqueue_indirect_dma source(%dma_start3A_339 : memref<10016x64xf32, #tpu.memory_space<vmem_shared>>) target(%arg10 : memref<128x64xf32, #tpu.memory_space<vmem>>) offsets(%dma_start3A_336 : memref<128xi32, #tpu.memory_space<vmem>>) semaphore(%arg16 : memref<!tpu.dma_semaphore, #tpu.memory_space<semaphore_mem>>)
      } else {
      }
    }
    %scan3A_40 = arith.constant 10 : i32
    %dma_wait3A = arith.constant 0 : i32
    %dma_wait3A_41 = arith.constant 0 : i32
    %dma_wait3A_42 = tpu.memref_slice %arg8[%dma_wait3A, %dma_wait3A_41] : memref<40x128xi32, #tpu.memory_space<vmem>> -> memref<1x128xi32, #tpu.memory_space<vmem>>
    %dma_wait3A_43 = tpu.memref_squeeze %dma_wait3A_42 : memref<1x128xi32, #tpu.memory_space<vmem>> -> memref<128xi32, #tpu.memory_space<vmem>>
    %dma_wait3A_44 = arith.constant 0 : i32
    %dma_wait3A_45 = arith.constant 0 : i32
    %dma_wait3A_46 = tpu.memref_slice %arg13[%dma_wait3A_44, %dma_wait3A_45] : memref<10240x64xf32, #tpu.memory_space<vmem_shared>> -> memref<10240x64xf32, #tpu.memory_space<vmem_shared>>
    tpu.wait_indirect_dma semaphore(%arg21 : memref<!tpu.dma_semaphore, #tpu.memory_space<semaphore_mem>>) src(%arg11 : memref<128x64xf32, #tpu.memory_space<vmem>>) dst(%dma_wait3A_46 : memref<10240x64xf32, #tpu.memory_space<vmem_shared>>)
    %dma_wait3A_47 = arith.constant 0 : i32
    %dma_wait3A_48 = arith.constant 0 : i32
    %dma_wait3A_49 = tpu.memref_slice %arg8[%dma_wait3A_47, %dma_wait3A_48] : memref<40x128xi32, #tpu.memory_space<vmem>> -> memref<1x128xi32, #tpu.memory_space<vmem>>
    %dma_wait3A_50 = tpu.memref_squeeze %dma_wait3A_49 : memref<1x128xi32, #tpu.memory_space<vmem>> -> memref<128xi32, #tpu.memory_space<vmem>>
    %dma_wait3A_51 = arith.constant 0 : i32
    %dma_wait3A_52 = arith.constant 0 : i32
    %dma_wait3A_53 = tpu.memref_slice %arg13[%dma_wait3A_51, %dma_wait3A_52] : memref<10240x64xf32, #tpu.memory_space<vmem_shared>> -> memref<10240x64xf32, #tpu.memory_space<vmem_shared>>
    tpu.wait_indirect_dma semaphore(%arg22 : memref<!tpu.dma_semaphore, #tpu.memory_space<semaphore_mem>>) src(%arg12 : memref<128x64xf32, #tpu.memory_space<vmem>>) dst(%dma_wait3A_53 : memref<10240x64xf32, #tpu.memory_space<vmem_shared>>)
    %mul3A_54 = arith.constant 160 : i32
    %mul3A_55 = arith.muli %arg1, %mul3A_54 : i32
    %add3A_56 = arith.constant 40 : i32
    %add3A_57 = arith.addi %mul3A_55, %add3A_56 : i32
    "tpu.region"() ({
      %run_scoped3A = tpu.sem_alloc : memref<!tpu.dma_semaphore, #tpu.memory_space<semaphore_mem>>
      %dma_start3A_216 = arith.constant 0 : i32
      %dma_start3A_217 = tpu.memref_slice %arg2[%add3A_57, %dma_start3A_216] : memref<2560x128xi32, #tpu.memory_space<hbm>> -> memref<40x128xi32, #tpu.memory_space<hbm>>
      %dma_start3A_218 = arith.constant 0 : i32
      %dma_start3A_219 = tpu.memref_slice %arg2[%add3A_57, %dma_start3A_218] : memref<2560x128xi32, #tpu.memory_space<hbm>> -> memref<40x128xi32, #tpu.memory_space<hbm>>
      tpu.enqueue_dma source(%dma_start3A_219 : memref<40x128xi32, #tpu.memory_space<hbm>>) target(%arg7 : memref<40x128xi32, #tpu.memory_space<vmem>>) target_semaphore(%run_scoped3A : memref<!tpu.dma_semaphore, #tpu.memory_space<semaphore_mem>>)
      %dma_wait3A_220 = arith.constant 0 : i32
      %dma_wait3A_221 = tpu.memref_slice %arg2[%add3A_57, %dma_wait3A_220] : memref<2560x128xi32, #tpu.memory_space<hbm>> -> memref<40x128xi32, #tpu.memory_space<hbm>>
      %dma_wait3A_222 = arith.constant 0 : i32
      %dma_wait3A_223 = tpu.memref_slice %arg2[%add3A_57, %dma_wait3A_222] : memref<2560x128xi32, #tpu.memory_space<hbm>> -> memref<40x128xi32, #tpu.memory_space<hbm>>
      tpu.wait_dma2 semaphore(%run_scoped3A : memref<!tpu.dma_semaphore, #tpu.memory_space<semaphore_mem>>) src(%dma_wait3A_223 : memref<40x128xi32, #tpu.memory_space<hbm>>) dst(%arg7 : memref<40x128xi32, #tpu.memory_space<vmem>>)
      tpu.yield
    }) : () -> ()
    "tpu.region"() ({
      %run_scoped3A = tpu.sem_alloc : memref<!tpu.dma_semaphore, #tpu.memory_space<semaphore_mem>>
      %dma_start3A_216 = arith.constant 0 : i32
      %dma_start3A_217 = tpu.memref_slice %arg3[%add3A_57, %dma_start3A_216] : memref<2560x128xi32, #tpu.memory_space<hbm>> -> memref<40x128xi32, #tpu.memory_space<hbm>>
      %dma_start3A_218 = arith.constant 0 : i32
      %dma_start3A_219 = tpu.memref_slice %arg3[%add3A_57, %dma_start3A_218] : memref<2560x128xi32, #tpu.memory_space<hbm>> -> memref<40x128xi32, #tpu.memory_space<hbm>>
      tpu.enqueue_dma source(%dma_start3A_219 : memref<40x128xi32, #tpu.memory_space<hbm>>) target(%arg8 : memref<40x128xi32, #tpu.memory_space<vmem>>) target_semaphore(%run_scoped3A : memref<!tpu.dma_semaphore, #tpu.memory_space<semaphore_mem>>)
      %dma_wait3A_220 = arith.constant 0 : i32
      %dma_wait3A_221 = tpu.memref_slice %arg3[%add3A_57, %dma_wait3A_220] : memref<2560x128xi32, #tpu.memory_space<hbm>> -> memref<40x128xi32, #tpu.memory_space<hbm>>
      %dma_wait3A_222 = arith.constant 0 : i32
      %dma_wait3A_223 = tpu.memref_slice %arg3[%add3A_57, %dma_wait3A_222] : memref<2560x128xi32, #tpu.memory_space<hbm>> -> memref<40x128xi32, #tpu.memory_space<hbm>>
      tpu.wait_dma2 semaphore(%run_scoped3A : memref<!tpu.dma_semaphore, #tpu.memory_space<semaphore_mem>>) src(%dma_wait3A_223 : memref<40x128xi32, #tpu.memory_space<hbm>>) dst(%arg8 : memref<40x128xi32, #tpu.memory_space<vmem>>)
      tpu.yield
    }) : () -> ()
    %dma_start3A_58 = arith.constant 0 : i32
    %dma_start3A_59 = arith.constant 0 : i32
    %dma_start3A_60 = tpu.memref_slice %arg7[%dma_start3A_58, %dma_start3A_59] : memref<40x128xi32, #tpu.memory_space<vmem>> -> memref<1x128xi32, #tpu.memory_space<vmem>>
    %dma_start3A_61 = tpu.memref_squeeze %dma_start3A_60 : memref<1x128xi32, #tpu.memory_space<vmem>> -> memref<128xi32, #tpu.memory_space<vmem>>
    %dma_start3A_62 = arith.constant 0 : i32
    %dma_start3A_63 = arith.constant 0 : i32
    %dma_start3A_64 = tpu.memref_slice %arg14[%dma_start3A_62, %dma_start3A_63] : memref<10016x64xf32, #tpu.memory_space<vmem_shared>> -> memref<10016x64xf32, #tpu.memory_space<vmem_shared>>
    tpu.enqueue_indirect_dma source(%dma_start3A_64 : memref<10016x64xf32, #tpu.memory_space<vmem_shared>>) target(%arg9 : memref<128x64xf32, #tpu.memory_space<vmem>>) offsets(%dma_start3A_61 : memref<128xi32, #tpu.memory_space<vmem>>) semaphore(%arg15 : memref<!tpu.dma_semaphore, #tpu.memory_space<semaphore_mem>>)
    %dma_start3A_65 = arith.constant 1 : i32
    %dma_start3A_66 = arith.constant 0 : i32
    %dma_start3A_67 = tpu.memref_slice %arg7[%dma_start3A_65, %dma_start3A_66] : memref<40x128xi32, #tpu.memory_space<vmem>> -> memref<1x128xi32, #tpu.memory_space<vmem>>
    %dma_start3A_68 = tpu.memref_squeeze %dma_start3A_67 : memref<1x128xi32, #tpu.memory_space<vmem>> -> memref<128xi32, #tpu.memory_space<vmem>>
    %dma_start3A_69 = arith.constant 0 : i32
    %dma_start3A_70 = arith.constant 0 : i32
    %dma_start3A_71 = tpu.memref_slice %arg14[%dma_start3A_69, %dma_start3A_70] : memref<10016x64xf32, #tpu.memory_space<vmem_shared>> -> memref<10016x64xf32, #tpu.memory_space<vmem_shared>>
    tpu.enqueue_indirect_dma source(%dma_start3A_71 : memref<10016x64xf32, #tpu.memory_space<vmem_shared>>) target(%arg10 : memref<128x64xf32, #tpu.memory_space<vmem>>) offsets(%dma_start3A_68 : memref<128xi32, #tpu.memory_space<vmem>>) semaphore(%arg16 : memref<!tpu.dma_semaphore, #tpu.memory_space<semaphore_mem>>)
    %dma_start3A_72 = arith.constant 2 : i32
    %dma_start3A_73 = arith.constant 0 : i32
    %dma_start3A_74 = tpu.memref_slice %arg7[%dma_start3A_72, %dma_start3A_73] : memref<40x128xi32, #tpu.memory_space<vmem>> -> memref<1x128xi32, #tpu.memory_space<vmem>>
    %dma_start3A_75 = tpu.memref_squeeze %dma_start3A_74 : memref<1x128xi32, #tpu.memory_space<vmem>> -> memref<128xi32, #tpu.memory_space<vmem>>
    %dma_start3A_76 = arith.constant 0 : i32
    %dma_start3A_77 = arith.constant 0 : i32
    %dma_start3A_78 = tpu.memref_slice %arg14[%dma_start3A_76, %dma_start3A_77] : memref<10016x64xf32, #tpu.memory_space<vmem_shared>> -> memref<10016x64xf32, #tpu.memory_space<vmem_shared>>
    tpu.enqueue_indirect_dma source(%dma_start3A_78 : memref<10016x64xf32, #tpu.memory_space<vmem_shared>>) target(%arg11 : memref<128x64xf32, #tpu.memory_space<vmem>>) offsets(%dma_start3A_75 : memref<128xi32, #tpu.memory_space<vmem>>) semaphore(%arg17 : memref<!tpu.dma_semaphore, #tpu.memory_space<semaphore_mem>>)
    %dma_start3A_79 = arith.constant 3 : i32
    %dma_start3A_80 = arith.constant 0 : i32
    %dma_start3A_81 = tpu.memref_slice %arg7[%dma_start3A_79, %dma_start3A_80] : memref<40x128xi32, #tpu.memory_space<vmem>> -> memref<1x128xi32, #tpu.memory_space<vmem>>
    %dma_start3A_82 = tpu.memref_squeeze %dma_start3A_81 : memref<1x128xi32, #tpu.memory_space<vmem>> -> memref<128xi32, #tpu.memory_space<vmem>>
    %dma_start3A_83 = arith.constant 0 : i32
    %dma_start3A_84 = arith.constant 0 : i32
    %dma_start3A_85 = tpu.memref_slice %arg14[%dma_start3A_83, %dma_start3A_84] : memref<10016x64xf32, #tpu.memory_space<vmem_shared>> -> memref<10016x64xf32, #tpu.memory_space<vmem_shared>>
    tpu.enqueue_indirect_dma source(%dma_start3A_85 : memref<10016x64xf32, #tpu.memory_space<vmem_shared>>) target(%arg12 : memref<128x64xf32, #tpu.memory_space<vmem>>) offsets(%dma_start3A_82 : memref<128xi32, #tpu.memory_space<vmem>>) semaphore(%arg18 : memref<!tpu.dma_semaphore, #tpu.memory_space<semaphore_mem>>)
    %scan3A_86 = arith.constant 0 : i32
    %scan3A_87 = arith.constant 0 : i32
    %scan3A_88 = arith.constant 10 : i32
    %scan3A_89 = arith.addi %scan3A_87, %scan3A_88 : i32
    %scan3A_90 = arith.constant 1 : i32
    scf.for %scan3A_216 = %scan3A_87 to %scan3A_89 step %scan3A_90  : i32 {
      %mul3A_217 = arith.constant 4 : i32
      %mul3A_218 = arith.muli %scan3A_216, %mul3A_217 : i32
      %add3A_219 = arith.constant 0 : i32
      %add3A_220 = arith.addi %mul3A_218, %add3A_219 : i32
      %dma_wait3A_221 = arith.constant 0 : i32
      %dma_wait3A_222 = arith.constant 0 : i32
      %dma_wait3A_223 = tpu.memref_slice %arg7[%dma_wait3A_221, %dma_wait3A_222] : memref<40x128xi32, #tpu.memory_space<vmem>> -> memref<1x128xi32, #tpu.memory_space<vmem>>
      %dma_wait3A_224 = tpu.memref_squeeze %dma_wait3A_223 : memref<1x128xi32, #tpu.memory_space<vmem>> -> memref<128xi32, #tpu.memory_space<vmem>>
      %dma_wait3A_225 = arith.constant 0 : i32
      %dma_wait3A_226 = arith.constant 0 : i32
      %dma_wait3A_227 = tpu.memref_slice %arg4[%dma_wait3A_225, %dma_wait3A_226] : memref<20032x64xf32, #tpu.memory_space<hbm>> -> memref<20032x64xf32, #tpu.memory_space<hbm>>
      tpu.wait_indirect_dma semaphore(%arg15 : memref<!tpu.dma_semaphore, #tpu.memory_space<semaphore_mem>>) src(%dma_wait3A_227 : memref<20032x64xf32, #tpu.memory_space<hbm>>) dst(%arg9 : memref<128x64xf32, #tpu.memory_space<vmem>>)
      %dma_start3A_228 = arith.constant 0 : i32
      %dma_start3A_229 = tpu.memref_slice %arg8[%add3A_220, %dma_start3A_228] : memref<40x128xi32, #tpu.memory_space<vmem>> -> memref<1x128xi32, #tpu.memory_space<vmem>>
      %dma_start3A_230 = tpu.memref_squeeze %dma_start3A_229 : memref<1x128xi32, #tpu.memory_space<vmem>> -> memref<128xi32, #tpu.memory_space<vmem>>
      %dma_start3A_231 = arith.constant 0 : i32
      %dma_start3A_232 = arith.constant 0 : i32
      %dma_start3A_233 = tpu.memref_slice %arg13[%dma_start3A_231, %dma_start3A_232] : memref<10240x64xf32, #tpu.memory_space<vmem_shared>> -> memref<10240x64xf32, #tpu.memory_space<vmem_shared>>
      tpu.enqueue_indirect_dma source(%arg9 : memref<128x64xf32, #tpu.memory_space<vmem>>) target(%dma_start3A_233 : memref<10240x64xf32, #tpu.memory_space<vmem_shared>>) offsets(%dma_start3A_230 : memref<128xi32, #tpu.memory_space<vmem>>) semaphore(%arg19 : memref<!tpu.dma_semaphore, #tpu.memory_space<semaphore_mem>>) {add = true}
      %ge3A = arith.constant 2 : i32
      %ge3A_234 = arith.cmpi sge, %add3A_220, %ge3A : i32
      %convert_element_type3A = arith.extui %ge3A_234 : i1 to i32
      %cond3A = arith.constant 0 : i32
      %cond3A_235 = arith.cmpi ne, %convert_element_type3A, %cond3A : i32
      scf.if %cond3A_235 {
        %dma_wait3A_332 = arith.constant 0 : i32
        %dma_wait3A_333 = arith.constant 0 : i32
        %dma_wait3A_334 = tpu.memref_slice %arg8[%dma_wait3A_332, %dma_wait3A_333] : memref<40x128xi32, #tpu.memory_space<vmem>> -> memref<1x128xi32, #tpu.memory_space<vmem>>
        %dma_wait3A_335 = tpu.memref_squeeze %dma_wait3A_334 : memref<1x128xi32, #tpu.memory_space<vmem>> -> memref<128xi32, #tpu.memory_space<vmem>>
        %dma_wait3A_336 = arith.constant 0 : i32
        %dma_wait3A_337 = arith.constant 0 : i32
        %dma_wait3A_338 = tpu.memref_slice %arg13[%dma_wait3A_336, %dma_wait3A_337] : memref<10240x64xf32, #tpu.memory_space<vmem_shared>> -> memref<10240x64xf32, #tpu.memory_space<vmem_shared>>
        tpu.wait_indirect_dma semaphore(%arg21 : memref<!tpu.dma_semaphore, #tpu.memory_space<semaphore_mem>>) src(%arg11 : memref<128x64xf32, #tpu.memory_space<vmem>>) dst(%dma_wait3A_338 : memref<10240x64xf32, #tpu.memory_space<vmem_shared>>)
      } else {
      }
      %ge3A_236 = arith.constant 2 : i32
      %ge3A_237 = arith.cmpi sge, %add3A_220, %ge3A_236 : i32
      %le3A = arith.constant 37 : i32
      %le3A_238 = arith.cmpi sle, %add3A_220, %le3A : i32
      %and3A = arith.andi %ge3A_237, %le3A_238 : i1
      %convert_element_type3A_239 = arith.extui %and3A : i1 to i32
      %cond3A_240 = arith.constant 0 : i32
      %cond3A_241 = arith.cmpi ne, %convert_element_type3A_239, %cond3A_240 : i32
      scf.if %cond3A_241 {
        %add3A_332 = arith.constant 2 : i32
        %add3A_333 = arith.addi %add3A_220, %add3A_332 : i32
        %dma_start3A_334 = arith.constant 0 : i32
        %dma_start3A_335 = tpu.memref_slice %arg7[%add3A_333, %dma_start3A_334] : memref<40x128xi32, #tpu.memory_space<vmem>> -> memref<1x128xi32, #tpu.memory_space<vmem>>
        %dma_start3A_336 = tpu.memref_squeeze %dma_start3A_335 : memref<1x128xi32, #tpu.memory_space<vmem>> -> memref<128xi32, #tpu.memory_space<vmem>>
        %dma_start3A_337 = arith.constant 0 : i32
        %dma_start3A_338 = arith.constant 0 : i32
        %dma_start3A_339 = tpu.memref_slice %arg14[%dma_start3A_337, %dma_start3A_338] : memref<10016x64xf32, #tpu.memory_space<vmem_shared>> -> memref<10016x64xf32, #tpu.memory_space<vmem_shared>>
        tpu.enqueue_indirect_dma source(%dma_start3A_339 : memref<10016x64xf32, #tpu.memory_space<vmem_shared>>) target(%arg11 : memref<128x64xf32, #tpu.memory_space<vmem>>) offsets(%dma_start3A_336 : memref<128xi32, #tpu.memory_space<vmem>>) semaphore(%arg17 : memref<!tpu.dma_semaphore, #tpu.memory_space<semaphore_mem>>)
      } else {
      }
      %mul3A_242 = arith.constant 4 : i32
      %mul3A_243 = arith.muli %scan3A_216, %mul3A_242 : i32
      %add3A_244 = arith.constant 1 : i32
      %add3A_245 = arith.addi %mul3A_243, %add3A_244 : i32
      %dma_wait3A_246 = arith.constant 0 : i32
      %dma_wait3A_247 = arith.constant 0 : i32
      %dma_wait3A_248 = tpu.memref_slice %arg7[%dma_wait3A_246, %dma_wait3A_247] : memref<40x128xi32, #tpu.memory_space<vmem>> -> memref<1x128xi32, #tpu.memory_space<vmem>>
      %dma_wait3A_249 = tpu.memref_squeeze %dma_wait3A_248 : memref<1x128xi32, #tpu.memory_space<vmem>> -> memref<128xi32, #tpu.memory_space<vmem>>
      %dma_wait3A_250 = arith.constant 0 : i32
      %dma_wait3A_251 = arith.constant 0 : i32
      %dma_wait3A_252 = tpu.memref_slice %arg4[%dma_wait3A_250, %dma_wait3A_251] : memref<20032x64xf32, #tpu.memory_space<hbm>> -> memref<20032x64xf32, #tpu.memory_space<hbm>>
      tpu.wait_indirect_dma semaphore(%arg16 : memref<!tpu.dma_semaphore, #tpu.memory_space<semaphore_mem>>) src(%dma_wait3A_252 : memref<20032x64xf32, #tpu.memory_space<hbm>>) dst(%arg10 : memref<128x64xf32, #tpu.memory_space<vmem>>)
      %dma_start3A_253 = arith.constant 0 : i32
      %dma_start3A_254 = tpu.memref_slice %arg8[%add3A_245, %dma_start3A_253] : memref<40x128xi32, #tpu.memory_space<vmem>> -> memref<1x128xi32, #tpu.memory_space<vmem>>
      %dma_start3A_255 = tpu.memref_squeeze %dma_start3A_254 : memref<1x128xi32, #tpu.memory_space<vmem>> -> memref<128xi32, #tpu.memory_space<vmem>>
      %dma_start3A_256 = arith.constant 0 : i32
      %dma_start3A_257 = arith.constant 0 : i32
      %dma_start3A_258 = tpu.memref_slice %arg13[%dma_start3A_256, %dma_start3A_257] : memref<10240x64xf32, #tpu.memory_space<vmem_shared>> -> memref<10240x64xf32, #tpu.memory_space<vmem_shared>>
      tpu.enqueue_indirect_dma source(%arg10 : memref<128x64xf32, #tpu.memory_space<vmem>>) target(%dma_start3A_258 : memref<10240x64xf32, #tpu.memory_space<vmem_shared>>) offsets(%dma_start3A_255 : memref<128xi32, #tpu.memory_space<vmem>>) semaphore(%arg20 : memref<!tpu.dma_semaphore, #tpu.memory_space<semaphore_mem>>) {add = true}
      %ge3A_259 = arith.constant 2 : i32
      %ge3A_260 = arith.cmpi sge, %add3A_245, %ge3A_259 : i32
      %convert_element_type3A_261 = arith.extui %ge3A_260 : i1 to i32
      %cond3A_262 = arith.constant 0 : i32
      %cond3A_263 = arith.cmpi ne, %convert_element_type3A_261, %cond3A_262 : i32
      scf.if %cond3A_263 {
        %dma_wait3A_332 = arith.constant 0 : i32
        %dma_wait3A_333 = arith.constant 0 : i32
        %dma_wait3A_334 = tpu.memref_slice %arg8[%dma_wait3A_332, %dma_wait3A_333] : memref<40x128xi32, #tpu.memory_space<vmem>> -> memref<1x128xi32, #tpu.memory_space<vmem>>
        %dma_wait3A_335 = tpu.memref_squeeze %dma_wait3A_334 : memref<1x128xi32, #tpu.memory_space<vmem>> -> memref<128xi32, #tpu.memory_space<vmem>>
        %dma_wait3A_336 = arith.constant 0 : i32
        %dma_wait3A_337 = arith.constant 0 : i32
        %dma_wait3A_338 = tpu.memref_slice %arg13[%dma_wait3A_336, %dma_wait3A_337] : memref<10240x64xf32, #tpu.memory_space<vmem_shared>> -> memref<10240x64xf32, #tpu.memory_space<vmem_shared>>
        tpu.wait_indirect_dma semaphore(%arg22 : memref<!tpu.dma_semaphore, #tpu.memory_space<semaphore_mem>>) src(%arg12 : memref<128x64xf32, #tpu.memory_space<vmem>>) dst(%dma_wait3A_338 : memref<10240x64xf32, #tpu.memory_space<vmem_shared>>)
      } else {
      }
      %ge3A_264 = arith.constant 2 : i32
      %ge3A_265 = arith.cmpi sge, %add3A_245, %ge3A_264 : i32
      %le3A_266 = arith.constant 37 : i32
      %le3A_267 = arith.cmpi sle, %add3A_245, %le3A_266 : i32
      %and3A_268 = arith.andi %ge3A_265, %le3A_267 : i1
      %convert_element_type3A_269 = arith.extui %and3A_268 : i1 to i32
      %cond3A_270 = arith.constant 0 : i32
      %cond3A_271 = arith.cmpi ne, %convert_element_type3A_269, %cond3A_270 : i32
      scf.if %cond3A_271 {
        %add3A_332 = arith.constant 2 : i32
        %add3A_333 = arith.addi %add3A_245, %add3A_332 : i32
        %dma_start3A_334 = arith.constant 0 : i32
        %dma_start3A_335 = tpu.memref_slice %arg7[%add3A_333, %dma_start3A_334] : memref<40x128xi32, #tpu.memory_space<vmem>> -> memref<1x128xi32, #tpu.memory_space<vmem>>
        %dma_start3A_336 = tpu.memref_squeeze %dma_start3A_335 : memref<1x128xi32, #tpu.memory_space<vmem>> -> memref<128xi32, #tpu.memory_space<vmem>>
        %dma_start3A_337 = arith.constant 0 : i32
        %dma_start3A_338 = arith.constant 0 : i32
        %dma_start3A_339 = tpu.memref_slice %arg14[%dma_start3A_337, %dma_start3A_338] : memref<10016x64xf32, #tpu.memory_space<vmem_shared>> -> memref<10016x64xf32, #tpu.memory_space<vmem_shared>>
        tpu.enqueue_indirect_dma source(%dma_start3A_339 : memref<10016x64xf32, #tpu.memory_space<vmem_shared>>) target(%arg12 : memref<128x64xf32, #tpu.memory_space<vmem>>) offsets(%dma_start3A_336 : memref<128xi32, #tpu.memory_space<vmem>>) semaphore(%arg18 : memref<!tpu.dma_semaphore, #tpu.memory_space<semaphore_mem>>)
      } else {
      }
      %mul3A_272 = arith.constant 4 : i32
      %mul3A_273 = arith.muli %scan3A_216, %mul3A_272 : i32
      %add3A_274 = arith.constant 2 : i32
      %add3A_275 = arith.addi %mul3A_273, %add3A_274 : i32
      %dma_wait3A_276 = arith.constant 0 : i32
      %dma_wait3A_277 = arith.constant 0 : i32
      %dma_wait3A_278 = tpu.memref_slice %arg7[%dma_wait3A_276, %dma_wait3A_277] : memref<40x128xi32, #tpu.memory_space<vmem>> -> memref<1x128xi32, #tpu.memory_space<vmem>>
      %dma_wait3A_279 = tpu.memref_squeeze %dma_wait3A_278 : memref<1x128xi32, #tpu.memory_space<vmem>> -> memref<128xi32, #tpu.memory_space<vmem>>
      %dma_wait3A_280 = arith.constant 0 : i32
      %dma_wait3A_281 = arith.constant 0 : i32
      %dma_wait3A_282 = tpu.memref_slice %arg4[%dma_wait3A_280, %dma_wait3A_281] : memref<20032x64xf32, #tpu.memory_space<hbm>> -> memref<20032x64xf32, #tpu.memory_space<hbm>>
      tpu.wait_indirect_dma semaphore(%arg17 : memref<!tpu.dma_semaphore, #tpu.memory_space<semaphore_mem>>) src(%dma_wait3A_282 : memref<20032x64xf32, #tpu.memory_space<hbm>>) dst(%arg11 : memref<128x64xf32, #tpu.memory_space<vmem>>)
      %dma_start3A_283 = arith.constant 0 : i32
      %dma_start3A_284 = tpu.memref_slice %arg8[%add3A_275, %dma_start3A_283] : memref<40x128xi32, #tpu.memory_space<vmem>> -> memref<1x128xi32, #tpu.memory_space<vmem>>
      %dma_start3A_285 = tpu.memref_squeeze %dma_start3A_284 : memref<1x128xi32, #tpu.memory_space<vmem>> -> memref<128xi32, #tpu.memory_space<vmem>>
      %dma_start3A_286 = arith.constant 0 : i32
      %dma_start3A_287 = arith.constant 0 : i32
      %dma_start3A_288 = tpu.memref_slice %arg13[%dma_start3A_286, %dma_start3A_287] : memref<10240x64xf32, #tpu.memory_space<vmem_shared>> -> memref<10240x64xf32, #tpu.memory_space<vmem_shared>>
      tpu.enqueue_indirect_dma source(%arg11 : memref<128x64xf32, #tpu.memory_space<vmem>>) target(%dma_start3A_288 : memref<10240x64xf32, #tpu.memory_space<vmem_shared>>) offsets(%dma_start3A_285 : memref<128xi32, #tpu.memory_space<vmem>>) semaphore(%arg21 : memref<!tpu.dma_semaphore, #tpu.memory_space<semaphore_mem>>) {add = true}
      %ge3A_289 = arith.constant 2 : i32
      %ge3A_290 = arith.cmpi sge, %add3A_275, %ge3A_289 : i32
      %convert_element_type3A_291 = arith.extui %ge3A_290 : i1 to i32
      %cond3A_292 = arith.constant 0 : i32
      %cond3A_293 = arith.cmpi ne, %convert_element_type3A_291, %cond3A_292 : i32
      scf.if %cond3A_293 {
        %dma_wait3A_332 = arith.constant 0 : i32
        %dma_wait3A_333 = arith.constant 0 : i32
        %dma_wait3A_334 = tpu.memref_slice %arg8[%dma_wait3A_332, %dma_wait3A_333] : memref<40x128xi32, #tpu.memory_space<vmem>> -> memref<1x128xi32, #tpu.memory_space<vmem>>
        %dma_wait3A_335 = tpu.memref_squeeze %dma_wait3A_334 : memref<1x128xi32, #tpu.memory_space<vmem>> -> memref<128xi32, #tpu.memory_space<vmem>>
        %dma_wait3A_336 = arith.constant 0 : i32
        %dma_wait3A_337 = arith.constant 0 : i32
        %dma_wait3A_338 = tpu.memref_slice %arg13[%dma_wait3A_336, %dma_wait3A_337] : memref<10240x64xf32, #tpu.memory_space<vmem_shared>> -> memref<10240x64xf32, #tpu.memory_space<vmem_shared>>
        tpu.wait_indirect_dma semaphore(%arg19 : memref<!tpu.dma_semaphore, #tpu.memory_space<semaphore_mem>>) src(%arg9 : memref<128x64xf32, #tpu.memory_space<vmem>>) dst(%dma_wait3A_338 : memref<10240x64xf32, #tpu.memory_space<vmem_shared>>)
      } else {
      }
      %ge3A_294 = arith.constant 2 : i32
      %ge3A_295 = arith.cmpi sge, %add3A_275, %ge3A_294 : i32
      %le3A_296 = arith.constant 37 : i32
      %le3A_297 = arith.cmpi sle, %add3A_275, %le3A_296 : i32
      %and3A_298 = arith.andi %ge3A_295, %le3A_297 : i1
      %convert_element_type3A_299 = arith.extui %and3A_298 : i1 to i32
      %cond3A_300 = arith.constant 0 : i32
      %cond3A_301 = arith.cmpi ne, %convert_element_type3A_299, %cond3A_300 : i32
      scf.if %cond3A_301 {
        %add3A_332 = arith.constant 2 : i32
        %add3A_333 = arith.addi %add3A_275, %add3A_332 : i32
        %dma_start3A_334 = arith.constant 0 : i32
        %dma_start3A_335 = tpu.memref_slice %arg7[%add3A_333, %dma_start3A_334] : memref<40x128xi32, #tpu.memory_space<vmem>> -> memref<1x128xi32, #tpu.memory_space<vmem>>
        %dma_start3A_336 = tpu.memref_squeeze %dma_start3A_335 : memref<1x128xi32, #tpu.memory_space<vmem>> -> memref<128xi32, #tpu.memory_space<vmem>>
        %dma_start3A_337 = arith.constant 0 : i32
        %dma_start3A_338 = arith.constant 0 : i32
        %dma_start3A_339 = tpu.memref_slice %arg14[%dma_start3A_337, %dma_start3A_338] : memref<10016x64xf32, #tpu.memory_space<vmem_shared>> -> memref<10016x64xf32, #tpu.memory_space<vmem_shared>>
        tpu.enqueue_indirect_dma source(%dma_start3A_339 : memref<10016x64xf32, #tpu.memory_space<vmem_shared>>) target(%arg9 : memref<128x64xf32, #tpu.memory_space<vmem>>) offsets(%dma_start3A_336 : memref<128xi32, #tpu.memory_space<vmem>>) semaphore(%arg15 : memref<!tpu.dma_semaphore, #tpu.memory_space<semaphore_mem>>)
      } else {
      }
      %mul3A_302 = arith.constant 4 : i32
      %mul3A_303 = arith.muli %scan3A_216, %mul3A_302 : i32
      %add3A_304 = arith.constant 3 : i32
      %add3A_305 = arith.addi %mul3A_303, %add3A_304 : i32
      %dma_wait3A_306 = arith.constant 0 : i32
      %dma_wait3A_307 = arith.constant 0 : i32
      %dma_wait3A_308 = tpu.memref_slice %arg7[%dma_wait3A_306, %dma_wait3A_307] : memref<40x128xi32, #tpu.memory_space<vmem>> -> memref<1x128xi32, #tpu.memory_space<vmem>>
      %dma_wait3A_309 = tpu.memref_squeeze %dma_wait3A_308 : memref<1x128xi32, #tpu.memory_space<vmem>> -> memref<128xi32, #tpu.memory_space<vmem>>
      %dma_wait3A_310 = arith.constant 0 : i32
      %dma_wait3A_311 = arith.constant 0 : i32
      %dma_wait3A_312 = tpu.memref_slice %arg4[%dma_wait3A_310, %dma_wait3A_311] : memref<20032x64xf32, #tpu.memory_space<hbm>> -> memref<20032x64xf32, #tpu.memory_space<hbm>>
      tpu.wait_indirect_dma semaphore(%arg18 : memref<!tpu.dma_semaphore, #tpu.memory_space<semaphore_mem>>) src(%dma_wait3A_312 : memref<20032x64xf32, #tpu.memory_space<hbm>>) dst(%arg12 : memref<128x64xf32, #tpu.memory_space<vmem>>)
      %dma_start3A_313 = arith.constant 0 : i32
      %dma_start3A_314 = tpu.memref_slice %arg8[%add3A_305, %dma_start3A_313] : memref<40x128xi32, #tpu.memory_space<vmem>> -> memref<1x128xi32, #tpu.memory_space<vmem>>
      %dma_start3A_315 = tpu.memref_squeeze %dma_start3A_314 : memref<1x128xi32, #tpu.memory_space<vmem>> -> memref<128xi32, #tpu.memory_space<vmem>>
      %dma_start3A_316 = arith.constant 0 : i32
      %dma_start3A_317 = arith.constant 0 : i32
      %dma_start3A_318 = tpu.memref_slice %arg13[%dma_start3A_316, %dma_start3A_317] : memref<10240x64xf32, #tpu.memory_space<vmem_shared>> -> memref<10240x64xf32, #tpu.memory_space<vmem_shared>>
      tpu.enqueue_indirect_dma source(%arg12 : memref<128x64xf32, #tpu.memory_space<vmem>>) target(%dma_start3A_318 : memref<10240x64xf32, #tpu.memory_space<vmem_shared>>) offsets(%dma_start3A_315 : memref<128xi32, #tpu.memory_space<vmem>>) semaphore(%arg22 : memref<!tpu.dma_semaphore, #tpu.memory_space<semaphore_mem>>) {add = true}
      %ge3A_319 = arith.constant 2 : i32
      %ge3A_320 = arith.cmpi sge, %add3A_305, %ge3A_319 : i32
      %convert_element_type3A_321 = arith.extui %ge3A_320 : i1 to i32
      %cond3A_322 = arith.constant 0 : i32
      %cond3A_323 = arith.cmpi ne, %convert_element_type3A_321, %cond3A_322 : i32
      scf.if %cond3A_323 {
        %dma_wait3A_332 = arith.constant 0 : i32
        %dma_wait3A_333 = arith.constant 0 : i32
        %dma_wait3A_334 = tpu.memref_slice %arg8[%dma_wait3A_332, %dma_wait3A_333] : memref<40x128xi32, #tpu.memory_space<vmem>> -> memref<1x128xi32, #tpu.memory_space<vmem>>
        %dma_wait3A_335 = tpu.memref_squeeze %dma_wait3A_334 : memref<1x128xi32, #tpu.memory_space<vmem>> -> memref<128xi32, #tpu.memory_space<vmem>>
        %dma_wait3A_336 = arith.constant 0 : i32
        %dma_wait3A_337 = arith.constant 0 : i32
        %dma_wait3A_338 = tpu.memref_slice %arg13[%dma_wait3A_336, %dma_wait3A_337] : memref<10240x64xf32, #tpu.memory_space<vmem_shared>> -> memref<10240x64xf32, #tpu.memory_space<vmem_shared>>
        tpu.wait_indirect_dma semaphore(%arg20 : memref<!tpu.dma_semaphore, #tpu.memory_space<semaphore_mem>>) src(%arg10 : memref<128x64xf32, #tpu.memory_space<vmem>>) dst(%dma_wait3A_338 : memref<10240x64xf32, #tpu.memory_space<vmem_shared>>)
      } else {
      }
      %ge3A_324 = arith.constant 2 : i32
      %ge3A_325 = arith.cmpi sge, %add3A_305, %ge3A_324 : i32
      %le3A_326 = arith.constant 37 : i32
      %le3A_327 = arith.cmpi sle, %add3A_305, %le3A_326 : i32
      %and3A_328 = arith.andi %ge3A_325, %le3A_327 : i1
      %convert_element_type3A_329 = arith.extui %and3A_328 : i1 to i32
      %cond3A_330 = arith.constant 0 : i32
      %cond3A_331 = arith.cmpi ne, %convert_element_type3A_329, %cond3A_330 : i32
      scf.if %cond3A_331 {
        %add3A_332 = arith.constant 2 : i32
        %add3A_333 = arith.addi %add3A_305, %add3A_332 : i32
        %dma_start3A_334 = arith.constant 0 : i32
        %dma_start3A_335 = tpu.memref_slice %arg7[%add3A_333, %dma_start3A_334] : memref<40x128xi32, #tpu.memory_space<vmem>> -> memref<1x128xi32, #tpu.memory_space<vmem>>
        %dma_start3A_336 = tpu.memref_squeeze %dma_start3A_335 : memref<1x128xi32, #tpu.memory_space<vmem>> -> memref<128xi32, #tpu.memory_space<vmem>>
        %dma_start3A_337 = arith.constant 0 : i32
        %dma_start3A_338 = arith.constant 0 : i32
        %dma_start3A_339 = tpu.memref_slice %arg14[%dma_start3A_337, %dma_start3A_338] : memref<10016x64xf32, #tpu.memory_space<vmem_shared>> -> memref<10016x64xf32, #tpu.memory_space<vmem_shared>>
        tpu.enqueue_indirect_dma source(%dma_start3A_339 : memref<10016x64xf32, #tpu.memory_space<vmem_shared>>) target(%arg10 : memref<128x64xf32, #tpu.memory_space<vmem>>) offsets(%dma_start3A_336 : memref<128xi32, #tpu.memory_space<vmem>>) semaphore(%arg16 : memref<!tpu.dma_semaphore, #tpu.memory_space<semaphore_mem>>)
      } else {
      }
    }
    %scan3A_91 = arith.constant 10 : i32
    %dma_wait3A_92 = arith.constant 0 : i32
    %dma_wait3A_93 = arith.constant 0 : i32
    %dma_wait3A_94 = tpu.memref_slice %arg8[%dma_wait3A_92, %dma_wait3A_93] : memref<40x128xi32, #tpu.memory_space<vmem>> -> memref<1x128xi32, #tpu.memory_space<vmem>>
    %dma_wait3A_95 = tpu.memref_squeeze %dma_wait3A_94 : memref<1x128xi32, #tpu.memory_space<vmem>> -> memref<128xi32, #tpu.memory_space<vmem>>
    %dma_wait3A_96 = arith.constant 0 : i32
    %dma_wait3A_97 = arith.constant 0 : i32
    %dma_wait3A_98 = tpu.memref_slice %arg13[%dma_wait3A_96, %dma_wait3A_97] : memref<10240x64xf32, #tpu.memory_space<vmem_shared>> -> memref<10240x64xf32, #tpu.memory_space<vmem_shared>>
    tpu.wait_indirect_dma semaphore(%arg21 : memref<!tpu.dma_semaphore, #tpu.memory_space<semaphore_mem>>) src(%arg11 : memref<128x64xf32, #tpu.memory_space<vmem>>) dst(%dma_wait3A_98 : memref<10240x64xf32, #tpu.memory_space<vmem_shared>>)
    %dma_wait3A_99 = arith.constant 0 : i32
    %dma_wait3A_100 = arith.constant 0 : i32
    %dma_wait3A_101 = tpu.memref_slice %arg8[%dma_wait3A_99, %dma_wait3A_100] : memref<40x128xi32, #tpu.memory_space<vmem>> -> memref<1x128xi32, #tpu.memory_space<vmem>>
    %dma_wait3A_102 = tpu.memref_squeeze %dma_wait3A_101 : memref<1x128xi32, #tpu.memory_space<vmem>> -> memref<128xi32, #tpu.memory_space<vmem>>
    %dma_wait3A_103 = arith.constant 0 : i32
    %dma_wait3A_104 = arith.constant 0 : i32
    %dma_wait3A_105 = tpu.memref_slice %arg13[%dma_wait3A_103, %dma_wait3A_104] : memref<10240x64xf32, #tpu.memory_space<vmem_shared>> -> memref<10240x64xf32, #tpu.memory_space<vmem_shared>>
    tpu.wait_indirect_dma semaphore(%arg22 : memref<!tpu.dma_semaphore, #tpu.memory_space<semaphore_mem>>) src(%arg12 : memref<128x64xf32, #tpu.memory_space<vmem>>) dst(%dma_wait3A_105 : memref<10240x64xf32, #tpu.memory_space<vmem_shared>>)
    %mul3A_106 = arith.constant 160 : i32
    %mul3A_107 = arith.muli %arg1, %mul3A_106 : i32
    %add3A_108 = arith.constant 80 : i32
    %add3A_109 = arith.addi %mul3A_107, %add3A_108 : i32
    "tpu.region"() ({
      %run_scoped3A = tpu.sem_alloc : memref<!tpu.dma_semaphore, #tpu.memory_space<semaphore_mem>>
      %dma_start3A_216 = arith.constant 0 : i32
      %dma_start3A_217 = tpu.memref_slice %arg2[%add3A_109, %dma_start3A_216] : memref<2560x128xi32, #tpu.memory_space<hbm>> -> memref<40x128xi32, #tpu.memory_space<hbm>>
      %dma_start3A_218 = arith.constant 0 : i32
      %dma_start3A_219 = tpu.memref_slice %arg2[%add3A_109, %dma_start3A_218] : memref<2560x128xi32, #tpu.memory_space<hbm>> -> memref<40x128xi32, #tpu.memory_space<hbm>>
      tpu.enqueue_dma source(%dma_start3A_219 : memref<40x128xi32, #tpu.memory_space<hbm>>) target(%arg7 : memref<40x128xi32, #tpu.memory_space<vmem>>) target_semaphore(%run_scoped3A : memref<!tpu.dma_semaphore, #tpu.memory_space<semaphore_mem>>)
      %dma_wait3A_220 = arith.constant 0 : i32
      %dma_wait3A_221 = tpu.memref_slice %arg2[%add3A_109, %dma_wait3A_220] : memref<2560x128xi32, #tpu.memory_space<hbm>> -> memref<40x128xi32, #tpu.memory_space<hbm>>
      %dma_wait3A_222 = arith.constant 0 : i32
      %dma_wait3A_223 = tpu.memref_slice %arg2[%add3A_109, %dma_wait3A_222] : memref<2560x128xi32, #tpu.memory_space<hbm>> -> memref<40x128xi32, #tpu.memory_space<hbm>>
      tpu.wait_dma2 semaphore(%run_scoped3A : memref<!tpu.dma_semaphore, #tpu.memory_space<semaphore_mem>>) src(%dma_wait3A_223 : memref<40x128xi32, #tpu.memory_space<hbm>>) dst(%arg7 : memref<40x128xi32, #tpu.memory_space<vmem>>)
      tpu.yield
    }) : () -> ()
    "tpu.region"() ({
      %run_scoped3A = tpu.sem_alloc : memref<!tpu.dma_semaphore, #tpu.memory_space<semaphore_mem>>
      %dma_start3A_216 = arith.constant 0 : i32
      %dma_start3A_217 = tpu.memref_slice %arg3[%add3A_109, %dma_start3A_216] : memref<2560x128xi32, #tpu.memory_space<hbm>> -> memref<40x128xi32, #tpu.memory_space<hbm>>
      %dma_start3A_218 = arith.constant 0 : i32
      %dma_start3A_219 = tpu.memref_slice %arg3[%add3A_109, %dma_start3A_218] : memref<2560x128xi32, #tpu.memory_space<hbm>> -> memref<40x128xi32, #tpu.memory_space<hbm>>
      tpu.enqueue_dma source(%dma_start3A_219 : memref<40x128xi32, #tpu.memory_space<hbm>>) target(%arg8 : memref<40x128xi32, #tpu.memory_space<vmem>>) target_semaphore(%run_scoped3A : memref<!tpu.dma_semaphore, #tpu.memory_space<semaphore_mem>>)
      %dma_wait3A_220 = arith.constant 0 : i32
      %dma_wait3A_221 = tpu.memref_slice %arg3[%add3A_109, %dma_wait3A_220] : memref<2560x128xi32, #tpu.memory_space<hbm>> -> memref<40x128xi32, #tpu.memory_space<hbm>>
      %dma_wait3A_222 = arith.constant 0 : i32
      %dma_wait3A_223 = tpu.memref_slice %arg3[%add3A_109, %dma_wait3A_222] : memref<2560x128xi32, #tpu.memory_space<hbm>> -> memref<40x128xi32, #tpu.memory_space<hbm>>
      tpu.wait_dma2 semaphore(%run_scoped3A : memref<!tpu.dma_semaphore, #tpu.memory_space<semaphore_mem>>) src(%dma_wait3A_223 : memref<40x128xi32, #tpu.memory_space<hbm>>) dst(%arg8 : memref<40x128xi32, #tpu.memory_space<vmem>>)
      tpu.yield
    }) : () -> ()
    %dma_start3A_110 = arith.constant 0 : i32
    %dma_start3A_111 = arith.constant 0 : i32
    %dma_start3A_112 = tpu.memref_slice %arg7[%dma_start3A_110, %dma_start3A_111] : memref<40x128xi32, #tpu.memory_space<vmem>> -> memref<1x128xi32, #tpu.memory_space<vmem>>
    %dma_start3A_113 = tpu.memref_squeeze %dma_start3A_112 : memref<1x128xi32, #tpu.memory_space<vmem>> -> memref<128xi32, #tpu.memory_space<vmem>>
    %dma_start3A_114 = arith.constant 0 : i32
    %dma_start3A_115 = arith.constant 0 : i32
    %dma_start3A_116 = tpu.memref_slice %arg14[%dma_start3A_114, %dma_start3A_115] : memref<10016x64xf32, #tpu.memory_space<vmem_shared>> -> memref<10016x64xf32, #tpu.memory_space<vmem_shared>>
    tpu.enqueue_indirect_dma source(%dma_start3A_116 : memref<10016x64xf32, #tpu.memory_space<vmem_shared>>) target(%arg9 : memref<128x64xf32, #tpu.memory_space<vmem>>) offsets(%dma_start3A_113 : memref<128xi32, #tpu.memory_space<vmem>>) semaphore(%arg15 : memref<!tpu.dma_semaphore, #tpu.memory_space<semaphore_mem>>)
    %dma_start3A_117 = arith.constant 1 : i32
    %dma_start3A_118 = arith.constant 0 : i32
    %dma_start3A_119 = tpu.memref_slice %arg7[%dma_start3A_117, %dma_start3A_118] : memref<40x128xi32, #tpu.memory_space<vmem>> -> memref<1x128xi32, #tpu.memory_space<vmem>>
    %dma_start3A_120 = tpu.memref_squeeze %dma_start3A_119 : memref<1x128xi32, #tpu.memory_space<vmem>> -> memref<128xi32, #tpu.memory_space<vmem>>
    %dma_start3A_121 = arith.constant 0 : i32
    %dma_start3A_122 = arith.constant 0 : i32
    %dma_start3A_123 = tpu.memref_slice %arg14[%dma_start3A_121, %dma_start3A_122] : memref<10016x64xf32, #tpu.memory_space<vmem_shared>> -> memref<10016x64xf32, #tpu.memory_space<vmem_shared>>
    tpu.enqueue_indirect_dma source(%dma_start3A_123 : memref<10016x64xf32, #tpu.memory_space<vmem_shared>>) target(%arg10 : memref<128x64xf32, #tpu.memory_space<vmem>>) offsets(%dma_start3A_120 : memref<128xi32, #tpu.memory_space<vmem>>) semaphore(%arg16 : memref<!tpu.dma_semaphore, #tpu.memory_space<semaphore_mem>>)
    %dma_start3A_124 = arith.constant 2 : i32
    %dma_start3A_125 = arith.constant 0 : i32
    %dma_start3A_126 = tpu.memref_slice %arg7[%dma_start3A_124, %dma_start3A_125] : memref<40x128xi32, #tpu.memory_space<vmem>> -> memref<1x128xi32, #tpu.memory_space<vmem>>
    %dma_start3A_127 = tpu.memref_squeeze %dma_start3A_126 : memref<1x128xi32, #tpu.memory_space<vmem>> -> memref<128xi32, #tpu.memory_space<vmem>>
    %dma_start3A_128 = arith.constant 0 : i32
    %dma_start3A_129 = arith.constant 0 : i32
    %dma_start3A_130 = tpu.memref_slice %arg14[%dma_start3A_128, %dma_start3A_129] : memref<10016x64xf32, #tpu.memory_space<vmem_shared>> -> memref<10016x64xf32, #tpu.memory_space<vmem_shared>>
    tpu.enqueue_indirect_dma source(%dma_start3A_130 : memref<10016x64xf32, #tpu.memory_space<vmem_shared>>) target(%arg11 : memref<128x64xf32, #tpu.memory_space<vmem>>) offsets(%dma_start3A_127 : memref<128xi32, #tpu.memory_space<vmem>>) semaphore(%arg17 : memref<!tpu.dma_semaphore, #tpu.memory_space<semaphore_mem>>)
    %dma_start3A_131 = arith.constant 3 : i32
    %dma_start3A_132 = arith.constant 0 : i32
    %dma_start3A_133 = tpu.memref_slice %arg7[%dma_start3A_131, %dma_start3A_132] : memref<40x128xi32, #tpu.memory_space<vmem>> -> memref<1x128xi32, #tpu.memory_space<vmem>>
    %dma_start3A_134 = tpu.memref_squeeze %dma_start3A_133 : memref<1x128xi32, #tpu.memory_space<vmem>> -> memref<128xi32, #tpu.memory_space<vmem>>
    %dma_start3A_135 = arith.constant 0 : i32
    %dma_start3A_136 = arith.constant 0 : i32
    %dma_start3A_137 = tpu.memref_slice %arg14[%dma_start3A_135, %dma_start3A_136] : memref<10016x64xf32, #tpu.memory_space<vmem_shared>> -> memref<10016x64xf32, #tpu.memory_space<vmem_shared>>
    tpu.enqueue_indirect_dma source(%dma_start3A_137 : memref<10016x64xf32, #tpu.memory_space<vmem_shared>>) target(%arg12 : memref<128x64xf32, #tpu.memory_space<vmem>>) offsets(%dma_start3A_134 : memref<128xi32, #tpu.memory_space<vmem>>) semaphore(%arg18 : memref<!tpu.dma_semaphore, #tpu.memory_space<semaphore_mem>>)
    %scan3A_138 = arith.constant 0 : i32
    %scan3A_139 = arith.constant 0 : i32
    %scan3A_140 = arith.constant 10 : i32
    %scan3A_141 = arith.addi %scan3A_139, %scan3A_140 : i32
    %scan3A_142 = arith.constant 1 : i32
    scf.for %scan3A_216 = %scan3A_139 to %scan3A_141 step %scan3A_142  : i32 {
      %mul3A_217 = arith.constant 4 : i32
      %mul3A_218 = arith.muli %scan3A_216, %mul3A_217 : i32
      %add3A_219 = arith.constant 0 : i32
      %add3A_220 = arith.addi %mul3A_218, %add3A_219 : i32
      %dma_wait3A_221 = arith.constant 0 : i32
      %dma_wait3A_222 = arith.constant 0 : i32
      %dma_wait3A_223 = tpu.memref_slice %arg7[%dma_wait3A_221, %dma_wait3A_222] : memref<40x128xi32, #tpu.memory_space<vmem>> -> memref<1x128xi32, #tpu.memory_space<vmem>>
      %dma_wait3A_224 = tpu.memref_squeeze %dma_wait3A_223 : memref<1x128xi32, #tpu.memory_space<vmem>> -> memref<128xi32, #tpu.memory_space<vmem>>
      %dma_wait3A_225 = arith.constant 0 : i32
      %dma_wait3A_226 = arith.constant 0 : i32
      %dma_wait3A_227 = tpu.memref_slice %arg4[%dma_wait3A_225, %dma_wait3A_226] : memref<20032x64xf32, #tpu.memory_space<hbm>> -> memref<20032x64xf32, #tpu.memory_space<hbm>>
      tpu.wait_indirect_dma semaphore(%arg15 : memref<!tpu.dma_semaphore, #tpu.memory_space<semaphore_mem>>) src(%dma_wait3A_227 : memref<20032x64xf32, #tpu.memory_space<hbm>>) dst(%arg9 : memref<128x64xf32, #tpu.memory_space<vmem>>)
      %dma_start3A_228 = arith.constant 0 : i32
      %dma_start3A_229 = tpu.memref_slice %arg8[%add3A_220, %dma_start3A_228] : memref<40x128xi32, #tpu.memory_space<vmem>> -> memref<1x128xi32, #tpu.memory_space<vmem>>
      %dma_start3A_230 = tpu.memref_squeeze %dma_start3A_229 : memref<1x128xi32, #tpu.memory_space<vmem>> -> memref<128xi32, #tpu.memory_space<vmem>>
      %dma_start3A_231 = arith.constant 0 : i32
      %dma_start3A_232 = arith.constant 0 : i32
      %dma_start3A_233 = tpu.memref_slice %arg13[%dma_start3A_231, %dma_start3A_232] : memref<10240x64xf32, #tpu.memory_space<vmem_shared>> -> memref<10240x64xf32, #tpu.memory_space<vmem_shared>>
      tpu.enqueue_indirect_dma source(%arg9 : memref<128x64xf32, #tpu.memory_space<vmem>>) target(%dma_start3A_233 : memref<10240x64xf32, #tpu.memory_space<vmem_shared>>) offsets(%dma_start3A_230 : memref<128xi32, #tpu.memory_space<vmem>>) semaphore(%arg19 : memref<!tpu.dma_semaphore, #tpu.memory_space<semaphore_mem>>) {add = true}
      %ge3A = arith.constant 2 : i32
      %ge3A_234 = arith.cmpi sge, %add3A_220, %ge3A : i32
      %convert_element_type3A = arith.extui %ge3A_234 : i1 to i32
      %cond3A = arith.constant 0 : i32
      %cond3A_235 = arith.cmpi ne, %convert_element_type3A, %cond3A : i32
      scf.if %cond3A_235 {
        %dma_wait3A_332 = arith.constant 0 : i32
        %dma_wait3A_333 = arith.constant 0 : i32
        %dma_wait3A_334 = tpu.memref_slice %arg8[%dma_wait3A_332, %dma_wait3A_333] : memref<40x128xi32, #tpu.memory_space<vmem>> -> memref<1x128xi32, #tpu.memory_space<vmem>>
        %dma_wait3A_335 = tpu.memref_squeeze %dma_wait3A_334 : memref<1x128xi32, #tpu.memory_space<vmem>> -> memref<128xi32, #tpu.memory_space<vmem>>
        %dma_wait3A_336 = arith.constant 0 : i32
        %dma_wait3A_337 = arith.constant 0 : i32
        %dma_wait3A_338 = tpu.memref_slice %arg13[%dma_wait3A_336, %dma_wait3A_337] : memref<10240x64xf32, #tpu.memory_space<vmem_shared>> -> memref<10240x64xf32, #tpu.memory_space<vmem_shared>>
        tpu.wait_indirect_dma semaphore(%arg21 : memref<!tpu.dma_semaphore, #tpu.memory_space<semaphore_mem>>) src(%arg11 : memref<128x64xf32, #tpu.memory_space<vmem>>) dst(%dma_wait3A_338 : memref<10240x64xf32, #tpu.memory_space<vmem_shared>>)
      } else {
      }
      %ge3A_236 = arith.constant 2 : i32
      %ge3A_237 = arith.cmpi sge, %add3A_220, %ge3A_236 : i32
      %le3A = arith.constant 37 : i32
      %le3A_238 = arith.cmpi sle, %add3A_220, %le3A : i32
      %and3A = arith.andi %ge3A_237, %le3A_238 : i1
      %convert_element_type3A_239 = arith.extui %and3A : i1 to i32
      %cond3A_240 = arith.constant 0 : i32
      %cond3A_241 = arith.cmpi ne, %convert_element_type3A_239, %cond3A_240 : i32
      scf.if %cond3A_241 {
        %add3A_332 = arith.constant 2 : i32
        %add3A_333 = arith.addi %add3A_220, %add3A_332 : i32
        %dma_start3A_334 = arith.constant 0 : i32
        %dma_start3A_335 = tpu.memref_slice %arg7[%add3A_333, %dma_start3A_334] : memref<40x128xi32, #tpu.memory_space<vmem>> -> memref<1x128xi32, #tpu.memory_space<vmem>>
        %dma_start3A_336 = tpu.memref_squeeze %dma_start3A_335 : memref<1x128xi32, #tpu.memory_space<vmem>> -> memref<128xi32, #tpu.memory_space<vmem>>
        %dma_start3A_337 = arith.constant 0 : i32
        %dma_start3A_338 = arith.constant 0 : i32
        %dma_start3A_339 = tpu.memref_slice %arg14[%dma_start3A_337, %dma_start3A_338] : memref<10016x64xf32, #tpu.memory_space<vmem_shared>> -> memref<10016x64xf32, #tpu.memory_space<vmem_shared>>
        tpu.enqueue_indirect_dma source(%dma_start3A_339 : memref<10016x64xf32, #tpu.memory_space<vmem_shared>>) target(%arg11 : memref<128x64xf32, #tpu.memory_space<vmem>>) offsets(%dma_start3A_336 : memref<128xi32, #tpu.memory_space<vmem>>) semaphore(%arg17 : memref<!tpu.dma_semaphore, #tpu.memory_space<semaphore_mem>>)
      } else {
      }
      %mul3A_242 = arith.constant 4 : i32
      %mul3A_243 = arith.muli %scan3A_216, %mul3A_242 : i32
      %add3A_244 = arith.constant 1 : i32
      %add3A_245 = arith.addi %mul3A_243, %add3A_244 : i32
      %dma_wait3A_246 = arith.constant 0 : i32
      %dma_wait3A_247 = arith.constant 0 : i32
      %dma_wait3A_248 = tpu.memref_slice %arg7[%dma_wait3A_246, %dma_wait3A_247] : memref<40x128xi32, #tpu.memory_space<vmem>> -> memref<1x128xi32, #tpu.memory_space<vmem>>
      %dma_wait3A_249 = tpu.memref_squeeze %dma_wait3A_248 : memref<1x128xi32, #tpu.memory_space<vmem>> -> memref<128xi32, #tpu.memory_space<vmem>>
      %dma_wait3A_250 = arith.constant 0 : i32
      %dma_wait3A_251 = arith.constant 0 : i32
      %dma_wait3A_252 = tpu.memref_slice %arg4[%dma_wait3A_250, %dma_wait3A_251] : memref<20032x64xf32, #tpu.memory_space<hbm>> -> memref<20032x64xf32, #tpu.memory_space<hbm>>
      tpu.wait_indirect_dma semaphore(%arg16 : memref<!tpu.dma_semaphore, #tpu.memory_space<semaphore_mem>>) src(%dma_wait3A_252 : memref<20032x64xf32, #tpu.memory_space<hbm>>) dst(%arg10 : memref<128x64xf32, #tpu.memory_space<vmem>>)
      %dma_start3A_253 = arith.constant 0 : i32
      %dma_start3A_254 = tpu.memref_slice %arg8[%add3A_245, %dma_start3A_253] : memref<40x128xi32, #tpu.memory_space<vmem>> -> memref<1x128xi32, #tpu.memory_space<vmem>>
      %dma_start3A_255 = tpu.memref_squeeze %dma_start3A_254 : memref<1x128xi32, #tpu.memory_space<vmem>> -> memref<128xi32, #tpu.memory_space<vmem>>
      %dma_start3A_256 = arith.constant 0 : i32
      %dma_start3A_257 = arith.constant 0 : i32
      %dma_start3A_258 = tpu.memref_slice %arg13[%dma_start3A_256, %dma_start3A_257] : memref<10240x64xf32, #tpu.memory_space<vmem_shared>> -> memref<10240x64xf32, #tpu.memory_space<vmem_shared>>
      tpu.enqueue_indirect_dma source(%arg10 : memref<128x64xf32, #tpu.memory_space<vmem>>) target(%dma_start3A_258 : memref<10240x64xf32, #tpu.memory_space<vmem_shared>>) offsets(%dma_start3A_255 : memref<128xi32, #tpu.memory_space<vmem>>) semaphore(%arg20 : memref<!tpu.dma_semaphore, #tpu.memory_space<semaphore_mem>>) {add = true}
      %ge3A_259 = arith.constant 2 : i32
      %ge3A_260 = arith.cmpi sge, %add3A_245, %ge3A_259 : i32
      %convert_element_type3A_261 = arith.extui %ge3A_260 : i1 to i32
      %cond3A_262 = arith.constant 0 : i32
      %cond3A_263 = arith.cmpi ne, %convert_element_type3A_261, %cond3A_262 : i32
      scf.if %cond3A_263 {
        %dma_wait3A_332 = arith.constant 0 : i32
        %dma_wait3A_333 = arith.constant 0 : i32
        %dma_wait3A_334 = tpu.memref_slice %arg8[%dma_wait3A_332, %dma_wait3A_333] : memref<40x128xi32, #tpu.memory_space<vmem>> -> memref<1x128xi32, #tpu.memory_space<vmem>>
        %dma_wait3A_335 = tpu.memref_squeeze %dma_wait3A_334 : memref<1x128xi32, #tpu.memory_space<vmem>> -> memref<128xi32, #tpu.memory_space<vmem>>
        %dma_wait3A_336 = arith.constant 0 : i32
        %dma_wait3A_337 = arith.constant 0 : i32
        %dma_wait3A_338 = tpu.memref_slice %arg13[%dma_wait3A_336, %dma_wait3A_337] : memref<10240x64xf32, #tpu.memory_space<vmem_shared>> -> memref<10240x64xf32, #tpu.memory_space<vmem_shared>>
        tpu.wait_indirect_dma semaphore(%arg22 : memref<!tpu.dma_semaphore, #tpu.memory_space<semaphore_mem>>) src(%arg12 : memref<128x64xf32, #tpu.memory_space<vmem>>) dst(%dma_wait3A_338 : memref<10240x64xf32, #tpu.memory_space<vmem_shared>>)
      } else {
      }
      %ge3A_264 = arith.constant 2 : i32
      %ge3A_265 = arith.cmpi sge, %add3A_245, %ge3A_264 : i32
      %le3A_266 = arith.constant 37 : i32
      %le3A_267 = arith.cmpi sle, %add3A_245, %le3A_266 : i32
      %and3A_268 = arith.andi %ge3A_265, %le3A_267 : i1
      %convert_element_type3A_269 = arith.extui %and3A_268 : i1 to i32
      %cond3A_270 = arith.constant 0 : i32
      %cond3A_271 = arith.cmpi ne, %convert_element_type3A_269, %cond3A_270 : i32
      scf.if %cond3A_271 {
        %add3A_332 = arith.constant 2 : i32
        %add3A_333 = arith.addi %add3A_245, %add3A_332 : i32
        %dma_start3A_334 = arith.constant 0 : i32
        %dma_start3A_335 = tpu.memref_slice %arg7[%add3A_333, %dma_start3A_334] : memref<40x128xi32, #tpu.memory_space<vmem>> -> memref<1x128xi32, #tpu.memory_space<vmem>>
        %dma_start3A_336 = tpu.memref_squeeze %dma_start3A_335 : memref<1x128xi32, #tpu.memory_space<vmem>> -> memref<128xi32, #tpu.memory_space<vmem>>
        %dma_start3A_337 = arith.constant 0 : i32
        %dma_start3A_338 = arith.constant 0 : i32
        %dma_start3A_339 = tpu.memref_slice %arg14[%dma_start3A_337, %dma_start3A_338] : memref<10016x64xf32, #tpu.memory_space<vmem_shared>> -> memref<10016x64xf32, #tpu.memory_space<vmem_shared>>
        tpu.enqueue_indirect_dma source(%dma_start3A_339 : memref<10016x64xf32, #tpu.memory_space<vmem_shared>>) target(%arg12 : memref<128x64xf32, #tpu.memory_space<vmem>>) offsets(%dma_start3A_336 : memref<128xi32, #tpu.memory_space<vmem>>) semaphore(%arg18 : memref<!tpu.dma_semaphore, #tpu.memory_space<semaphore_mem>>)
      } else {
      }
      %mul3A_272 = arith.constant 4 : i32
      %mul3A_273 = arith.muli %scan3A_216, %mul3A_272 : i32
      %add3A_274 = arith.constant 2 : i32
      %add3A_275 = arith.addi %mul3A_273, %add3A_274 : i32
      %dma_wait3A_276 = arith.constant 0 : i32
      %dma_wait3A_277 = arith.constant 0 : i32
      %dma_wait3A_278 = tpu.memref_slice %arg7[%dma_wait3A_276, %dma_wait3A_277] : memref<40x128xi32, #tpu.memory_space<vmem>> -> memref<1x128xi32, #tpu.memory_space<vmem>>
      %dma_wait3A_279 = tpu.memref_squeeze %dma_wait3A_278 : memref<1x128xi32, #tpu.memory_space<vmem>> -> memref<128xi32, #tpu.memory_space<vmem>>
      %dma_wait3A_280 = arith.constant 0 : i32
      %dma_wait3A_281 = arith.constant 0 : i32
      %dma_wait3A_282 = tpu.memref_slice %arg4[%dma_wait3A_280, %dma_wait3A_281] : memref<20032x64xf32, #tpu.memory_space<hbm>> -> memref<20032x64xf32, #tpu.memory_space<hbm>>
      tpu.wait_indirect_dma semaphore(%arg17 : memref<!tpu.dma_semaphore, #tpu.memory_space<semaphore_mem>>) src(%dma_wait3A_282 : memref<20032x64xf32, #tpu.memory_space<hbm>>) dst(%arg11 : memref<128x64xf32, #tpu.memory_space<vmem>>)
      %dma_start3A_283 = arith.constant 0 : i32
      %dma_start3A_284 = tpu.memref_slice %arg8[%add3A_275, %dma_start3A_283] : memref<40x128xi32, #tpu.memory_space<vmem>> -> memref<1x128xi32, #tpu.memory_space<vmem>>
      %dma_start3A_285 = tpu.memref_squeeze %dma_start3A_284 : memref<1x128xi32, #tpu.memory_space<vmem>> -> memref<128xi32, #tpu.memory_space<vmem>>
      %dma_start3A_286 = arith.constant 0 : i32
      %dma_start3A_287 = arith.constant 0 : i32
      %dma_start3A_288 = tpu.memref_slice %arg13[%dma_start3A_286, %dma_start3A_287] : memref<10240x64xf32, #tpu.memory_space<vmem_shared>> -> memref<10240x64xf32, #tpu.memory_space<vmem_shared>>
      tpu.enqueue_indirect_dma source(%arg11 : memref<128x64xf32, #tpu.memory_space<vmem>>) target(%dma_start3A_288 : memref<10240x64xf32, #tpu.memory_space<vmem_shared>>) offsets(%dma_start3A_285 : memref<128xi32, #tpu.memory_space<vmem>>) semaphore(%arg21 : memref<!tpu.dma_semaphore, #tpu.memory_space<semaphore_mem>>) {add = true}
      %ge3A_289 = arith.constant 2 : i32
      %ge3A_290 = arith.cmpi sge, %add3A_275, %ge3A_289 : i32
      %convert_element_type3A_291 = arith.extui %ge3A_290 : i1 to i32
      %cond3A_292 = arith.constant 0 : i32
      %cond3A_293 = arith.cmpi ne, %convert_element_type3A_291, %cond3A_292 : i32
      scf.if %cond3A_293 {
        %dma_wait3A_332 = arith.constant 0 : i32
        %dma_wait3A_333 = arith.constant 0 : i32
        %dma_wait3A_334 = tpu.memref_slice %arg8[%dma_wait3A_332, %dma_wait3A_333] : memref<40x128xi32, #tpu.memory_space<vmem>> -> memref<1x128xi32, #tpu.memory_space<vmem>>
        %dma_wait3A_335 = tpu.memref_squeeze %dma_wait3A_334 : memref<1x128xi32, #tpu.memory_space<vmem>> -> memref<128xi32, #tpu.memory_space<vmem>>
        %dma_wait3A_336 = arith.constant 0 : i32
        %dma_wait3A_337 = arith.constant 0 : i32
        %dma_wait3A_338 = tpu.memref_slice %arg13[%dma_wait3A_336, %dma_wait3A_337] : memref<10240x64xf32, #tpu.memory_space<vmem_shared>> -> memref<10240x64xf32, #tpu.memory_space<vmem_shared>>
        tpu.wait_indirect_dma semaphore(%arg19 : memref<!tpu.dma_semaphore, #tpu.memory_space<semaphore_mem>>) src(%arg9 : memref<128x64xf32, #tpu.memory_space<vmem>>) dst(%dma_wait3A_338 : memref<10240x64xf32, #tpu.memory_space<vmem_shared>>)
      } else {
      }
      %ge3A_294 = arith.constant 2 : i32
      %ge3A_295 = arith.cmpi sge, %add3A_275, %ge3A_294 : i32
      %le3A_296 = arith.constant 37 : i32
      %le3A_297 = arith.cmpi sle, %add3A_275, %le3A_296 : i32
      %and3A_298 = arith.andi %ge3A_295, %le3A_297 : i1
      %convert_element_type3A_299 = arith.extui %and3A_298 : i1 to i32
      %cond3A_300 = arith.constant 0 : i32
      %cond3A_301 = arith.cmpi ne, %convert_element_type3A_299, %cond3A_300 : i32
      scf.if %cond3A_301 {
        %add3A_332 = arith.constant 2 : i32
        %add3A_333 = arith.addi %add3A_275, %add3A_332 : i32
        %dma_start3A_334 = arith.constant 0 : i32
        %dma_start3A_335 = tpu.memref_slice %arg7[%add3A_333, %dma_start3A_334] : memref<40x128xi32, #tpu.memory_space<vmem>> -> memref<1x128xi32, #tpu.memory_space<vmem>>
        %dma_start3A_336 = tpu.memref_squeeze %dma_start3A_335 : memref<1x128xi32, #tpu.memory_space<vmem>> -> memref<128xi32, #tpu.memory_space<vmem>>
        %dma_start3A_337 = arith.constant 0 : i32
        %dma_start3A_338 = arith.constant 0 : i32
        %dma_start3A_339 = tpu.memref_slice %arg14[%dma_start3A_337, %dma_start3A_338] : memref<10016x64xf32, #tpu.memory_space<vmem_shared>> -> memref<10016x64xf32, #tpu.memory_space<vmem_shared>>
        tpu.enqueue_indirect_dma source(%dma_start3A_339 : memref<10016x64xf32, #tpu.memory_space<vmem_shared>>) target(%arg9 : memref<128x64xf32, #tpu.memory_space<vmem>>) offsets(%dma_start3A_336 : memref<128xi32, #tpu.memory_space<vmem>>) semaphore(%arg15 : memref<!tpu.dma_semaphore, #tpu.memory_space<semaphore_mem>>)
      } else {
      }
      %mul3A_302 = arith.constant 4 : i32
      %mul3A_303 = arith.muli %scan3A_216, %mul3A_302 : i32
      %add3A_304 = arith.constant 3 : i32
      %add3A_305 = arith.addi %mul3A_303, %add3A_304 : i32
      %dma_wait3A_306 = arith.constant 0 : i32
      %dma_wait3A_307 = arith.constant 0 : i32
      %dma_wait3A_308 = tpu.memref_slice %arg7[%dma_wait3A_306, %dma_wait3A_307] : memref<40x128xi32, #tpu.memory_space<vmem>> -> memref<1x128xi32, #tpu.memory_space<vmem>>
      %dma_wait3A_309 = tpu.memref_squeeze %dma_wait3A_308 : memref<1x128xi32, #tpu.memory_space<vmem>> -> memref<128xi32, #tpu.memory_space<vmem>>
      %dma_wait3A_310 = arith.constant 0 : i32
      %dma_wait3A_311 = arith.constant 0 : i32
      %dma_wait3A_312 = tpu.memref_slice %arg4[%dma_wait3A_310, %dma_wait3A_311] : memref<20032x64xf32, #tpu.memory_space<hbm>> -> memref<20032x64xf32, #tpu.memory_space<hbm>>
      tpu.wait_indirect_dma semaphore(%arg18 : memref<!tpu.dma_semaphore, #tpu.memory_space<semaphore_mem>>) src(%dma_wait3A_312 : memref<20032x64xf32, #tpu.memory_space<hbm>>) dst(%arg12 : memref<128x64xf32, #tpu.memory_space<vmem>>)
      %dma_start3A_313 = arith.constant 0 : i32
      %dma_start3A_314 = tpu.memref_slice %arg8[%add3A_305, %dma_start3A_313] : memref<40x128xi32, #tpu.memory_space<vmem>> -> memref<1x128xi32, #tpu.memory_space<vmem>>
      %dma_start3A_315 = tpu.memref_squeeze %dma_start3A_314 : memref<1x128xi32, #tpu.memory_space<vmem>> -> memref<128xi32, #tpu.memory_space<vmem>>
      %dma_start3A_316 = arith.constant 0 : i32
      %dma_start3A_317 = arith.constant 0 : i32
      %dma_start3A_318 = tpu.memref_slice %arg13[%dma_start3A_316, %dma_start3A_317] : memref<10240x64xf32, #tpu.memory_space<vmem_shared>> -> memref<10240x64xf32, #tpu.memory_space<vmem_shared>>
      tpu.enqueue_indirect_dma source(%arg12 : memref<128x64xf32, #tpu.memory_space<vmem>>) target(%dma_start3A_318 : memref<10240x64xf32, #tpu.memory_space<vmem_shared>>) offsets(%dma_start3A_315 : memref<128xi32, #tpu.memory_space<vmem>>) semaphore(%arg22 : memref<!tpu.dma_semaphore, #tpu.memory_space<semaphore_mem>>) {add = true}
      %ge3A_319 = arith.constant 2 : i32
      %ge3A_320 = arith.cmpi sge, %add3A_305, %ge3A_319 : i32
      %convert_element_type3A_321 = arith.extui %ge3A_320 : i1 to i32
      %cond3A_322 = arith.constant 0 : i32
      %cond3A_323 = arith.cmpi ne, %convert_element_type3A_321, %cond3A_322 : i32
      scf.if %cond3A_323 {
        %dma_wait3A_332 = arith.constant 0 : i32
        %dma_wait3A_333 = arith.constant 0 : i32
        %dma_wait3A_334 = tpu.memref_slice %arg8[%dma_wait3A_332, %dma_wait3A_333] : memref<40x128xi32, #tpu.memory_space<vmem>> -> memref<1x128xi32, #tpu.memory_space<vmem>>
        %dma_wait3A_335 = tpu.memref_squeeze %dma_wait3A_334 : memref<1x128xi32, #tpu.memory_space<vmem>> -> memref<128xi32, #tpu.memory_space<vmem>>
        %dma_wait3A_336 = arith.constant 0 : i32
        %dma_wait3A_337 = arith.constant 0 : i32
        %dma_wait3A_338 = tpu.memref_slice %arg13[%dma_wait3A_336, %dma_wait3A_337] : memref<10240x64xf32, #tpu.memory_space<vmem_shared>> -> memref<10240x64xf32, #tpu.memory_space<vmem_shared>>
        tpu.wait_indirect_dma semaphore(%arg20 : memref<!tpu.dma_semaphore, #tpu.memory_space<semaphore_mem>>) src(%arg10 : memref<128x64xf32, #tpu.memory_space<vmem>>) dst(%dma_wait3A_338 : memref<10240x64xf32, #tpu.memory_space<vmem_shared>>)
      } else {
      }
      %ge3A_324 = arith.constant 2 : i32
      %ge3A_325 = arith.cmpi sge, %add3A_305, %ge3A_324 : i32
      %le3A_326 = arith.constant 37 : i32
      %le3A_327 = arith.cmpi sle, %add3A_305, %le3A_326 : i32
      %and3A_328 = arith.andi %ge3A_325, %le3A_327 : i1
      %convert_element_type3A_329 = arith.extui %and3A_328 : i1 to i32
      %cond3A_330 = arith.constant 0 : i32
      %cond3A_331 = arith.cmpi ne, %convert_element_type3A_329, %cond3A_330 : i32
      scf.if %cond3A_331 {
        %add3A_332 = arith.constant 2 : i32
        %add3A_333 = arith.addi %add3A_305, %add3A_332 : i32
        %dma_start3A_334 = arith.constant 0 : i32
        %dma_start3A_335 = tpu.memref_slice %arg7[%add3A_333, %dma_start3A_334] : memref<40x128xi32, #tpu.memory_space<vmem>> -> memref<1x128xi32, #tpu.memory_space<vmem>>
        %dma_start3A_336 = tpu.memref_squeeze %dma_start3A_335 : memref<1x128xi32, #tpu.memory_space<vmem>> -> memref<128xi32, #tpu.memory_space<vmem>>
        %dma_start3A_337 = arith.constant 0 : i32
        %dma_start3A_338 = arith.constant 0 : i32
        %dma_start3A_339 = tpu.memref_slice %arg14[%dma_start3A_337, %dma_start3A_338] : memref<10016x64xf32, #tpu.memory_space<vmem_shared>> -> memref<10016x64xf32, #tpu.memory_space<vmem_shared>>
        tpu.enqueue_indirect_dma source(%dma_start3A_339 : memref<10016x64xf32, #tpu.memory_space<vmem_shared>>) target(%arg10 : memref<128x64xf32, #tpu.memory_space<vmem>>) offsets(%dma_start3A_336 : memref<128xi32, #tpu.memory_space<vmem>>) semaphore(%arg16 : memref<!tpu.dma_semaphore, #tpu.memory_space<semaphore_mem>>)
      } else {
      }
    }
    %scan3A_143 = arith.constant 10 : i32
    %dma_wait3A_144 = arith.constant 0 : i32
    %dma_wait3A_145 = arith.constant 0 : i32
    %dma_wait3A_146 = tpu.memref_slice %arg8[%dma_wait3A_144, %dma_wait3A_145] : memref<40x128xi32, #tpu.memory_space<vmem>> -> memref<1x128xi32, #tpu.memory_space<vmem>>
    %dma_wait3A_147 = tpu.memref_squeeze %dma_wait3A_146 : memref<1x128xi32, #tpu.memory_space<vmem>> -> memref<128xi32, #tpu.memory_space<vmem>>
    %dma_wait3A_148 = arith.constant 0 : i32
    %dma_wait3A_149 = arith.constant 0 : i32
    %dma_wait3A_150 = tpu.memref_slice %arg13[%dma_wait3A_148, %dma_wait3A_149] : memref<10240x64xf32, #tpu.memory_space<vmem_shared>> -> memref<10240x64xf32, #tpu.memory_space<vmem_shared>>
    tpu.wait_indirect_dma semaphore(%arg21 : memref<!tpu.dma_semaphore, #tpu.memory_space<semaphore_mem>>) src(%arg11 : memref<128x64xf32, #tpu.memory_space<vmem>>) dst(%dma_wait3A_150 : memref<10240x64xf32, #tpu.memory_space<vmem_shared>>)
    %dma_wait3A_151 = arith.constant 0 : i32
    %dma_wait3A_152 = arith.constant 0 : i32
    %dma_wait3A_153 = tpu.memref_slice %arg8[%dma_wait3A_151, %dma_wait3A_152] : memref<40x128xi32, #tpu.memory_space<vmem>> -> memref<1x128xi32, #tpu.memory_space<vmem>>
    %dma_wait3A_154 = tpu.memref_squeeze %dma_wait3A_153 : memref<1x128xi32, #tpu.memory_space<vmem>> -> memref<128xi32, #tpu.memory_space<vmem>>
    %dma_wait3A_155 = arith.constant 0 : i32
    %dma_wait3A_156 = arith.constant 0 : i32
    %dma_wait3A_157 = tpu.memref_slice %arg13[%dma_wait3A_155, %dma_wait3A_156] : memref<10240x64xf32, #tpu.memory_space<vmem_shared>> -> memref<10240x64xf32, #tpu.memory_space<vmem_shared>>
    tpu.wait_indirect_dma semaphore(%arg22 : memref<!tpu.dma_semaphore, #tpu.memory_space<semaphore_mem>>) src(%arg12 : memref<128x64xf32, #tpu.memory_space<vmem>>) dst(%dma_wait3A_157 : memref<10240x64xf32, #tpu.memory_space<vmem_shared>>)
    %mul3A_158 = arith.constant 160 : i32
    %mul3A_159 = arith.muli %arg1, %mul3A_158 : i32
    %add3A_160 = arith.constant 120 : i32
    %add3A_161 = arith.addi %mul3A_159, %add3A_160 : i32
    "tpu.region"() ({
      %run_scoped3A = tpu.sem_alloc : memref<!tpu.dma_semaphore, #tpu.memory_space<semaphore_mem>>
      %dma_start3A_216 = arith.constant 0 : i32
      %dma_start3A_217 = tpu.memref_slice %arg2[%add3A_161, %dma_start3A_216] : memref<2560x128xi32, #tpu.memory_space<hbm>> -> memref<40x128xi32, #tpu.memory_space<hbm>>
      %dma_start3A_218 = arith.constant 0 : i32
      %dma_start3A_219 = tpu.memref_slice %arg2[%add3A_161, %dma_start3A_218] : memref<2560x128xi32, #tpu.memory_space<hbm>> -> memref<40x128xi32, #tpu.memory_space<hbm>>
      tpu.enqueue_dma source(%dma_start3A_219 : memref<40x128xi32, #tpu.memory_space<hbm>>) target(%arg7 : memref<40x128xi32, #tpu.memory_space<vmem>>) target_semaphore(%run_scoped3A : memref<!tpu.dma_semaphore, #tpu.memory_space<semaphore_mem>>)
      %dma_wait3A_220 = arith.constant 0 : i32
      %dma_wait3A_221 = tpu.memref_slice %arg2[%add3A_161, %dma_wait3A_220] : memref<2560x128xi32, #tpu.memory_space<hbm>> -> memref<40x128xi32, #tpu.memory_space<hbm>>
      %dma_wait3A_222 = arith.constant 0 : i32
      %dma_wait3A_223 = tpu.memref_slice %arg2[%add3A_161, %dma_wait3A_222] : memref<2560x128xi32, #tpu.memory_space<hbm>> -> memref<40x128xi32, #tpu.memory_space<hbm>>
      tpu.wait_dma2 semaphore(%run_scoped3A : memref<!tpu.dma_semaphore, #tpu.memory_space<semaphore_mem>>) src(%dma_wait3A_223 : memref<40x128xi32, #tpu.memory_space<hbm>>) dst(%arg7 : memref<40x128xi32, #tpu.memory_space<vmem>>)
      tpu.yield
    }) : () -> ()
    "tpu.region"() ({
      %run_scoped3A = tpu.sem_alloc : memref<!tpu.dma_semaphore, #tpu.memory_space<semaphore_mem>>
      %dma_start3A_216 = arith.constant 0 : i32
      %dma_start3A_217 = tpu.memref_slice %arg3[%add3A_161, %dma_start3A_216] : memref<2560x128xi32, #tpu.memory_space<hbm>> -> memref<40x128xi32, #tpu.memory_space<hbm>>
      %dma_start3A_218 = arith.constant 0 : i32
      %dma_start3A_219 = tpu.memref_slice %arg3[%add3A_161, %dma_start3A_218] : memref<2560x128xi32, #tpu.memory_space<hbm>> -> memref<40x128xi32, #tpu.memory_space<hbm>>
      tpu.enqueue_dma source(%dma_start3A_219 : memref<40x128xi32, #tpu.memory_space<hbm>>) target(%arg8 : memref<40x128xi32, #tpu.memory_space<vmem>>) target_semaphore(%run_scoped3A : memref<!tpu.dma_semaphore, #tpu.memory_space<semaphore_mem>>)
      %dma_wait3A_220 = arith.constant 0 : i32
      %dma_wait3A_221 = tpu.memref_slice %arg3[%add3A_161, %dma_wait3A_220] : memref<2560x128xi32, #tpu.memory_space<hbm>> -> memref<40x128xi32, #tpu.memory_space<hbm>>
      %dma_wait3A_222 = arith.constant 0 : i32
      %dma_wait3A_223 = tpu.memref_slice %arg3[%add3A_161, %dma_wait3A_222] : memref<2560x128xi32, #tpu.memory_space<hbm>> -> memref<40x128xi32, #tpu.memory_space<hbm>>
      tpu.wait_dma2 semaphore(%run_scoped3A : memref<!tpu.dma_semaphore, #tpu.memory_space<semaphore_mem>>) src(%dma_wait3A_223 : memref<40x128xi32, #tpu.memory_space<hbm>>) dst(%arg8 : memref<40x128xi32, #tpu.memory_space<vmem>>)
      tpu.yield
    }) : () -> ()
    %dma_start3A_162 = arith.constant 0 : i32
    %dma_start3A_163 = arith.constant 0 : i32
    %dma_start3A_164 = tpu.memref_slice %arg7[%dma_start3A_162, %dma_start3A_163] : memref<40x128xi32, #tpu.memory_space<vmem>> -> memref<1x128xi32, #tpu.memory_space<vmem>>
    %dma_start3A_165 = tpu.memref_squeeze %dma_start3A_164 : memref<1x128xi32, #tpu.memory_space<vmem>> -> memref<128xi32, #tpu.memory_space<vmem>>
    %dma_start3A_166 = arith.constant 0 : i32
    %dma_start3A_167 = arith.constant 0 : i32
    %dma_start3A_168 = tpu.memref_slice %arg14[%dma_start3A_166, %dma_start3A_167] : memref<10016x64xf32, #tpu.memory_space<vmem_shared>> -> memref<10016x64xf32, #tpu.memory_space<vmem_shared>>
    tpu.enqueue_indirect_dma source(%dma_start3A_168 : memref<10016x64xf32, #tpu.memory_space<vmem_shared>>) target(%arg9 : memref<128x64xf32, #tpu.memory_space<vmem>>) offsets(%dma_start3A_165 : memref<128xi32, #tpu.memory_space<vmem>>) semaphore(%arg15 : memref<!tpu.dma_semaphore, #tpu.memory_space<semaphore_mem>>)
    %dma_start3A_169 = arith.constant 1 : i32
    %dma_start3A_170 = arith.constant 0 : i32
    %dma_start3A_171 = tpu.memref_slice %arg7[%dma_start3A_169, %dma_start3A_170] : memref<40x128xi32, #tpu.memory_space<vmem>> -> memref<1x128xi32, #tpu.memory_space<vmem>>
    %dma_start3A_172 = tpu.memref_squeeze %dma_start3A_171 : memref<1x128xi32, #tpu.memory_space<vmem>> -> memref<128xi32, #tpu.memory_space<vmem>>
    %dma_start3A_173 = arith.constant 0 : i32
    %dma_start3A_174 = arith.constant 0 : i32
    %dma_start3A_175 = tpu.memref_slice %arg14[%dma_start3A_173, %dma_start3A_174] : memref<10016x64xf32, #tpu.memory_space<vmem_shared>> -> memref<10016x64xf32, #tpu.memory_space<vmem_shared>>
    tpu.enqueue_indirect_dma source(%dma_start3A_175 : memref<10016x64xf32, #tpu.memory_space<vmem_shared>>) target(%arg10 : memref<128x64xf32, #tpu.memory_space<vmem>>) offsets(%dma_start3A_172 : memref<128xi32, #tpu.memory_space<vmem>>) semaphore(%arg16 : memref<!tpu.dma_semaphore, #tpu.memory_space<semaphore_mem>>)
    %dma_start3A_176 = arith.constant 2 : i32
    %dma_start3A_177 = arith.constant 0 : i32
    %dma_start3A_178 = tpu.memref_slice %arg7[%dma_start3A_176, %dma_start3A_177] : memref<40x128xi32, #tpu.memory_space<vmem>> -> memref<1x128xi32, #tpu.memory_space<vmem>>
    %dma_start3A_179 = tpu.memref_squeeze %dma_start3A_178 : memref<1x128xi32, #tpu.memory_space<vmem>> -> memref<128xi32, #tpu.memory_space<vmem>>
    %dma_start3A_180 = arith.constant 0 : i32
    %dma_start3A_181 = arith.constant 0 : i32
    %dma_start3A_182 = tpu.memref_slice %arg14[%dma_start3A_180, %dma_start3A_181] : memref<10016x64xf32, #tpu.memory_space<vmem_shared>> -> memref<10016x64xf32, #tpu.memory_space<vmem_shared>>
    tpu.enqueue_indirect_dma source(%dma_start3A_182 : memref<10016x64xf32, #tpu.memory_space<vmem_shared>>) target(%arg11 : memref<128x64xf32, #tpu.memory_space<vmem>>) offsets(%dma_start3A_179 : memref<128xi32, #tpu.memory_space<vmem>>) semaphore(%arg17 : memref<!tpu.dma_semaphore, #tpu.memory_space<semaphore_mem>>)
    %dma_start3A_183 = arith.constant 3 : i32
    %dma_start3A_184 = arith.constant 0 : i32
    %dma_start3A_185 = tpu.memref_slice %arg7[%dma_start3A_183, %dma_start3A_184] : memref<40x128xi32, #tpu.memory_space<vmem>> -> memref<1x128xi32, #tpu.memory_space<vmem>>
    %dma_start3A_186 = tpu.memref_squeeze %dma_start3A_185 : memref<1x128xi32, #tpu.memory_space<vmem>> -> memref<128xi32, #tpu.memory_space<vmem>>
    %dma_start3A_187 = arith.constant 0 : i32
    %dma_start3A_188 = arith.constant 0 : i32
    %dma_start3A_189 = tpu.memref_slice %arg14[%dma_start3A_187, %dma_start3A_188] : memref<10016x64xf32, #tpu.memory_space<vmem_shared>> -> memref<10016x64xf32, #tpu.memory_space<vmem_shared>>
    tpu.enqueue_indirect_dma source(%dma_start3A_189 : memref<10016x64xf32, #tpu.memory_space<vmem_shared>>) target(%arg12 : memref<128x64xf32, #tpu.memory_space<vmem>>) offsets(%dma_start3A_186 : memref<128xi32, #tpu.memory_space<vmem>>) semaphore(%arg18 : memref<!tpu.dma_semaphore, #tpu.memory_space<semaphore_mem>>)
    %scan3A_190 = arith.constant 0 : i32
    %scan3A_191 = arith.constant 0 : i32
    %scan3A_192 = arith.constant 10 : i32
    %scan3A_193 = arith.addi %scan3A_191, %scan3A_192 : i32
    %scan3A_194 = arith.constant 1 : i32
    scf.for %scan3A_216 = %scan3A_191 to %scan3A_193 step %scan3A_194  : i32 {
      %mul3A_217 = arith.constant 4 : i32
      %mul3A_218 = arith.muli %scan3A_216, %mul3A_217 : i32
      %add3A_219 = arith.constant 0 : i32
      %add3A_220 = arith.addi %mul3A_218, %add3A_219 : i32
      %dma_wait3A_221 = arith.constant 0 : i32
      %dma_wait3A_222 = arith.constant 0 : i32
      %dma_wait3A_223 = tpu.memref_slice %arg7[%dma_wait3A_221, %dma_wait3A_222] : memref<40x128xi32, #tpu.memory_space<vmem>> -> memref<1x128xi32, #tpu.memory_space<vmem>>
      %dma_wait3A_224 = tpu.memref_squeeze %dma_wait3A_223 : memref<1x128xi32, #tpu.memory_space<vmem>> -> memref<128xi32, #tpu.memory_space<vmem>>
      %dma_wait3A_225 = arith.constant 0 : i32
      %dma_wait3A_226 = arith.constant 0 : i32
      %dma_wait3A_227 = tpu.memref_slice %arg4[%dma_wait3A_225, %dma_wait3A_226] : memref<20032x64xf32, #tpu.memory_space<hbm>> -> memref<20032x64xf32, #tpu.memory_space<hbm>>
      tpu.wait_indirect_dma semaphore(%arg15 : memref<!tpu.dma_semaphore, #tpu.memory_space<semaphore_mem>>) src(%dma_wait3A_227 : memref<20032x64xf32, #tpu.memory_space<hbm>>) dst(%arg9 : memref<128x64xf32, #tpu.memory_space<vmem>>)
      %dma_start3A_228 = arith.constant 0 : i32
      %dma_start3A_229 = tpu.memref_slice %arg8[%add3A_220, %dma_start3A_228] : memref<40x128xi32, #tpu.memory_space<vmem>> -> memref<1x128xi32, #tpu.memory_space<vmem>>
      %dma_start3A_230 = tpu.memref_squeeze %dma_start3A_229 : memref<1x128xi32, #tpu.memory_space<vmem>> -> memref<128xi32, #tpu.memory_space<vmem>>
      %dma_start3A_231 = arith.constant 0 : i32
      %dma_start3A_232 = arith.constant 0 : i32
      %dma_start3A_233 = tpu.memref_slice %arg13[%dma_start3A_231, %dma_start3A_232] : memref<10240x64xf32, #tpu.memory_space<vmem_shared>> -> memref<10240x64xf32, #tpu.memory_space<vmem_shared>>
      tpu.enqueue_indirect_dma source(%arg9 : memref<128x64xf32, #tpu.memory_space<vmem>>) target(%dma_start3A_233 : memref<10240x64xf32, #tpu.memory_space<vmem_shared>>) offsets(%dma_start3A_230 : memref<128xi32, #tpu.memory_space<vmem>>) semaphore(%arg19 : memref<!tpu.dma_semaphore, #tpu.memory_space<semaphore_mem>>) {add = true}
      %ge3A = arith.constant 2 : i32
      %ge3A_234 = arith.cmpi sge, %add3A_220, %ge3A : i32
      %convert_element_type3A = arith.extui %ge3A_234 : i1 to i32
      %cond3A = arith.constant 0 : i32
      %cond3A_235 = arith.cmpi ne, %convert_element_type3A, %cond3A : i32
      scf.if %cond3A_235 {
        %dma_wait3A_332 = arith.constant 0 : i32
        %dma_wait3A_333 = arith.constant 0 : i32
        %dma_wait3A_334 = tpu.memref_slice %arg8[%dma_wait3A_332, %dma_wait3A_333] : memref<40x128xi32, #tpu.memory_space<vmem>> -> memref<1x128xi32, #tpu.memory_space<vmem>>
        %dma_wait3A_335 = tpu.memref_squeeze %dma_wait3A_334 : memref<1x128xi32, #tpu.memory_space<vmem>> -> memref<128xi32, #tpu.memory_space<vmem>>
        %dma_wait3A_336 = arith.constant 0 : i32
        %dma_wait3A_337 = arith.constant 0 : i32
        %dma_wait3A_338 = tpu.memref_slice %arg13[%dma_wait3A_336, %dma_wait3A_337] : memref<10240x64xf32, #tpu.memory_space<vmem_shared>> -> memref<10240x64xf32, #tpu.memory_space<vmem_shared>>
        tpu.wait_indirect_dma semaphore(%arg21 : memref<!tpu.dma_semaphore, #tpu.memory_space<semaphore_mem>>) src(%arg11 : memref<128x64xf32, #tpu.memory_space<vmem>>) dst(%dma_wait3A_338 : memref<10240x64xf32, #tpu.memory_space<vmem_shared>>)
      } else {
      }
      %ge3A_236 = arith.constant 2 : i32
      %ge3A_237 = arith.cmpi sge, %add3A_220, %ge3A_236 : i32
      %le3A = arith.constant 37 : i32
      %le3A_238 = arith.cmpi sle, %add3A_220, %le3A : i32
      %and3A = arith.andi %ge3A_237, %le3A_238 : i1
      %convert_element_type3A_239 = arith.extui %and3A : i1 to i32
      %cond3A_240 = arith.constant 0 : i32
      %cond3A_241 = arith.cmpi ne, %convert_element_type3A_239, %cond3A_240 : i32
      scf.if %cond3A_241 {
        %add3A_332 = arith.constant 2 : i32
        %add3A_333 = arith.addi %add3A_220, %add3A_332 : i32
        %dma_start3A_334 = arith.constant 0 : i32
        %dma_start3A_335 = tpu.memref_slice %arg7[%add3A_333, %dma_start3A_334] : memref<40x128xi32, #tpu.memory_space<vmem>> -> memref<1x128xi32, #tpu.memory_space<vmem>>
        %dma_start3A_336 = tpu.memref_squeeze %dma_start3A_335 : memref<1x128xi32, #tpu.memory_space<vmem>> -> memref<128xi32, #tpu.memory_space<vmem>>
        %dma_start3A_337 = arith.constant 0 : i32
        %dma_start3A_338 = arith.constant 0 : i32
        %dma_start3A_339 = tpu.memref_slice %arg14[%dma_start3A_337, %dma_start3A_338] : memref<10016x64xf32, #tpu.memory_space<vmem_shared>> -> memref<10016x64xf32, #tpu.memory_space<vmem_shared>>
        tpu.enqueue_indirect_dma source(%dma_start3A_339 : memref<10016x64xf32, #tpu.memory_space<vmem_shared>>) target(%arg11 : memref<128x64xf32, #tpu.memory_space<vmem>>) offsets(%dma_start3A_336 : memref<128xi32, #tpu.memory_space<vmem>>) semaphore(%arg17 : memref<!tpu.dma_semaphore, #tpu.memory_space<semaphore_mem>>)
      } else {
      }
      %mul3A_242 = arith.constant 4 : i32
      %mul3A_243 = arith.muli %scan3A_216, %mul3A_242 : i32
      %add3A_244 = arith.constant 1 : i32
      %add3A_245 = arith.addi %mul3A_243, %add3A_244 : i32
      %dma_wait3A_246 = arith.constant 0 : i32
      %dma_wait3A_247 = arith.constant 0 : i32
      %dma_wait3A_248 = tpu.memref_slice %arg7[%dma_wait3A_246, %dma_wait3A_247] : memref<40x128xi32, #tpu.memory_space<vmem>> -> memref<1x128xi32, #tpu.memory_space<vmem>>
      %dma_wait3A_249 = tpu.memref_squeeze %dma_wait3A_248 : memref<1x128xi32, #tpu.memory_space<vmem>> -> memref<128xi32, #tpu.memory_space<vmem>>
      %dma_wait3A_250 = arith.constant 0 : i32
      %dma_wait3A_251 = arith.constant 0 : i32
      %dma_wait3A_252 = tpu.memref_slice %arg4[%dma_wait3A_250, %dma_wait3A_251] : memref<20032x64xf32, #tpu.memory_space<hbm>> -> memref<20032x64xf32, #tpu.memory_space<hbm>>
      tpu.wait_indirect_dma semaphore(%arg16 : memref<!tpu.dma_semaphore, #tpu.memory_space<semaphore_mem>>) src(%dma_wait3A_252 : memref<20032x64xf32, #tpu.memory_space<hbm>>) dst(%arg10 : memref<128x64xf32, #tpu.memory_space<vmem>>)
      %dma_start3A_253 = arith.constant 0 : i32
      %dma_start3A_254 = tpu.memref_slice %arg8[%add3A_245, %dma_start3A_253] : memref<40x128xi32, #tpu.memory_space<vmem>> -> memref<1x128xi32, #tpu.memory_space<vmem>>
      %dma_start3A_255 = tpu.memref_squeeze %dma_start3A_254 : memref<1x128xi32, #tpu.memory_space<vmem>> -> memref<128xi32, #tpu.memory_space<vmem>>
      %dma_start3A_256 = arith.constant 0 : i32
      %dma_start3A_257 = arith.constant 0 : i32
      %dma_start3A_258 = tpu.memref_slice %arg13[%dma_start3A_256, %dma_start3A_257] : memref<10240x64xf32, #tpu.memory_space<vmem_shared>> -> memref<10240x64xf32, #tpu.memory_space<vmem_shared>>
      tpu.enqueue_indirect_dma source(%arg10 : memref<128x64xf32, #tpu.memory_space<vmem>>) target(%dma_start3A_258 : memref<10240x64xf32, #tpu.memory_space<vmem_shared>>) offsets(%dma_start3A_255 : memref<128xi32, #tpu.memory_space<vmem>>) semaphore(%arg20 : memref<!tpu.dma_semaphore, #tpu.memory_space<semaphore_mem>>) {add = true}
      %ge3A_259 = arith.constant 2 : i32
      %ge3A_260 = arith.cmpi sge, %add3A_245, %ge3A_259 : i32
      %convert_element_type3A_261 = arith.extui %ge3A_260 : i1 to i32
      %cond3A_262 = arith.constant 0 : i32
      %cond3A_263 = arith.cmpi ne, %convert_element_type3A_261, %cond3A_262 : i32
      scf.if %cond3A_263 {
        %dma_wait3A_332 = arith.constant 0 : i32
        %dma_wait3A_333 = arith.constant 0 : i32
        %dma_wait3A_334 = tpu.memref_slice %arg8[%dma_wait3A_332, %dma_wait3A_333] : memref<40x128xi32, #tpu.memory_space<vmem>> -> memref<1x128xi32, #tpu.memory_space<vmem>>
        %dma_wait3A_335 = tpu.memref_squeeze %dma_wait3A_334 : memref<1x128xi32, #tpu.memory_space<vmem>> -> memref<128xi32, #tpu.memory_space<vmem>>
        %dma_wait3A_336 = arith.constant 0 : i32
        %dma_wait3A_337 = arith.constant 0 : i32
        %dma_wait3A_338 = tpu.memref_slice %arg13[%dma_wait3A_336, %dma_wait3A_337] : memref<10240x64xf32, #tpu.memory_space<vmem_shared>> -> memref<10240x64xf32, #tpu.memory_space<vmem_shared>>
        tpu.wait_indirect_dma semaphore(%arg22 : memref<!tpu.dma_semaphore, #tpu.memory_space<semaphore_mem>>) src(%arg12 : memref<128x64xf32, #tpu.memory_space<vmem>>) dst(%dma_wait3A_338 : memref<10240x64xf32, #tpu.memory_space<vmem_shared>>)
      } else {
      }
      %ge3A_264 = arith.constant 2 : i32
      %ge3A_265 = arith.cmpi sge, %add3A_245, %ge3A_264 : i32
      %le3A_266 = arith.constant 37 : i32
      %le3A_267 = arith.cmpi sle, %add3A_245, %le3A_266 : i32
      %and3A_268 = arith.andi %ge3A_265, %le3A_267 : i1
      %convert_element_type3A_269 = arith.extui %and3A_268 : i1 to i32
      %cond3A_270 = arith.constant 0 : i32
      %cond3A_271 = arith.cmpi ne, %convert_element_type3A_269, %cond3A_270 : i32
      scf.if %cond3A_271 {
        %add3A_332 = arith.constant 2 : i32
        %add3A_333 = arith.addi %add3A_245, %add3A_332 : i32
        %dma_start3A_334 = arith.constant 0 : i32
        %dma_start3A_335 = tpu.memref_slice %arg7[%add3A_333, %dma_start3A_334] : memref<40x128xi32, #tpu.memory_space<vmem>> -> memref<1x128xi32, #tpu.memory_space<vmem>>
        %dma_start3A_336 = tpu.memref_squeeze %dma_start3A_335 : memref<1x128xi32, #tpu.memory_space<vmem>> -> memref<128xi32, #tpu.memory_space<vmem>>
        %dma_start3A_337 = arith.constant 0 : i32
        %dma_start3A_338 = arith.constant 0 : i32
        %dma_start3A_339 = tpu.memref_slice %arg14[%dma_start3A_337, %dma_start3A_338] : memref<10016x64xf32, #tpu.memory_space<vmem_shared>> -> memref<10016x64xf32, #tpu.memory_space<vmem_shared>>
        tpu.enqueue_indirect_dma source(%dma_start3A_339 : memref<10016x64xf32, #tpu.memory_space<vmem_shared>>) target(%arg12 : memref<128x64xf32, #tpu.memory_space<vmem>>) offsets(%dma_start3A_336 : memref<128xi32, #tpu.memory_space<vmem>>) semaphore(%arg18 : memref<!tpu.dma_semaphore, #tpu.memory_space<semaphore_mem>>)
      } else {
      }
      %mul3A_272 = arith.constant 4 : i32
      %mul3A_273 = arith.muli %scan3A_216, %mul3A_272 : i32
      %add3A_274 = arith.constant 2 : i32
      %add3A_275 = arith.addi %mul3A_273, %add3A_274 : i32
      %dma_wait3A_276 = arith.constant 0 : i32
      %dma_wait3A_277 = arith.constant 0 : i32
      %dma_wait3A_278 = tpu.memref_slice %arg7[%dma_wait3A_276, %dma_wait3A_277] : memref<40x128xi32, #tpu.memory_space<vmem>> -> memref<1x128xi32, #tpu.memory_space<vmem>>
      %dma_wait3A_279 = tpu.memref_squeeze %dma_wait3A_278 : memref<1x128xi32, #tpu.memory_space<vmem>> -> memref<128xi32, #tpu.memory_space<vmem>>
      %dma_wait3A_280 = arith.constant 0 : i32
      %dma_wait3A_281 = arith.constant 0 : i32
      %dma_wait3A_282 = tpu.memref_slice %arg4[%dma_wait3A_280, %dma_wait3A_281] : memref<20032x64xf32, #tpu.memory_space<hbm>> -> memref<20032x64xf32, #tpu.memory_space<hbm>>
      tpu.wait_indirect_dma semaphore(%arg17 : memref<!tpu.dma_semaphore, #tpu.memory_space<semaphore_mem>>) src(%dma_wait3A_282 : memref<20032x64xf32, #tpu.memory_space<hbm>>) dst(%arg11 : memref<128x64xf32, #tpu.memory_space<vmem>>)
      %dma_start3A_283 = arith.constant 0 : i32
      %dma_start3A_284 = tpu.memref_slice %arg8[%add3A_275, %dma_start3A_283] : memref<40x128xi32, #tpu.memory_space<vmem>> -> memref<1x128xi32, #tpu.memory_space<vmem>>
      %dma_start3A_285 = tpu.memref_squeeze %dma_start3A_284 : memref<1x128xi32, #tpu.memory_space<vmem>> -> memref<128xi32, #tpu.memory_space<vmem>>
      %dma_start3A_286 = arith.constant 0 : i32
      %dma_start3A_287 = arith.constant 0 : i32
      %dma_start3A_288 = tpu.memref_slice %arg13[%dma_start3A_286, %dma_start3A_287] : memref<10240x64xf32, #tpu.memory_space<vmem_shared>> -> memref<10240x64xf32, #tpu.memory_space<vmem_shared>>
      tpu.enqueue_indirect_dma source(%arg11 : memref<128x64xf32, #tpu.memory_space<vmem>>) target(%dma_start3A_288 : memref<10240x64xf32, #tpu.memory_space<vmem_shared>>) offsets(%dma_start3A_285 : memref<128xi32, #tpu.memory_space<vmem>>) semaphore(%arg21 : memref<!tpu.dma_semaphore, #tpu.memory_space<semaphore_mem>>) {add = true}
      %ge3A_289 = arith.constant 2 : i32
      %ge3A_290 = arith.cmpi sge, %add3A_275, %ge3A_289 : i32
      %convert_element_type3A_291 = arith.extui %ge3A_290 : i1 to i32
      %cond3A_292 = arith.constant 0 : i32
      %cond3A_293 = arith.cmpi ne, %convert_element_type3A_291, %cond3A_292 : i32
      scf.if %cond3A_293 {
        %dma_wait3A_332 = arith.constant 0 : i32
        %dma_wait3A_333 = arith.constant 0 : i32
        %dma_wait3A_334 = tpu.memref_slice %arg8[%dma_wait3A_332, %dma_wait3A_333] : memref<40x128xi32, #tpu.memory_space<vmem>> -> memref<1x128xi32, #tpu.memory_space<vmem>>
        %dma_wait3A_335 = tpu.memref_squeeze %dma_wait3A_334 : memref<1x128xi32, #tpu.memory_space<vmem>> -> memref<128xi32, #tpu.memory_space<vmem>>
        %dma_wait3A_336 = arith.constant 0 : i32
        %dma_wait3A_337 = arith.constant 0 : i32
        %dma_wait3A_338 = tpu.memref_slice %arg13[%dma_wait3A_336, %dma_wait3A_337] : memref<10240x64xf32, #tpu.memory_space<vmem_shared>> -> memref<10240x64xf32, #tpu.memory_space<vmem_shared>>
        tpu.wait_indirect_dma semaphore(%arg19 : memref<!tpu.dma_semaphore, #tpu.memory_space<semaphore_mem>>) src(%arg9 : memref<128x64xf32, #tpu.memory_space<vmem>>) dst(%dma_wait3A_338 : memref<10240x64xf32, #tpu.memory_space<vmem_shared>>)
      } else {
      }
      %ge3A_294 = arith.constant 2 : i32
      %ge3A_295 = arith.cmpi sge, %add3A_275, %ge3A_294 : i32
      %le3A_296 = arith.constant 37 : i32
      %le3A_297 = arith.cmpi sle, %add3A_275, %le3A_296 : i32
      %and3A_298 = arith.andi %ge3A_295, %le3A_297 : i1
      %convert_element_type3A_299 = arith.extui %and3A_298 : i1 to i32
      %cond3A_300 = arith.constant 0 : i32
      %cond3A_301 = arith.cmpi ne, %convert_element_type3A_299, %cond3A_300 : i32
      scf.if %cond3A_301 {
        %add3A_332 = arith.constant 2 : i32
        %add3A_333 = arith.addi %add3A_275, %add3A_332 : i32
        %dma_start3A_334 = arith.constant 0 : i32
        %dma_start3A_335 = tpu.memref_slice %arg7[%add3A_333, %dma_start3A_334] : memref<40x128xi32, #tpu.memory_space<vmem>> -> memref<1x128xi32, #tpu.memory_space<vmem>>
        %dma_start3A_336 = tpu.memref_squeeze %dma_start3A_335 : memref<1x128xi32, #tpu.memory_space<vmem>> -> memref<128xi32, #tpu.memory_space<vmem>>
        %dma_start3A_337 = arith.constant 0 : i32
        %dma_start3A_338 = arith.constant 0 : i32
        %dma_start3A_339 = tpu.memref_slice %arg14[%dma_start3A_337, %dma_start3A_338] : memref<10016x64xf32, #tpu.memory_space<vmem_shared>> -> memref<10016x64xf32, #tpu.memory_space<vmem_shared>>
        tpu.enqueue_indirect_dma source(%dma_start3A_339 : memref<10016x64xf32, #tpu.memory_space<vmem_shared>>) target(%arg9 : memref<128x64xf32, #tpu.memory_space<vmem>>) offsets(%dma_start3A_336 : memref<128xi32, #tpu.memory_space<vmem>>) semaphore(%arg15 : memref<!tpu.dma_semaphore, #tpu.memory_space<semaphore_mem>>)
      } else {
      }
      %mul3A_302 = arith.constant 4 : i32
      %mul3A_303 = arith.muli %scan3A_216, %mul3A_302 : i32
      %add3A_304 = arith.constant 3 : i32
      %add3A_305 = arith.addi %mul3A_303, %add3A_304 : i32
      %dma_wait3A_306 = arith.constant 0 : i32
      %dma_wait3A_307 = arith.constant 0 : i32
      %dma_wait3A_308 = tpu.memref_slice %arg7[%dma_wait3A_306, %dma_wait3A_307] : memref<40x128xi32, #tpu.memory_space<vmem>> -> memref<1x128xi32, #tpu.memory_space<vmem>>
      %dma_wait3A_309 = tpu.memref_squeeze %dma_wait3A_308 : memref<1x128xi32, #tpu.memory_space<vmem>> -> memref<128xi32, #tpu.memory_space<vmem>>
      %dma_wait3A_310 = arith.constant 0 : i32
      %dma_wait3A_311 = arith.constant 0 : i32
      %dma_wait3A_312 = tpu.memref_slice %arg4[%dma_wait3A_310, %dma_wait3A_311] : memref<20032x64xf32, #tpu.memory_space<hbm>> -> memref<20032x64xf32, #tpu.memory_space<hbm>>
      tpu.wait_indirect_dma semaphore(%arg18 : memref<!tpu.dma_semaphore, #tpu.memory_space<semaphore_mem>>) src(%dma_wait3A_312 : memref<20032x64xf32, #tpu.memory_space<hbm>>) dst(%arg12 : memref<128x64xf32, #tpu.memory_space<vmem>>)
      %dma_start3A_313 = arith.constant 0 : i32
      %dma_start3A_314 = tpu.memref_slice %arg8[%add3A_305, %dma_start3A_313] : memref<40x128xi32, #tpu.memory_space<vmem>> -> memref<1x128xi32, #tpu.memory_space<vmem>>
      %dma_start3A_315 = tpu.memref_squeeze %dma_start3A_314 : memref<1x128xi32, #tpu.memory_space<vmem>> -> memref<128xi32, #tpu.memory_space<vmem>>
      %dma_start3A_316 = arith.constant 0 : i32
      %dma_start3A_317 = arith.constant 0 : i32
      %dma_start3A_318 = tpu.memref_slice %arg13[%dma_start3A_316, %dma_start3A_317] : memref<10240x64xf32, #tpu.memory_space<vmem_shared>> -> memref<10240x64xf32, #tpu.memory_space<vmem_shared>>
      tpu.enqueue_indirect_dma source(%arg12 : memref<128x64xf32, #tpu.memory_space<vmem>>) target(%dma_start3A_318 : memref<10240x64xf32, #tpu.memory_space<vmem_shared>>) offsets(%dma_start3A_315 : memref<128xi32, #tpu.memory_space<vmem>>) semaphore(%arg22 : memref<!tpu.dma_semaphore, #tpu.memory_space<semaphore_mem>>) {add = true}
      %ge3A_319 = arith.constant 2 : i32
      %ge3A_320 = arith.cmpi sge, %add3A_305, %ge3A_319 : i32
      %convert_element_type3A_321 = arith.extui %ge3A_320 : i1 to i32
      %cond3A_322 = arith.constant 0 : i32
      %cond3A_323 = arith.cmpi ne, %convert_element_type3A_321, %cond3A_322 : i32
      scf.if %cond3A_323 {
        %dma_wait3A_332 = arith.constant 0 : i32
        %dma_wait3A_333 = arith.constant 0 : i32
        %dma_wait3A_334 = tpu.memref_slice %arg8[%dma_wait3A_332, %dma_wait3A_333] : memref<40x128xi32, #tpu.memory_space<vmem>> -> memref<1x128xi32, #tpu.memory_space<vmem>>
        %dma_wait3A_335 = tpu.memref_squeeze %dma_wait3A_334 : memref<1x128xi32, #tpu.memory_space<vmem>> -> memref<128xi32, #tpu.memory_space<vmem>>
        %dma_wait3A_336 = arith.constant 0 : i32
        %dma_wait3A_337 = arith.constant 0 : i32
        %dma_wait3A_338 = tpu.memref_slice %arg13[%dma_wait3A_336, %dma_wait3A_337] : memref<10240x64xf32, #tpu.memory_space<vmem_shared>> -> memref<10240x64xf32, #tpu.memory_space<vmem_shared>>
        tpu.wait_indirect_dma semaphore(%arg20 : memref<!tpu.dma_semaphore, #tpu.memory_space<semaphore_mem>>) src(%arg10 : memref<128x64xf32, #tpu.memory_space<vmem>>) dst(%dma_wait3A_338 : memref<10240x64xf32, #tpu.memory_space<vmem_shared>>)
      } else {
      }
      %ge3A_324 = arith.constant 2 : i32
      %ge3A_325 = arith.cmpi sge, %add3A_305, %ge3A_324 : i32
      %le3A_326 = arith.constant 37 : i32
      %le3A_327 = arith.cmpi sle, %add3A_305, %le3A_326 : i32
      %and3A_328 = arith.andi %ge3A_325, %le3A_327 : i1
      %convert_element_type3A_329 = arith.extui %and3A_328 : i1 to i32
      %cond3A_330 = arith.constant 0 : i32
      %cond3A_331 = arith.cmpi ne, %convert_element_type3A_329, %cond3A_330 : i32
      scf.if %cond3A_331 {
        %add3A_332 = arith.constant 2 : i32
        %add3A_333 = arith.addi %add3A_305, %add3A_332 : i32
        %dma_start3A_334 = arith.constant 0 : i32
        %dma_start3A_335 = tpu.memref_slice %arg7[%add3A_333, %dma_start3A_334] : memref<40x128xi32, #tpu.memory_space<vmem>> -> memref<1x128xi32, #tpu.memory_space<vmem>>
        %dma_start3A_336 = tpu.memref_squeeze %dma_start3A_335 : memref<1x128xi32, #tpu.memory_space<vmem>> -> memref<128xi32, #tpu.memory_space<vmem>>
        %dma_start3A_337 = arith.constant 0 : i32
        %dma_start3A_338 = arith.constant 0 : i32
        %dma_start3A_339 = tpu.memref_slice %arg14[%dma_start3A_337, %dma_start3A_338] : memref<10016x64xf32, #tpu.memory_space<vmem_shared>> -> memref<10016x64xf32, #tpu.memory_space<vmem_shared>>
        tpu.enqueue_indirect_dma source(%dma_start3A_339 : memref<10016x64xf32, #tpu.memory_space<vmem_shared>>) target(%arg10 : memref<128x64xf32, #tpu.memory_space<vmem>>) offsets(%dma_start3A_336 : memref<128xi32, #tpu.memory_space<vmem>>) semaphore(%arg16 : memref<!tpu.dma_semaphore, #tpu.memory_space<semaphore_mem>>)
      } else {
      }
    }
    %scan3A_195 = arith.constant 10 : i32
    %dma_wait3A_196 = arith.constant 0 : i32
    %dma_wait3A_197 = arith.constant 0 : i32
    %dma_wait3A_198 = tpu.memref_slice %arg8[%dma_wait3A_196, %dma_wait3A_197] : memref<40x128xi32, #tpu.memory_space<vmem>> -> memref<1x128xi32, #tpu.memory_space<vmem>>
    %dma_wait3A_199 = tpu.memref_squeeze %dma_wait3A_198 : memref<1x128xi32, #tpu.memory_space<vmem>> -> memref<128xi32, #tpu.memory_space<vmem>>
    %dma_wait3A_200 = arith.constant 0 : i32
    %dma_wait3A_201 = arith.constant 0 : i32
    %dma_wait3A_202 = tpu.memref_slice %arg13[%dma_wait3A_200, %dma_wait3A_201] : memref<10240x64xf32, #tpu.memory_space<vmem_shared>> -> memref<10240x64xf32, #tpu.memory_space<vmem_shared>>
    tpu.wait_indirect_dma semaphore(%arg21 : memref<!tpu.dma_semaphore, #tpu.memory_space<semaphore_mem>>) src(%arg11 : memref<128x64xf32, #tpu.memory_space<vmem>>) dst(%dma_wait3A_202 : memref<10240x64xf32, #tpu.memory_space<vmem_shared>>)
    %dma_wait3A_203 = arith.constant 0 : i32
    %dma_wait3A_204 = arith.constant 0 : i32
    %dma_wait3A_205 = tpu.memref_slice %arg8[%dma_wait3A_203, %dma_wait3A_204] : memref<40x128xi32, #tpu.memory_space<vmem>> -> memref<1x128xi32, #tpu.memory_space<vmem>>
    %dma_wait3A_206 = tpu.memref_squeeze %dma_wait3A_205 : memref<1x128xi32, #tpu.memory_space<vmem>> -> memref<128xi32, #tpu.memory_space<vmem>>
    %dma_wait3A_207 = arith.constant 0 : i32
    %dma_wait3A_208 = arith.constant 0 : i32
    %dma_wait3A_209 = tpu.memref_slice %arg13[%dma_wait3A_207, %dma_wait3A_208] : memref<10240x64xf32, #tpu.memory_space<vmem_shared>> -> memref<10240x64xf32, #tpu.memory_space<vmem_shared>>
    tpu.wait_indirect_dma semaphore(%arg22 : memref<!tpu.dma_semaphore, #tpu.memory_space<semaphore_mem>>) src(%arg12 : memref<128x64xf32, #tpu.memory_space<vmem>>) dst(%dma_wait3A_209 : memref<10240x64xf32, #tpu.memory_space<vmem_shared>>)
    %barrier3A_210 = arith.constant 0 : index
    tpu.barrier barrier_id(%barrier3A_210)
    %mul3A_211 = arith.constant 640 : i32
    %mul3A_212 = arith.muli %arg1, %mul3A_211 : i32
    %mul3A_213 = arith.constant 10240 : i32
    %mul3A_214 = arith.muli %arg0, %mul3A_213 : i32
    %add3A_215 = arith.addi %mul3A_214, %mul3A_212 : i32
    "tpu.region"() ({
      %run_scoped3A = tpu.sem_alloc : memref<!tpu.dma_semaphore, #tpu.memory_space<semaphore_mem>>
      %dma_start3A_216 = arith.constant 0 : i32
      %dma_start3A_217 = tpu.memref_slice %arg6[%add3A_215, %dma_start3A_216] : memref<20480x64xf32, #tpu.memory_space<hbm>> -> memref<640x64xf32, #tpu.memory_space<hbm>>
      %dma_start3A_218 = arith.constant 0 : i32
      %dma_start3A_219 = tpu.memref_slice %arg13[%mul3A_212, %dma_start3A_218] : memref<10240x64xf32, #tpu.memory_space<vmem_shared>> -> memref<640x64xf32, #tpu.memory_space<vmem_shared>>
      tpu.enqueue_dma source(%dma_start3A_219 : memref<640x64xf32, #tpu.memory_space<vmem_shared>>) target(%dma_start3A_217 : memref<640x64xf32, #tpu.memory_space<hbm>>) target_semaphore(%run_scoped3A : memref<!tpu.dma_semaphore, #tpu.memory_space<semaphore_mem>>)
      %dma_wait3A_220 = arith.constant 0 : i32
      %dma_wait3A_221 = tpu.memref_slice %arg6[%add3A_215, %dma_wait3A_220] : memref<20480x64xf32, #tpu.memory_space<hbm>> -> memref<640x64xf32, #tpu.memory_space<hbm>>
      %dma_wait3A_222 = arith.constant 0 : i32
      %dma_wait3A_223 = tpu.memref_slice %arg13[%mul3A_212, %dma_wait3A_222] : memref<10240x64xf32, #tpu.memory_space<vmem_shared>> -> memref<640x64xf32, #tpu.memory_space<vmem_shared>>
      tpu.wait_dma2 semaphore(%run_scoped3A : memref<!tpu.dma_semaphore, #tpu.memory_space<semaphore_mem>>) src(%dma_wait3A_223 : memref<640x64xf32, #tpu.memory_space<vmem_shared>>) dst(%dma_wait3A_221 : memref<640x64xf32, #tpu.memory_space<hbm>>)
      tpu.yield
    }) : () -> ()
    return
  }
}

#map = affine_map<(d0, d1) -> (0, 0)>
module attributes {stable_mosaic.version = 14 : i64} {
  func.func @_sc_agg16(%arg0: i32, %arg1: i32, %arg2: memref<2560x128xi32, #tpu.memory_space<hbm>>, %arg3: memref<2560x128xi32, #tpu.memory_space<hbm>>, %arg4: memref<10016x16xf32, #tpu.memory_space<hbm>>, %arg5: memref<640x16xf32, #tpu.memory_space<hbm>>, %arg6: memref<20480x16xf32, #tpu.memory_space<hbm>>, %arg7: memref<80x128xi32, #tpu.memory_space<vmem>>, %arg8: memref<80x128xi32, #tpu.memory_space<vmem>>, %arg9: memref<128x16xf32, #tpu.memory_space<vmem>>, %arg10: memref<128x16xf32, #tpu.memory_space<vmem>>, %arg11: memref<128x16xf32, #tpu.memory_space<vmem>>, %arg12: memref<128x16xf32, #tpu.memory_space<vmem>>, %arg13: memref<10240x16xf32, #tpu.memory_space<vmem_shared>>, %arg14: memref<10016x16xf32, #tpu.memory_space<vmem_shared>>, %arg15: memref<!tpu.dma_semaphore, #tpu.memory_space<semaphore_mem>>, %arg16: memref<!tpu.dma_semaphore, #tpu.memory_space<semaphore_mem>>, %arg17: memref<!tpu.dma_semaphore, #tpu.memory_space<semaphore_mem>>, %arg18: memref<!tpu.dma_semaphore, #tpu.memory_space<semaphore_mem>>, %arg19: memref<!tpu.dma_semaphore, #tpu.memory_space<semaphore_mem>>, %arg20: memref<!tpu.dma_semaphore, #tpu.memory_space<semaphore_mem>>, %arg21: memref<!tpu.dma_semaphore, #tpu.memory_space<semaphore_mem>>, %arg22: memref<!tpu.dma_semaphore, #tpu.memory_space<semaphore_mem>>) attributes {dimension_semantics = [#tpu.dimension_semantics<core_parallel>, #tpu.dimension_semantics<subcore_parallel>], iteration_bounds = array<i64: 2, 16>, scalar_prefetch = 0 : i64, scratch_operands = 16 : i64, tpu.core_type = #tpu.core_type<sc_vector_subcore>, window_params = [{transform_indices = #map}, {transform_indices = #map}, {transform_indices = #map}, {transform_indices = #map}, {transform_indices = #map}]} {
    %mul3A = arith.constant 16 : i32
    %mul3A_0 = arith.muli %arg0, %mul3A : i32
    %add3A = arith.addi %mul3A_0, %arg1 : i32
    %mul3A_1 = arith.constant 640 : i32
    %mul3A_2 = arith.muli %arg1, %mul3A_1 : i32
    "tpu.region"() ({
      %run_scoped3A = tpu.sem_alloc : memref<!tpu.dma_semaphore, #tpu.memory_space<semaphore_mem>>
      %dma_start3A_58 = arith.constant 0 : i32
      %dma_start3A_59 = tpu.memref_slice %arg13[%mul3A_2, %dma_start3A_58] : memref<10240x16xf32, #tpu.memory_space<vmem_shared>> -> memref<640x16xf32, #tpu.memory_space<vmem_shared>>
      tpu.enqueue_dma source(%arg5 : memref<640x16xf32, #tpu.memory_space<hbm>>) target(%dma_start3A_59 : memref<640x16xf32, #tpu.memory_space<vmem_shared>>) target_semaphore(%run_scoped3A : memref<!tpu.dma_semaphore, #tpu.memory_space<semaphore_mem>>)
      %dma_wait3A_60 = arith.constant 0 : i32
      %dma_wait3A_61 = tpu.memref_slice %arg13[%mul3A_2, %dma_wait3A_60] : memref<10240x16xf32, #tpu.memory_space<vmem_shared>> -> memref<640x16xf32, #tpu.memory_space<vmem_shared>>
      tpu.wait_dma2 semaphore(%run_scoped3A : memref<!tpu.dma_semaphore, #tpu.memory_space<semaphore_mem>>) src(%arg5 : memref<640x16xf32, #tpu.memory_space<hbm>>) dst(%dma_wait3A_61 : memref<640x16xf32, #tpu.memory_space<vmem_shared>>)
      tpu.yield
    }) : () -> ()
    %mul3A_3 = arith.constant 626 : i32
    %mul3A_4 = arith.muli %arg1, %mul3A_3 : i32
    "tpu.region"() ({
      %run_scoped3A = tpu.sem_alloc : memref<!tpu.dma_semaphore, #tpu.memory_space<semaphore_mem>>
      %dma_start3A_58 = arith.constant 0 : i32
      %dma_start3A_59 = tpu.memref_slice %arg14[%mul3A_4, %dma_start3A_58] : memref<10016x16xf32, #tpu.memory_space<vmem_shared>> -> memref<626x16xf32, #tpu.memory_space<vmem_shared>>
      %dma_start3A_60 = arith.constant 0 : i32
      %dma_start3A_61 = tpu.memref_slice %arg4[%mul3A_4, %dma_start3A_60] : memref<10016x16xf32, #tpu.memory_space<hbm>> -> memref<626x16xf32, #tpu.memory_space<hbm>>
      tpu.enqueue_dma source(%dma_start3A_61 : memref<626x16xf32, #tpu.memory_space<hbm>>) target(%dma_start3A_59 : memref<626x16xf32, #tpu.memory_space<vmem_shared>>) target_semaphore(%run_scoped3A : memref<!tpu.dma_semaphore, #tpu.memory_space<semaphore_mem>>)
      %dma_wait3A_62 = arith.constant 0 : i32
      %dma_wait3A_63 = tpu.memref_slice %arg14[%mul3A_4, %dma_wait3A_62] : memref<10016x16xf32, #tpu.memory_space<vmem_shared>> -> memref<626x16xf32, #tpu.memory_space<vmem_shared>>
      %dma_wait3A_64 = arith.constant 0 : i32
      %dma_wait3A_65 = tpu.memref_slice %arg4[%mul3A_4, %dma_wait3A_64] : memref<10016x16xf32, #tpu.memory_space<hbm>> -> memref<626x16xf32, #tpu.memory_space<hbm>>
      tpu.wait_dma2 semaphore(%run_scoped3A : memref<!tpu.dma_semaphore, #tpu.memory_space<semaphore_mem>>) src(%dma_wait3A_65 : memref<626x16xf32, #tpu.memory_space<hbm>>) dst(%dma_wait3A_63 : memref<626x16xf32, #tpu.memory_space<vmem_shared>>)
      tpu.yield
    }) : () -> ()
    %mul3A_5 = arith.constant 80 : i32
    %mul3A_6 = arith.muli %add3A, %mul3A_5 : i32
    "tpu.region"() ({
      %run_scoped3A = tpu.sem_alloc : memref<!tpu.dma_semaphore, #tpu.memory_space<semaphore_mem>>
      %dma_start3A_58 = arith.constant 0 : i32
      %dma_start3A_59 = tpu.memref_slice %arg2[%mul3A_6, %dma_start3A_58] : memref<2560x128xi32, #tpu.memory_space<hbm>> -> memref<80x128xi32, #tpu.memory_space<hbm>>
      %dma_start3A_60 = arith.constant 0 : i32
      %dma_start3A_61 = tpu.memref_slice %arg2[%mul3A_6, %dma_start3A_60] : memref<2560x128xi32, #tpu.memory_space<hbm>> -> memref<80x128xi32, #tpu.memory_space<hbm>>
      tpu.enqueue_dma source(%dma_start3A_61 : memref<80x128xi32, #tpu.memory_space<hbm>>) target(%arg7 : memref<80x128xi32, #tpu.memory_space<vmem>>) target_semaphore(%run_scoped3A : memref<!tpu.dma_semaphore, #tpu.memory_space<semaphore_mem>>)
      %dma_wait3A_62 = arith.constant 0 : i32
      %dma_wait3A_63 = tpu.memref_slice %arg2[%mul3A_6, %dma_wait3A_62] : memref<2560x128xi32, #tpu.memory_space<hbm>> -> memref<80x128xi32, #tpu.memory_space<hbm>>
      %dma_wait3A_64 = arith.constant 0 : i32
      %dma_wait3A_65 = tpu.memref_slice %arg2[%mul3A_6, %dma_wait3A_64] : memref<2560x128xi32, #tpu.memory_space<hbm>> -> memref<80x128xi32, #tpu.memory_space<hbm>>
      tpu.wait_dma2 semaphore(%run_scoped3A : memref<!tpu.dma_semaphore, #tpu.memory_space<semaphore_mem>>) src(%dma_wait3A_65 : memref<80x128xi32, #tpu.memory_space<hbm>>) dst(%arg7 : memref<80x128xi32, #tpu.memory_space<vmem>>)
      tpu.yield
    }) : () -> ()
    "tpu.region"() ({
      %run_scoped3A = tpu.sem_alloc : memref<!tpu.dma_semaphore, #tpu.memory_space<semaphore_mem>>
      %dma_start3A_58 = arith.constant 0 : i32
      %dma_start3A_59 = tpu.memref_slice %arg3[%mul3A_6, %dma_start3A_58] : memref<2560x128xi32, #tpu.memory_space<hbm>> -> memref<80x128xi32, #tpu.memory_space<hbm>>
      %dma_start3A_60 = arith.constant 0 : i32
      %dma_start3A_61 = tpu.memref_slice %arg3[%mul3A_6, %dma_start3A_60] : memref<2560x128xi32, #tpu.memory_space<hbm>> -> memref<80x128xi32, #tpu.memory_space<hbm>>
      tpu.enqueue_dma source(%dma_start3A_61 : memref<80x128xi32, #tpu.memory_space<hbm>>) target(%arg8 : memref<80x128xi32, #tpu.memory_space<vmem>>) target_semaphore(%run_scoped3A : memref<!tpu.dma_semaphore, #tpu.memory_space<semaphore_mem>>)
      %dma_wait3A_62 = arith.constant 0 : i32
      %dma_wait3A_63 = tpu.memref_slice %arg3[%mul3A_6, %dma_wait3A_62] : memref<2560x128xi32, #tpu.memory_space<hbm>> -> memref<80x128xi32, #tpu.memory_space<hbm>>
      %dma_wait3A_64 = arith.constant 0 : i32
      %dma_wait3A_65 = tpu.memref_slice %arg3[%mul3A_6, %dma_wait3A_64] : memref<2560x128xi32, #tpu.memory_space<hbm>> -> memref<80x128xi32, #tpu.memory_space<hbm>>
      tpu.wait_dma2 semaphore(%run_scoped3A : memref<!tpu.dma_semaphore, #tpu.memory_space<semaphore_mem>>) src(%dma_wait3A_65 : memref<80x128xi32, #tpu.memory_space<hbm>>) dst(%arg8 : memref<80x128xi32, #tpu.memory_space<vmem>>)
      tpu.yield
    }) : () -> ()
    %barrier3A = arith.constant 0 : index
    tpu.barrier barrier_id(%barrier3A)
    %dma_start3A = arith.constant 0 : i32
    %dma_start3A_7 = arith.constant 0 : i32
    %dma_start3A_8 = tpu.memref_slice %arg7[%dma_start3A, %dma_start3A_7] : memref<80x128xi32, #tpu.memory_space<vmem>> -> memref<1x128xi32, #tpu.memory_space<vmem>>
    %dma_start3A_9 = tpu.memref_squeeze %dma_start3A_8 : memref<1x128xi32, #tpu.memory_space<vmem>> -> memref<128xi32, #tpu.memory_space<vmem>>
    %dma_start3A_10 = arith.constant 0 : i32
    %dma_start3A_11 = arith.constant 0 : i32
    %dma_start3A_12 = tpu.memref_slice %arg14[%dma_start3A_10, %dma_start3A_11] : memref<10016x16xf32, #tpu.memory_space<vmem_shared>> -> memref<10016x16xf32, #tpu.memory_space<vmem_shared>>
    tpu.enqueue_indirect_dma source(%dma_start3A_12 : memref<10016x16xf32, #tpu.memory_space<vmem_shared>>) target(%arg9 : memref<128x16xf32, #tpu.memory_space<vmem>>) offsets(%dma_start3A_9 : memref<128xi32, #tpu.memory_space<vmem>>) semaphore(%arg15 : memref<!tpu.dma_semaphore, #tpu.memory_space<semaphore_mem>>)
    %dma_start3A_13 = arith.constant 1 : i32
    %dma_start3A_14 = arith.constant 0 : i32
    %dma_start3A_15 = tpu.memref_slice %arg7[%dma_start3A_13, %dma_start3A_14] : memref<80x128xi32, #tpu.memory_space<vmem>> -> memref<1x128xi32, #tpu.memory_space<vmem>>
    %dma_start3A_16 = tpu.memref_squeeze %dma_start3A_15 : memref<1x128xi32, #tpu.memory_space<vmem>> -> memref<128xi32, #tpu.memory_space<vmem>>
    %dma_start3A_17 = arith.constant 0 : i32
    %dma_start3A_18 = arith.constant 0 : i32
    %dma_start3A_19 = tpu.memref_slice %arg14[%dma_start3A_17, %dma_start3A_18] : memref<10016x16xf32, #tpu.memory_space<vmem_shared>> -> memref<10016x16xf32, #tpu.memory_space<vmem_shared>>
    tpu.enqueue_indirect_dma source(%dma_start3A_19 : memref<10016x16xf32, #tpu.memory_space<vmem_shared>>) target(%arg10 : memref<128x16xf32, #tpu.memory_space<vmem>>) offsets(%dma_start3A_16 : memref<128xi32, #tpu.memory_space<vmem>>) semaphore(%arg16 : memref<!tpu.dma_semaphore, #tpu.memory_space<semaphore_mem>>)
    %dma_start3A_20 = arith.constant 2 : i32
    %dma_start3A_21 = arith.constant 0 : i32
    %dma_start3A_22 = tpu.memref_slice %arg7[%dma_start3A_20, %dma_start3A_21] : memref<80x128xi32, #tpu.memory_space<vmem>> -> memref<1x128xi32, #tpu.memory_space<vmem>>
    %dma_start3A_23 = tpu.memref_squeeze %dma_start3A_22 : memref<1x128xi32, #tpu.memory_space<vmem>> -> memref<128xi32, #tpu.memory_space<vmem>>
    %dma_start3A_24 = arith.constant 0 : i32
    %dma_start3A_25 = arith.constant 0 : i32
    %dma_start3A_26 = tpu.memref_slice %arg14[%dma_start3A_24, %dma_start3A_25] : memref<10016x16xf32, #tpu.memory_space<vmem_shared>> -> memref<10016x16xf32, #tpu.memory_space<vmem_shared>>
    tpu.enqueue_indirect_dma source(%dma_start3A_26 : memref<10016x16xf32, #tpu.memory_space<vmem_shared>>) target(%arg11 : memref<128x16xf32, #tpu.memory_space<vmem>>) offsets(%dma_start3A_23 : memref<128xi32, #tpu.memory_space<vmem>>) semaphore(%arg17 : memref<!tpu.dma_semaphore, #tpu.memory_space<semaphore_mem>>)
    %dma_start3A_27 = arith.constant 3 : i32
    %dma_start3A_28 = arith.constant 0 : i32
    %dma_start3A_29 = tpu.memref_slice %arg7[%dma_start3A_27, %dma_start3A_28] : memref<80x128xi32, #tpu.memory_space<vmem>> -> memref<1x128xi32, #tpu.memory_space<vmem>>
    %dma_start3A_30 = tpu.memref_squeeze %dma_start3A_29 : memref<1x128xi32, #tpu.memory_space<vmem>> -> memref<128xi32, #tpu.memory_space<vmem>>
    %dma_start3A_31 = arith.constant 0 : i32
    %dma_start3A_32 = arith.constant 0 : i32
    %dma_start3A_33 = tpu.memref_slice %arg14[%dma_start3A_31, %dma_start3A_32] : memref<10016x16xf32, #tpu.memory_space<vmem_shared>> -> memref<10016x16xf32, #tpu.memory_space<vmem_shared>>
    tpu.enqueue_indirect_dma source(%dma_start3A_33 : memref<10016x16xf32, #tpu.memory_space<vmem_shared>>) target(%arg12 : memref<128x16xf32, #tpu.memory_space<vmem>>) offsets(%dma_start3A_30 : memref<128xi32, #tpu.memory_space<vmem>>) semaphore(%arg18 : memref<!tpu.dma_semaphore, #tpu.memory_space<semaphore_mem>>)
    %scan3A = arith.constant 0 : i32
    %scan3A_34 = arith.constant 0 : i32
    %scan3A_35 = arith.constant 20 : i32
    %scan3A_36 = arith.addi %scan3A_34, %scan3A_35 : i32
    %scan3A_37 = arith.constant 1 : i32
    scf.for %scan3A_58 = %scan3A_34 to %scan3A_36 step %scan3A_37  : i32 {
      %mul3A_59 = arith.constant 4 : i32
      %mul3A_60 = arith.muli %scan3A_58, %mul3A_59 : i32
      %add3A_61 = arith.constant 0 : i32
      %add3A_62 = arith.addi %mul3A_60, %add3A_61 : i32
      %dma_wait3A_63 = arith.constant 0 : i32
      %dma_wait3A_64 = arith.constant 0 : i32
      %dma_wait3A_65 = tpu.memref_slice %arg7[%dma_wait3A_63, %dma_wait3A_64] : memref<80x128xi32, #tpu.memory_space<vmem>> -> memref<1x128xi32, #tpu.memory_space<vmem>>
      %dma_wait3A_66 = tpu.memref_squeeze %dma_wait3A_65 : memref<1x128xi32, #tpu.memory_space<vmem>> -> memref<128xi32, #tpu.memory_space<vmem>>
      %dma_wait3A_67 = arith.constant 0 : i32
      %dma_wait3A_68 = arith.constant 0 : i32
      %dma_wait3A_69 = tpu.memref_slice %arg4[%dma_wait3A_67, %dma_wait3A_68] : memref<10016x16xf32, #tpu.memory_space<hbm>> -> memref<10016x16xf32, #tpu.memory_space<hbm>>
      tpu.wait_indirect_dma semaphore(%arg15 : memref<!tpu.dma_semaphore, #tpu.memory_space<semaphore_mem>>) src(%dma_wait3A_69 : memref<10016x16xf32, #tpu.memory_space<hbm>>) dst(%arg9 : memref<128x16xf32, #tpu.memory_space<vmem>>)
      %dma_start3A_70 = arith.constant 0 : i32
      %dma_start3A_71 = tpu.memref_slice %arg8[%add3A_62, %dma_start3A_70] : memref<80x128xi32, #tpu.memory_space<vmem>> -> memref<1x128xi32, #tpu.memory_space<vmem>>
      %dma_start3A_72 = tpu.memref_squeeze %dma_start3A_71 : memref<1x128xi32, #tpu.memory_space<vmem>> -> memref<128xi32, #tpu.memory_space<vmem>>
      %dma_start3A_73 = arith.constant 0 : i32
      %dma_start3A_74 = arith.constant 0 : i32
      %dma_start3A_75 = tpu.memref_slice %arg13[%dma_start3A_73, %dma_start3A_74] : memref<10240x16xf32, #tpu.memory_space<vmem_shared>> -> memref<10240x16xf32, #tpu.memory_space<vmem_shared>>
      tpu.enqueue_indirect_dma source(%arg9 : memref<128x16xf32, #tpu.memory_space<vmem>>) target(%dma_start3A_75 : memref<10240x16xf32, #tpu.memory_space<vmem_shared>>) offsets(%dma_start3A_72 : memref<128xi32, #tpu.memory_space<vmem>>) semaphore(%arg19 : memref<!tpu.dma_semaphore, #tpu.memory_space<semaphore_mem>>) {add = true}
      %ge3A = arith.constant 2 : i32
      %ge3A_76 = arith.cmpi sge, %add3A_62, %ge3A : i32
      %convert_element_type3A = arith.extui %ge3A_76 : i1 to i32
      %cond3A = arith.constant 0 : i32
      %cond3A_77 = arith.cmpi ne, %convert_element_type3A, %cond3A : i32
      scf.if %cond3A_77 {
        %dma_wait3A_174 = arith.constant 0 : i32
        %dma_wait3A_175 = arith.constant 0 : i32
        %dma_wait3A_176 = tpu.memref_slice %arg8[%dma_wait3A_174, %dma_wait3A_175] : memref<80x128xi32, #tpu.memory_space<vmem>> -> memref<1x128xi32, #tpu.memory_space<vmem>>
        %dma_wait3A_177 = tpu.memref_squeeze %dma_wait3A_176 : memref<1x128xi32, #tpu.memory_space<vmem>> -> memref<128xi32, #tpu.memory_space<vmem>>
        %dma_wait3A_178 = arith.constant 0 : i32
        %dma_wait3A_179 = arith.constant 0 : i32
        %dma_wait3A_180 = tpu.memref_slice %arg13[%dma_wait3A_178, %dma_wait3A_179] : memref<10240x16xf32, #tpu.memory_space<vmem_shared>> -> memref<10240x16xf32, #tpu.memory_space<vmem_shared>>
        tpu.wait_indirect_dma semaphore(%arg21 : memref<!tpu.dma_semaphore, #tpu.memory_space<semaphore_mem>>) src(%arg11 : memref<128x16xf32, #tpu.memory_space<vmem>>) dst(%dma_wait3A_180 : memref<10240x16xf32, #tpu.memory_space<vmem_shared>>)
      } else {
      }
      %ge3A_78 = arith.constant 2 : i32
      %ge3A_79 = arith.cmpi sge, %add3A_62, %ge3A_78 : i32
      %le3A = arith.constant 77 : i32
      %le3A_80 = arith.cmpi sle, %add3A_62, %le3A : i32
      %and3A = arith.andi %ge3A_79, %le3A_80 : i1
      %convert_element_type3A_81 = arith.extui %and3A : i1 to i32
      %cond3A_82 = arith.constant 0 : i32
      %cond3A_83 = arith.cmpi ne, %convert_element_type3A_81, %cond3A_82 : i32
      scf.if %cond3A_83 {
        %add3A_174 = arith.constant 2 : i32
        %add3A_175 = arith.addi %add3A_62, %add3A_174 : i32
        %dma_start3A_176 = arith.constant 0 : i32
        %dma_start3A_177 = tpu.memref_slice %arg7[%add3A_175, %dma_start3A_176] : memref<80x128xi32, #tpu.memory_space<vmem>> -> memref<1x128xi32, #tpu.memory_space<vmem>>
        %dma_start3A_178 = tpu.memref_squeeze %dma_start3A_177 : memref<1x128xi32, #tpu.memory_space<vmem>> -> memref<128xi32, #tpu.memory_space<vmem>>
        %dma_start3A_179 = arith.constant 0 : i32
        %dma_start3A_180 = arith.constant 0 : i32
        %dma_start3A_181 = tpu.memref_slice %arg14[%dma_start3A_179, %dma_start3A_180] : memref<10016x16xf32, #tpu.memory_space<vmem_shared>> -> memref<10016x16xf32, #tpu.memory_space<vmem_shared>>
        tpu.enqueue_indirect_dma source(%dma_start3A_181 : memref<10016x16xf32, #tpu.memory_space<vmem_shared>>) target(%arg11 : memref<128x16xf32, #tpu.memory_space<vmem>>) offsets(%dma_start3A_178 : memref<128xi32, #tpu.memory_space<vmem>>) semaphore(%arg17 : memref<!tpu.dma_semaphore, #tpu.memory_space<semaphore_mem>>)
      } else {
      }
      %mul3A_84 = arith.constant 4 : i32
      %mul3A_85 = arith.muli %scan3A_58, %mul3A_84 : i32
      %add3A_86 = arith.constant 1 : i32
      %add3A_87 = arith.addi %mul3A_85, %add3A_86 : i32
      %dma_wait3A_88 = arith.constant 0 : i32
      %dma_wait3A_89 = arith.constant 0 : i32
      %dma_wait3A_90 = tpu.memref_slice %arg7[%dma_wait3A_88, %dma_wait3A_89] : memref<80x128xi32, #tpu.memory_space<vmem>> -> memref<1x128xi32, #tpu.memory_space<vmem>>
      %dma_wait3A_91 = tpu.memref_squeeze %dma_wait3A_90 : memref<1x128xi32, #tpu.memory_space<vmem>> -> memref<128xi32, #tpu.memory_space<vmem>>
      %dma_wait3A_92 = arith.constant 0 : i32
      %dma_wait3A_93 = arith.constant 0 : i32
      %dma_wait3A_94 = tpu.memref_slice %arg4[%dma_wait3A_92, %dma_wait3A_93] : memref<10016x16xf32, #tpu.memory_space<hbm>> -> memref<10016x16xf32, #tpu.memory_space<hbm>>
      tpu.wait_indirect_dma semaphore(%arg16 : memref<!tpu.dma_semaphore, #tpu.memory_space<semaphore_mem>>) src(%dma_wait3A_94 : memref<10016x16xf32, #tpu.memory_space<hbm>>) dst(%arg10 : memref<128x16xf32, #tpu.memory_space<vmem>>)
      %dma_start3A_95 = arith.constant 0 : i32
      %dma_start3A_96 = tpu.memref_slice %arg8[%add3A_87, %dma_start3A_95] : memref<80x128xi32, #tpu.memory_space<vmem>> -> memref<1x128xi32, #tpu.memory_space<vmem>>
      %dma_start3A_97 = tpu.memref_squeeze %dma_start3A_96 : memref<1x128xi32, #tpu.memory_space<vmem>> -> memref<128xi32, #tpu.memory_space<vmem>>
      %dma_start3A_98 = arith.constant 0 : i32
      %dma_start3A_99 = arith.constant 0 : i32
      %dma_start3A_100 = tpu.memref_slice %arg13[%dma_start3A_98, %dma_start3A_99] : memref<10240x16xf32, #tpu.memory_space<vmem_shared>> -> memref<10240x16xf32, #tpu.memory_space<vmem_shared>>
      tpu.enqueue_indirect_dma source(%arg10 : memref<128x16xf32, #tpu.memory_space<vmem>>) target(%dma_start3A_100 : memref<10240x16xf32, #tpu.memory_space<vmem_shared>>) offsets(%dma_start3A_97 : memref<128xi32, #tpu.memory_space<vmem>>) semaphore(%arg20 : memref<!tpu.dma_semaphore, #tpu.memory_space<semaphore_mem>>) {add = true}
      %ge3A_101 = arith.constant 2 : i32
      %ge3A_102 = arith.cmpi sge, %add3A_87, %ge3A_101 : i32
      %convert_element_type3A_103 = arith.extui %ge3A_102 : i1 to i32
      %cond3A_104 = arith.constant 0 : i32
      %cond3A_105 = arith.cmpi ne, %convert_element_type3A_103, %cond3A_104 : i32
      scf.if %cond3A_105 {
        %dma_wait3A_174 = arith.constant 0 : i32
        %dma_wait3A_175 = arith.constant 0 : i32
        %dma_wait3A_176 = tpu.memref_slice %arg8[%dma_wait3A_174, %dma_wait3A_175] : memref<80x128xi32, #tpu.memory_space<vmem>> -> memref<1x128xi32, #tpu.memory_space<vmem>>
        %dma_wait3A_177 = tpu.memref_squeeze %dma_wait3A_176 : memref<1x128xi32, #tpu.memory_space<vmem>> -> memref<128xi32, #tpu.memory_space<vmem>>
        %dma_wait3A_178 = arith.constant 0 : i32
        %dma_wait3A_179 = arith.constant 0 : i32
        %dma_wait3A_180 = tpu.memref_slice %arg13[%dma_wait3A_178, %dma_wait3A_179] : memref<10240x16xf32, #tpu.memory_space<vmem_shared>> -> memref<10240x16xf32, #tpu.memory_space<vmem_shared>>
        tpu.wait_indirect_dma semaphore(%arg22 : memref<!tpu.dma_semaphore, #tpu.memory_space<semaphore_mem>>) src(%arg12 : memref<128x16xf32, #tpu.memory_space<vmem>>) dst(%dma_wait3A_180 : memref<10240x16xf32, #tpu.memory_space<vmem_shared>>)
      } else {
      }
      %ge3A_106 = arith.constant 2 : i32
      %ge3A_107 = arith.cmpi sge, %add3A_87, %ge3A_106 : i32
      %le3A_108 = arith.constant 77 : i32
      %le3A_109 = arith.cmpi sle, %add3A_87, %le3A_108 : i32
      %and3A_110 = arith.andi %ge3A_107, %le3A_109 : i1
      %convert_element_type3A_111 = arith.extui %and3A_110 : i1 to i32
      %cond3A_112 = arith.constant 0 : i32
      %cond3A_113 = arith.cmpi ne, %convert_element_type3A_111, %cond3A_112 : i32
      scf.if %cond3A_113 {
        %add3A_174 = arith.constant 2 : i32
        %add3A_175 = arith.addi %add3A_87, %add3A_174 : i32
        %dma_start3A_176 = arith.constant 0 : i32
        %dma_start3A_177 = tpu.memref_slice %arg7[%add3A_175, %dma_start3A_176] : memref<80x128xi32, #tpu.memory_space<vmem>> -> memref<1x128xi32, #tpu.memory_space<vmem>>
        %dma_start3A_178 = tpu.memref_squeeze %dma_start3A_177 : memref<1x128xi32, #tpu.memory_space<vmem>> -> memref<128xi32, #tpu.memory_space<vmem>>
        %dma_start3A_179 = arith.constant 0 : i32
        %dma_start3A_180 = arith.constant 0 : i32
        %dma_start3A_181 = tpu.memref_slice %arg14[%dma_start3A_179, %dma_start3A_180] : memref<10016x16xf32, #tpu.memory_space<vmem_shared>> -> memref<10016x16xf32, #tpu.memory_space<vmem_shared>>
        tpu.enqueue_indirect_dma source(%dma_start3A_181 : memref<10016x16xf32, #tpu.memory_space<vmem_shared>>) target(%arg12 : memref<128x16xf32, #tpu.memory_space<vmem>>) offsets(%dma_start3A_178 : memref<128xi32, #tpu.memory_space<vmem>>) semaphore(%arg18 : memref<!tpu.dma_semaphore, #tpu.memory_space<semaphore_mem>>)
      } else {
      }
      %mul3A_114 = arith.constant 4 : i32
      %mul3A_115 = arith.muli %scan3A_58, %mul3A_114 : i32
      %add3A_116 = arith.constant 2 : i32
      %add3A_117 = arith.addi %mul3A_115, %add3A_116 : i32
      %dma_wait3A_118 = arith.constant 0 : i32
      %dma_wait3A_119 = arith.constant 0 : i32
      %dma_wait3A_120 = tpu.memref_slice %arg7[%dma_wait3A_118, %dma_wait3A_119] : memref<80x128xi32, #tpu.memory_space<vmem>> -> memref<1x128xi32, #tpu.memory_space<vmem>>
      %dma_wait3A_121 = tpu.memref_squeeze %dma_wait3A_120 : memref<1x128xi32, #tpu.memory_space<vmem>> -> memref<128xi32, #tpu.memory_space<vmem>>
      %dma_wait3A_122 = arith.constant 0 : i32
      %dma_wait3A_123 = arith.constant 0 : i32
      %dma_wait3A_124 = tpu.memref_slice %arg4[%dma_wait3A_122, %dma_wait3A_123] : memref<10016x16xf32, #tpu.memory_space<hbm>> -> memref<10016x16xf32, #tpu.memory_space<hbm>>
      tpu.wait_indirect_dma semaphore(%arg17 : memref<!tpu.dma_semaphore, #tpu.memory_space<semaphore_mem>>) src(%dma_wait3A_124 : memref<10016x16xf32, #tpu.memory_space<hbm>>) dst(%arg11 : memref<128x16xf32, #tpu.memory_space<vmem>>)
      %dma_start3A_125 = arith.constant 0 : i32
      %dma_start3A_126 = tpu.memref_slice %arg8[%add3A_117, %dma_start3A_125] : memref<80x128xi32, #tpu.memory_space<vmem>> -> memref<1x128xi32, #tpu.memory_space<vmem>>
      %dma_start3A_127 = tpu.memref_squeeze %dma_start3A_126 : memref<1x128xi32, #tpu.memory_space<vmem>> -> memref<128xi32, #tpu.memory_space<vmem>>
      %dma_start3A_128 = arith.constant 0 : i32
      %dma_start3A_129 = arith.constant 0 : i32
      %dma_start3A_130 = tpu.memref_slice %arg13[%dma_start3A_128, %dma_start3A_129] : memref<10240x16xf32, #tpu.memory_space<vmem_shared>> -> memref<10240x16xf32, #tpu.memory_space<vmem_shared>>
      tpu.enqueue_indirect_dma source(%arg11 : memref<128x16xf32, #tpu.memory_space<vmem>>) target(%dma_start3A_130 : memref<10240x16xf32, #tpu.memory_space<vmem_shared>>) offsets(%dma_start3A_127 : memref<128xi32, #tpu.memory_space<vmem>>) semaphore(%arg21 : memref<!tpu.dma_semaphore, #tpu.memory_space<semaphore_mem>>) {add = true}
      %ge3A_131 = arith.constant 2 : i32
      %ge3A_132 = arith.cmpi sge, %add3A_117, %ge3A_131 : i32
      %convert_element_type3A_133 = arith.extui %ge3A_132 : i1 to i32
      %cond3A_134 = arith.constant 0 : i32
      %cond3A_135 = arith.cmpi ne, %convert_element_type3A_133, %cond3A_134 : i32
      scf.if %cond3A_135 {
        %dma_wait3A_174 = arith.constant 0 : i32
        %dma_wait3A_175 = arith.constant 0 : i32
        %dma_wait3A_176 = tpu.memref_slice %arg8[%dma_wait3A_174, %dma_wait3A_175] : memref<80x128xi32, #tpu.memory_space<vmem>> -> memref<1x128xi32, #tpu.memory_space<vmem>>
        %dma_wait3A_177 = tpu.memref_squeeze %dma_wait3A_176 : memref<1x128xi32, #tpu.memory_space<vmem>> -> memref<128xi32, #tpu.memory_space<vmem>>
        %dma_wait3A_178 = arith.constant 0 : i32
        %dma_wait3A_179 = arith.constant 0 : i32
        %dma_wait3A_180 = tpu.memref_slice %arg13[%dma_wait3A_178, %dma_wait3A_179] : memref<10240x16xf32, #tpu.memory_space<vmem_shared>> -> memref<10240x16xf32, #tpu.memory_space<vmem_shared>>
        tpu.wait_indirect_dma semaphore(%arg19 : memref<!tpu.dma_semaphore, #tpu.memory_space<semaphore_mem>>) src(%arg9 : memref<128x16xf32, #tpu.memory_space<vmem>>) dst(%dma_wait3A_180 : memref<10240x16xf32, #tpu.memory_space<vmem_shared>>)
      } else {
      }
      %ge3A_136 = arith.constant 2 : i32
      %ge3A_137 = arith.cmpi sge, %add3A_117, %ge3A_136 : i32
      %le3A_138 = arith.constant 77 : i32
      %le3A_139 = arith.cmpi sle, %add3A_117, %le3A_138 : i32
      %and3A_140 = arith.andi %ge3A_137, %le3A_139 : i1
      %convert_element_type3A_141 = arith.extui %and3A_140 : i1 to i32
      %cond3A_142 = arith.constant 0 : i32
      %cond3A_143 = arith.cmpi ne, %convert_element_type3A_141, %cond3A_142 : i32
      scf.if %cond3A_143 {
        %add3A_174 = arith.constant 2 : i32
        %add3A_175 = arith.addi %add3A_117, %add3A_174 : i32
        %dma_start3A_176 = arith.constant 0 : i32
        %dma_start3A_177 = tpu.memref_slice %arg7[%add3A_175, %dma_start3A_176] : memref<80x128xi32, #tpu.memory_space<vmem>> -> memref<1x128xi32, #tpu.memory_space<vmem>>
        %dma_start3A_178 = tpu.memref_squeeze %dma_start3A_177 : memref<1x128xi32, #tpu.memory_space<vmem>> -> memref<128xi32, #tpu.memory_space<vmem>>
        %dma_start3A_179 = arith.constant 0 : i32
        %dma_start3A_180 = arith.constant 0 : i32
        %dma_start3A_181 = tpu.memref_slice %arg14[%dma_start3A_179, %dma_start3A_180] : memref<10016x16xf32, #tpu.memory_space<vmem_shared>> -> memref<10016x16xf32, #tpu.memory_space<vmem_shared>>
        tpu.enqueue_indirect_dma source(%dma_start3A_181 : memref<10016x16xf32, #tpu.memory_space<vmem_shared>>) target(%arg9 : memref<128x16xf32, #tpu.memory_space<vmem>>) offsets(%dma_start3A_178 : memref<128xi32, #tpu.memory_space<vmem>>) semaphore(%arg15 : memref<!tpu.dma_semaphore, #tpu.memory_space<semaphore_mem>>)
      } else {
      }
      %mul3A_144 = arith.constant 4 : i32
      %mul3A_145 = arith.muli %scan3A_58, %mul3A_144 : i32
      %add3A_146 = arith.constant 3 : i32
      %add3A_147 = arith.addi %mul3A_145, %add3A_146 : i32
      %dma_wait3A_148 = arith.constant 0 : i32
      %dma_wait3A_149 = arith.constant 0 : i32
      %dma_wait3A_150 = tpu.memref_slice %arg7[%dma_wait3A_148, %dma_wait3A_149] : memref<80x128xi32, #tpu.memory_space<vmem>> -> memref<1x128xi32, #tpu.memory_space<vmem>>
      %dma_wait3A_151 = tpu.memref_squeeze %dma_wait3A_150 : memref<1x128xi32, #tpu.memory_space<vmem>> -> memref<128xi32, #tpu.memory_space<vmem>>
      %dma_wait3A_152 = arith.constant 0 : i32
      %dma_wait3A_153 = arith.constant 0 : i32
      %dma_wait3A_154 = tpu.memref_slice %arg4[%dma_wait3A_152, %dma_wait3A_153] : memref<10016x16xf32, #tpu.memory_space<hbm>> -> memref<10016x16xf32, #tpu.memory_space<hbm>>
      tpu.wait_indirect_dma semaphore(%arg18 : memref<!tpu.dma_semaphore, #tpu.memory_space<semaphore_mem>>) src(%dma_wait3A_154 : memref<10016x16xf32, #tpu.memory_space<hbm>>) dst(%arg12 : memref<128x16xf32, #tpu.memory_space<vmem>>)
      %dma_start3A_155 = arith.constant 0 : i32
      %dma_start3A_156 = tpu.memref_slice %arg8[%add3A_147, %dma_start3A_155] : memref<80x128xi32, #tpu.memory_space<vmem>> -> memref<1x128xi32, #tpu.memory_space<vmem>>
      %dma_start3A_157 = tpu.memref_squeeze %dma_start3A_156 : memref<1x128xi32, #tpu.memory_space<vmem>> -> memref<128xi32, #tpu.memory_space<vmem>>
      %dma_start3A_158 = arith.constant 0 : i32
      %dma_start3A_159 = arith.constant 0 : i32
      %dma_start3A_160 = tpu.memref_slice %arg13[%dma_start3A_158, %dma_start3A_159] : memref<10240x16xf32, #tpu.memory_space<vmem_shared>> -> memref<10240x16xf32, #tpu.memory_space<vmem_shared>>
      tpu.enqueue_indirect_dma source(%arg12 : memref<128x16xf32, #tpu.memory_space<vmem>>) target(%dma_start3A_160 : memref<10240x16xf32, #tpu.memory_space<vmem_shared>>) offsets(%dma_start3A_157 : memref<128xi32, #tpu.memory_space<vmem>>) semaphore(%arg22 : memref<!tpu.dma_semaphore, #tpu.memory_space<semaphore_mem>>) {add = true}
      %ge3A_161 = arith.constant 2 : i32
      %ge3A_162 = arith.cmpi sge, %add3A_147, %ge3A_161 : i32
      %convert_element_type3A_163 = arith.extui %ge3A_162 : i1 to i32
      %cond3A_164 = arith.constant 0 : i32
      %cond3A_165 = arith.cmpi ne, %convert_element_type3A_163, %cond3A_164 : i32
      scf.if %cond3A_165 {
        %dma_wait3A_174 = arith.constant 0 : i32
        %dma_wait3A_175 = arith.constant 0 : i32
        %dma_wait3A_176 = tpu.memref_slice %arg8[%dma_wait3A_174, %dma_wait3A_175] : memref<80x128xi32, #tpu.memory_space<vmem>> -> memref<1x128xi32, #tpu.memory_space<vmem>>
        %dma_wait3A_177 = tpu.memref_squeeze %dma_wait3A_176 : memref<1x128xi32, #tpu.memory_space<vmem>> -> memref<128xi32, #tpu.memory_space<vmem>>
        %dma_wait3A_178 = arith.constant 0 : i32
        %dma_wait3A_179 = arith.constant 0 : i32
        %dma_wait3A_180 = tpu.memref_slice %arg13[%dma_wait3A_178, %dma_wait3A_179] : memref<10240x16xf32, #tpu.memory_space<vmem_shared>> -> memref<10240x16xf32, #tpu.memory_space<vmem_shared>>
        tpu.wait_indirect_dma semaphore(%arg20 : memref<!tpu.dma_semaphore, #tpu.memory_space<semaphore_mem>>) src(%arg10 : memref<128x16xf32, #tpu.memory_space<vmem>>) dst(%dma_wait3A_180 : memref<10240x16xf32, #tpu.memory_space<vmem_shared>>)
      } else {
      }
      %ge3A_166 = arith.constant 2 : i32
      %ge3A_167 = arith.cmpi sge, %add3A_147, %ge3A_166 : i32
      %le3A_168 = arith.constant 77 : i32
      %le3A_169 = arith.cmpi sle, %add3A_147, %le3A_168 : i32
      %and3A_170 = arith.andi %ge3A_167, %le3A_169 : i1
      %convert_element_type3A_171 = arith.extui %and3A_170 : i1 to i32
      %cond3A_172 = arith.constant 0 : i32
      %cond3A_173 = arith.cmpi ne, %convert_element_type3A_171, %cond3A_172 : i32
      scf.if %cond3A_173 {
        %add3A_174 = arith.constant 2 : i32
        %add3A_175 = arith.addi %add3A_147, %add3A_174 : i32
        %dma_start3A_176 = arith.constant 0 : i32
        %dma_start3A_177 = tpu.memref_slice %arg7[%add3A_175, %dma_start3A_176] : memref<80x128xi32, #tpu.memory_space<vmem>> -> memref<1x128xi32, #tpu.memory_space<vmem>>
        %dma_start3A_178 = tpu.memref_squeeze %dma_start3A_177 : memref<1x128xi32, #tpu.memory_space<vmem>> -> memref<128xi32, #tpu.memory_space<vmem>>
        %dma_start3A_179 = arith.constant 0 : i32
        %dma_start3A_180 = arith.constant 0 : i32
        %dma_start3A_181 = tpu.memref_slice %arg14[%dma_start3A_179, %dma_start3A_180] : memref<10016x16xf32, #tpu.memory_space<vmem_shared>> -> memref<10016x16xf32, #tpu.memory_space<vmem_shared>>
        tpu.enqueue_indirect_dma source(%dma_start3A_181 : memref<10016x16xf32, #tpu.memory_space<vmem_shared>>) target(%arg10 : memref<128x16xf32, #tpu.memory_space<vmem>>) offsets(%dma_start3A_178 : memref<128xi32, #tpu.memory_space<vmem>>) semaphore(%arg16 : memref<!tpu.dma_semaphore, #tpu.memory_space<semaphore_mem>>)
      } else {
      }
    }
    %scan3A_38 = arith.constant 20 : i32
    %dma_wait3A = arith.constant 0 : i32
    %dma_wait3A_39 = arith.constant 0 : i32
    %dma_wait3A_40 = tpu.memref_slice %arg8[%dma_wait3A, %dma_wait3A_39] : memref<80x128xi32, #tpu.memory_space<vmem>> -> memref<1x128xi32, #tpu.memory_space<vmem>>
    %dma_wait3A_41 = tpu.memref_squeeze %dma_wait3A_40 : memref<1x128xi32, #tpu.memory_space<vmem>> -> memref<128xi32, #tpu.memory_space<vmem>>
    %dma_wait3A_42 = arith.constant 0 : i32
    %dma_wait3A_43 = arith.constant 0 : i32
    %dma_wait3A_44 = tpu.memref_slice %arg13[%dma_wait3A_42, %dma_wait3A_43] : memref<10240x16xf32, #tpu.memory_space<vmem_shared>> -> memref<10240x16xf32, #tpu.memory_space<vmem_shared>>
    tpu.wait_indirect_dma semaphore(%arg21 : memref<!tpu.dma_semaphore, #tpu.memory_space<semaphore_mem>>) src(%arg11 : memref<128x16xf32, #tpu.memory_space<vmem>>) dst(%dma_wait3A_44 : memref<10240x16xf32, #tpu.memory_space<vmem_shared>>)
    %dma_wait3A_45 = arith.constant 0 : i32
    %dma_wait3A_46 = arith.constant 0 : i32
    %dma_wait3A_47 = tpu.memref_slice %arg8[%dma_wait3A_45, %dma_wait3A_46] : memref<80x128xi32, #tpu.memory_space<vmem>> -> memref<1x128xi32, #tpu.memory_space<vmem>>
    %dma_wait3A_48 = tpu.memref_squeeze %dma_wait3A_47 : memref<1x128xi32, #tpu.memory_space<vmem>> -> memref<128xi32, #tpu.memory_space<vmem>>
    %dma_wait3A_49 = arith.constant 0 : i32
    %dma_wait3A_50 = arith.constant 0 : i32
    %dma_wait3A_51 = tpu.memref_slice %arg13[%dma_wait3A_49, %dma_wait3A_50] : memref<10240x16xf32, #tpu.memory_space<vmem_shared>> -> memref<10240x16xf32, #tpu.memory_space<vmem_shared>>
    tpu.wait_indirect_dma semaphore(%arg22 : memref<!tpu.dma_semaphore, #tpu.memory_space<semaphore_mem>>) src(%arg12 : memref<128x16xf32, #tpu.memory_space<vmem>>) dst(%dma_wait3A_51 : memref<10240x16xf32, #tpu.memory_space<vmem_shared>>)
    %barrier3A_52 = arith.constant 0 : index
    tpu.barrier barrier_id(%barrier3A_52)
    %mul3A_53 = arith.constant 640 : i32
    %mul3A_54 = arith.muli %arg1, %mul3A_53 : i32
    %mul3A_55 = arith.constant 10240 : i32
    %mul3A_56 = arith.muli %arg0, %mul3A_55 : i32
    %add3A_57 = arith.addi %mul3A_56, %mul3A_54 : i32
    "tpu.region"() ({
      %run_scoped3A = tpu.sem_alloc : memref<!tpu.dma_semaphore, #tpu.memory_space<semaphore_mem>>
      %dma_start3A_58 = arith.constant 0 : i32
      %dma_start3A_59 = tpu.memref_slice %arg6[%add3A_57, %dma_start3A_58] : memref<20480x16xf32, #tpu.memory_space<hbm>> -> memref<640x16xf32, #tpu.memory_space<hbm>>
      %dma_start3A_60 = arith.constant 0 : i32
      %dma_start3A_61 = tpu.memref_slice %arg13[%mul3A_54, %dma_start3A_60] : memref<10240x16xf32, #tpu.memory_space<vmem_shared>> -> memref<640x16xf32, #tpu.memory_space<vmem_shared>>
      tpu.enqueue_dma source(%dma_start3A_61 : memref<640x16xf32, #tpu.memory_space<vmem_shared>>) target(%dma_start3A_59 : memref<640x16xf32, #tpu.memory_space<hbm>>) target_semaphore(%run_scoped3A : memref<!tpu.dma_semaphore, #tpu.memory_space<semaphore_mem>>)
      %dma_wait3A_62 = arith.constant 0 : i32
      %dma_wait3A_63 = tpu.memref_slice %arg6[%add3A_57, %dma_wait3A_62] : memref<20480x16xf32, #tpu.memory_space<hbm>> -> memref<640x16xf32, #tpu.memory_space<hbm>>
      %dma_wait3A_64 = arith.constant 0 : i32
      %dma_wait3A_65 = tpu.memref_slice %arg13[%mul3A_54, %dma_wait3A_64] : memref<10240x16xf32, #tpu.memory_space<vmem_shared>> -> memref<640x16xf32, #tpu.memory_space<vmem_shared>>
      tpu.wait_dma2 semaphore(%run_scoped3A : memref<!tpu.dma_semaphore, #tpu.memory_space<semaphore_mem>>) src(%dma_wait3A_65 : memref<640x16xf32, #tpu.memory_space<vmem_shared>>) dst(%dma_wait3A_63 : memref<640x16xf32, #tpu.memory_space<hbm>>)
      tpu.yield
    }) : () -> ()
    return
  }
}

module attributes {stable_mosaic.version = 14 : i64} {
  func.func @body(%arg0: memref<10000x128xf32, #tpu.memory_space<vmem>>, %arg1: memref<128x128xf32, #tpu.memory_space<vmem>>, %arg2: memref<20480x16xf32, #tpu.memory_space<vmem>>, %arg3: memref<20032x64xf32, #tpu.memory_space<vmem>>, %arg4: memref<10016x1xf32, #tpu.memory_space<vmem>>) attributes {dimension_semantics = [], scalar_prefetch = 0 : i64, scratch_operands = 0 : i64, tpu.core_type = #tpu.core_type<tc>} {
    %get3A = arith.constant 0 : index
    %get3A_0 = arith.constant 0 : index
    %get3A_1 = vector.load %arg2[%get3A, %get3A_0] : memref<20480x16xf32, #tpu.memory_space<vmem>>, vector<10000x1xf32>
    %get3A_2 = arith.constant 10240 : index
    %get3A_3 = arith.constant 0 : index
    %get3A_4 = vector.load %arg2[%get3A_2, %get3A_3] : memref<20480x16xf32, #tpu.memory_space<vmem>>, vector<10000x1xf32>
    %add3A = arith.addf %get3A_1, %get3A_4 : vector<10000x1xf32>
    %add3A_5 = arith.constant 1.000000e+00 : f32
    %add3A_6 = vector.broadcast %add3A_5 : f32 to vector<10000x1xf32>
    %add3A_7 = arith.addf %add3A, %add3A_6 : vector<10000x1xf32>
    %rsqrt3A = math.rsqrt %add3A_7 : vector<10000x1xf32>
    %get3A_8 = arith.constant 0 : index
    %get3A_9 = arith.constant 0 : index
    %get3A_10 = vector.load %arg0[%get3A_8, %get3A_9] : memref<10000x128xf32, #tpu.memory_space<vmem>>, vector<10000x128xf32>
    %get3A_11 = arith.constant 0 : index
    %get3A_12 = arith.constant 0 : index
    %get3A_13 = vector.load %arg1[%get3A_11, %get3A_12] : memref<128x128xf32, #tpu.memory_space<vmem>>, vector<128x128xf32>
    %dot_general3A = arith.constant dense<0.000000e+00> : vector<10000x128xf32>
    %dot_general3A_14 = tpu.matmul %get3A_10, %get3A_13, %dot_general3A {dimension_numbers = #tpu.dot_dimension_numbers<[1], [0], [0], [1], [0, 0, 1, 1], [], []>, transpose_lhs_hint = false} : vector<10000x128xf32>, vector<128x128xf32>, vector<10000x128xf32> -> vector<10000x128xf32>
    %mul3A = vector.broadcast %rsqrt3A : vector<10000x1xf32> to vector<10000x128xf32>
    %mul3A_15 = arith.mulf %dot_general3A_14, %mul3A : vector<10000x128xf32>
    %slice3A = vector.extract_strided_slice %mul3A_15 {offsets = [0, 0], sizes = [10000, 64], strides = [1, 1]} : vector<10000x128xf32> to vector<10000x64xf32>
    %swap3A = arith.constant 0 : index
    %swap3A_16 = arith.constant 0 : index
    %swap3A_17 = vector.load %arg3[%swap3A, %swap3A_16] : memref<20032x64xf32, #tpu.memory_space<vmem>>, vector<10000x64xf32>
    tpu.vector_store %arg3[%swap3A, %swap3A_16], %slice3A {strides = array<i32>} : memref<20032x64xf32, #tpu.memory_space<vmem>>, vector<10000x64xf32>,
    %broadcast_in_dim3A = arith.constant 0.000000e+00 : f32
    %broadcast_in_dim3A_18 = vector.broadcast %broadcast_in_dim3A : f32 to vector<16x64xf32>
    %swap3A_19 = arith.constant 10000 : index
    %swap3A_20 = arith.constant 0 : index
    %swap3A_21 = vector.load %arg3[%swap3A_19, %swap3A_20] : memref<20032x64xf32, #tpu.memory_space<vmem>>, vector<16x64xf32>
    tpu.vector_store %arg3[%swap3A_19, %swap3A_20], %broadcast_in_dim3A_18 {strides = array<i32>} : memref<20032x64xf32, #tpu.memory_space<vmem>>, vector<16x64xf32>,
    %slice3A_22 = vector.extract_strided_slice %mul3A_15 {offsets = [0, 64], sizes = [10000, 64], strides = [1, 1]} : vector<10000x128xf32> to vector<10000x64xf32>
    %swap3A_23 = arith.constant 10016 : index
    %swap3A_24 = arith.constant 0 : index
    %swap3A_25 = vector.load %arg3[%swap3A_23, %swap3A_24] : memref<20032x64xf32, #tpu.memory_space<vmem>>, vector<10000x64xf32>
    tpu.vector_store %arg3[%swap3A_23, %swap3A_24], %slice3A_22 {strides = array<i32>} : memref<20032x64xf32, #tpu.memory_space<vmem>>, vector<10000x64xf32>,
    %broadcast_in_dim3A_26 = arith.constant 0.000000e+00 : f32
    %broadcast_in_dim3A_27 = vector.broadcast %broadcast_in_dim3A_26 : f32 to vector<16x64xf32>
    %swap3A_28 = arith.constant 20016 : index
    %swap3A_29 = arith.constant 0 : index
    %swap3A_30 = vector.load %arg3[%swap3A_28, %swap3A_29] : memref<20032x64xf32, #tpu.memory_space<vmem>>, vector<16x64xf32>
    tpu.vector_store %arg3[%swap3A_28, %swap3A_29], %broadcast_in_dim3A_27 {strides = array<i32>} : memref<20032x64xf32, #tpu.memory_space<vmem>>, vector<16x64xf32>,
    %swap3A_31 = arith.constant 0 : index
    %swap3A_32 = arith.constant 0 : index
    %swap3A_33 = vector.load %arg4[%swap3A_31, %swap3A_32] : memref<10016x1xf32, #tpu.memory_space<vmem>>, vector<10000x1xf32>
    tpu.vector_store %arg4[%swap3A_31, %swap3A_32], %rsqrt3A {strides = array<i32>} : memref<10016x1xf32, #tpu.memory_space<vmem>>, vector<10000x1xf32>,
    %broadcast_in_dim3A_34 = arith.constant 1.000000e+00 : f32
    %broadcast_in_dim3A_35 = vector.broadcast %broadcast_in_dim3A_34 : f32 to vector<16x1xf32>
    %swap3A_36 = arith.constant 10000 : index
    %swap3A_37 = arith.constant 0 : index
    %swap3A_38 = vector.load %arg4[%swap3A_36, %swap3A_37] : memref<10016x1xf32, #tpu.memory_space<vmem>>, vector<16x1xf32>
    tpu.vector_store %arg4[%swap3A_36, %swap3A_37], %broadcast_in_dim3A_35 {strides = array<i32>} : memref<10016x1xf32, #tpu.memory_space<vmem>>, vector<16x1xf32>,
    return
  }
}

module attributes {stable_mosaic.version = 14 : i64} {
  func.func @body(%arg0: memref<20480x64xf32, #tpu.memory_space<vmem>>, %arg1: memref<20032x64xf32, #tpu.memory_space<vmem>>, %arg2: memref<10016x1xf32, #tpu.memory_space<vmem>>, %arg3: memref<1x128xf32, #tpu.memory_space<vmem>>, %arg4: memref<128x16xf32, #tpu.memory_space<vmem>>, %arg5: memref<10016x16xf32, #tpu.memory_space<vmem>>) attributes {dimension_semantics = [], scalar_prefetch = 0 : i64, scratch_operands = 0 : i64, tpu.core_type = #tpu.core_type<tc>} {
    %get3A = arith.constant 0 : index
    %get3A_0 = arith.constant 0 : index
    %get3A_1 = vector.load %arg2[%get3A, %get3A_0] : memref<10016x1xf32, #tpu.memory_space<vmem>>, vector<10016x1xf32>
    %get3A_2 = arith.constant 0 : index
    %get3A_3 = arith.constant 0 : index
    %get3A_4 = vector.load %arg0[%get3A_2, %get3A_3] : memref<20480x64xf32, #tpu.memory_space<vmem>>, vector<10016x64xf32>
    %get3A_5 = arith.constant 10240 : index
    %get3A_6 = arith.constant 0 : index
    %get3A_7 = vector.load %arg0[%get3A_5, %get3A_6] : memref<20480x64xf32, #tpu.memory_space<vmem>>, vector<10016x64xf32>
    %concatenate3A = tpu.concatenate %get3A_4, %get3A_7 in 1 : vector<10016x64xf32>, vector<10016x64xf32> -> vector<10016x128xf32>
    %get3A_8 = arith.constant 0 : index
    %get3A_9 = arith.constant 0 : index
    %get3A_10 = vector.load %arg1[%get3A_8, %get3A_9] : memref<20032x64xf32, #tpu.memory_space<vmem>>, vector<10016x64xf32>
    %get3A_11 = arith.constant 10016 : index
    %get3A_12 = arith.constant 0 : index
    %get3A_13 = vector.load %arg1[%get3A_11, %get3A_12] : memref<20032x64xf32, #tpu.memory_space<vmem>>, vector<10016x64xf32>
    %concatenate3A_14 = tpu.concatenate %get3A_10, %get3A_13 in 1 : vector<10016x64xf32>, vector<10016x64xf32> -> vector<10016x128xf32>
    %add3A = arith.addf %concatenate3A, %concatenate3A_14 : vector<10016x128xf32>
    %mul3A = vector.broadcast %get3A_1 : vector<10016x1xf32> to vector<10016x128xf32>
    %mul3A_15 = arith.mulf %add3A, %mul3A : vector<10016x128xf32>
    %get3A_16 = arith.constant 0 : index
    %get3A_17 = arith.constant 0 : index
    %get3A_18 = vector.load %arg3[%get3A_16, %get3A_17] : memref<1x128xf32, #tpu.memory_space<vmem>>, vector<1x128xf32>
    %add3A_19 = vector.broadcast %get3A_18 : vector<1x128xf32> to vector<10016x128xf32>
    %add3A_20 = arith.addf %mul3A_15, %add3A_19 : vector<10016x128xf32>
    %max3A = arith.constant 0.000000e+00 : f32
    %max3A_21 = vector.broadcast %max3A : f32 to vector<10016x128xf32>
    %max3A_22 = arith.maximumf %add3A_20, %max3A_21 : vector<10016x128xf32>
    %get3A_23 = arith.constant 0 : index
    %get3A_24 = arith.constant 0 : index
    %get3A_25 = vector.load %arg4[%get3A_23, %get3A_24] : memref<128x16xf32, #tpu.memory_space<vmem>>, vector<128x16xf32>
    %dot_general3A = arith.constant dense<0.000000e+00> : vector<10016x16xf32>
    %dot_general3A_26 = tpu.matmul %max3A_22, %get3A_25, %dot_general3A {dimension_numbers = #tpu.dot_dimension_numbers<[1], [0], [0], [1], [0, 0, 1, 1], [], []>, transpose_lhs_hint = false} : vector<10016x128xf32>, vector<128x16xf32>, vector<10016x16xf32> -> vector<10016x16xf32>
    %iota3A = tpu.iota {dimensions = array<i32: 0>} : vector<10016x1xi32>
    %lt3A = arith.constant 10000 : i32
    %lt3A_27 = vector.broadcast %lt3A : i32 to vector<10016x1xi32>
    %lt3A_28 = arith.cmpi slt, %iota3A, %lt3A_27 : vector<10016x1xi32>
    %mul3A_29 = vector.broadcast %get3A_1 : vector<10016x1xf32> to vector<10016x16xf32>
    %mul3A_30 = arith.mulf %dot_general3A_26, %mul3A_29 : vector<10016x16xf32>
    %jit3A = arith.constant 0.000000e+00 : f32
    %broadcast_in_dim3A = vector.shape_cast %lt3A_28 : vector<10016x1xi1> to vector<10016x1xi1>
    %broadcast_in_dim3A_31 = vector.broadcast %broadcast_in_dim3A : vector<10016x1xi1> to vector<10016x16xi1>
    %broadcast_in_dim3A_32 = vector.broadcast %jit3A : f32 to vector<10016x16xf32>
    %select_n3A = arith.select %broadcast_in_dim3A_31, %mul3A_30, %broadcast_in_dim3A_32 : vector<10016x16xi1>, vector<10016x16xf32>
    %swap3A = arith.constant 0 : index
    %swap3A_33 = arith.constant 0 : index
    %swap3A_34 = vector.load %arg5[%swap3A, %swap3A_33] : memref<10016x16xf32, #tpu.memory_space<vmem>>, vector<10016x16xf32>
    tpu.vector_store %arg5[%swap3A, %swap3A_33], %select_n3A {strides = array<i32>} : memref<10016x16xf32, #tpu.memory_space<vmem>>, vector<10016x16xf32>,
    return
  }
}

module attributes {stable_mosaic.version = 14 : i64} {
  func.func @body(%arg0: memref<20480x16xf32, #tpu.memory_space<vmem>>, %arg1: memref<10016x16xf32, #tpu.memory_space<vmem>>, %arg2: memref<10016x1xf32, #tpu.memory_space<vmem>>, %arg3: memref<1x16xf32, #tpu.memory_space<vmem>>, %arg4: memref<10000x16xf32, #tpu.memory_space<vmem>>) attributes {dimension_semantics = [], scalar_prefetch = 0 : i64, scratch_operands = 0 : i64, tpu.core_type = #tpu.core_type<tc>} {
    %get3A = arith.constant 0 : index
    %get3A_0 = arith.constant 0 : index
    %get3A_1 = vector.load %arg0[%get3A, %get3A_0] : memref<20480x16xf32, #tpu.memory_space<vmem>>, vector<10000x16xf32>
    %get3A_2 = arith.constant 10240 : index
    %get3A_3 = arith.constant 0 : index
    %get3A_4 = vector.load %arg0[%get3A_2, %get3A_3] : memref<20480x16xf32, #tpu.memory_space<vmem>>, vector<10000x16xf32>
    %add3A = arith.addf %get3A_1, %get3A_4 : vector<10000x16xf32>
    %get3A_5 = arith.constant 0 : index
    %get3A_6 = arith.constant 0 : index
    %get3A_7 = vector.load %arg1[%get3A_5, %get3A_6] : memref<10016x16xf32, #tpu.memory_space<vmem>>, vector<10000x16xf32>
    %add3A_8 = arith.addf %add3A, %get3A_7 : vector<10000x16xf32>
    %get3A_9 = arith.constant 0 : index
    %get3A_10 = arith.constant 0 : index
    %get3A_11 = vector.load %arg2[%get3A_9, %get3A_10] : memref<10016x1xf32, #tpu.memory_space<vmem>>, vector<10000x1xf32>
    %mul3A = vector.broadcast %get3A_11 : vector<10000x1xf32> to vector<10000x16xf32>
    %mul3A_12 = arith.mulf %add3A_8, %mul3A : vector<10000x16xf32>
    %get3A_13 = arith.constant 0 : index
    %get3A_14 = arith.constant 0 : index
    %get3A_15 = vector.load %arg3[%get3A_13, %get3A_14] : memref<1x16xf32, #tpu.memory_space<vmem>>, vector<1x16xf32>
    %add3A_16 = vector.broadcast %get3A_15 : vector<1x16xf32> to vector<10000x16xf32>
    %add3A_17 = arith.addf %mul3A_12, %add3A_16 : vector<10000x16xf32>
    %swap3A = arith.constant 0 : index
    %swap3A_18 = arith.constant 0 : index
    %swap3A_19 = vector.load %arg4[%swap3A, %swap3A_18] : memref<10000x16xf32, #tpu.memory_space<vmem>>, vector<10000x16xf32>
    tpu.vector_store %arg4[%swap3A, %swap3A_18], %add3A_17 {strides = array<i32>} : memref<10000x16xf32, #tpu.memory_space<vmem>>, vector<10000x16xf32>,
    return
  }
}

</mosaic_0001>

<sc_bundles>
// kernel: kernel.11.cloned.1.call-start
scs
__scs_entry_jumppad:
0x0: {  	(pc) =	sbr.rel $0x88, $3  }
0x1: {  	(tag) =	ssettag $0x0;
	lr =	simm.s32 $0x1  }
0x2: {  	[smem:$0x3F9B] =	sst lr;
	_ =	strace $0xD0000000  }
0x3: {  	_ = 	snop  }
0x4: {  	_ = 	snop  }
0x5: {  	_ = 	snop  }
0x6: {  	_ = 	snop  }
0x7: {  	_ = 	snop  }
__scs_overlays_trampoline_lowered:
0x8: {  	[smem:$0x3FAA] =	sst s0  }
0x9: {  	[smem:$0x3FAB] =	sst s1  }
0xa: {  	[smem:$0x3FAC] =	sst s2  }
0xb: {  	[smem:$0x3FAD] =	sst s3  }
0xc: {  	[smem:$0x3FAE] =	sst s4  }
0xd: {  	[smem:$0x3FAF] =	sst s5  }
0xe: {  	[smem:$0x3FB0] =	sst s6  }
0xf: {  	[smem:$0x3FB1] =	sst s7  }
0x10: {  	[smem:$0x3FB2] =	sst s8  }
0x11: {  	[smem:$0x3FB3] =	sst s9;
	s0 =	simm.s32 @!p0 $0x0  }
0x12: {  	s1 =	sld [smem:$0x3F99];
	s0 =	simm.s32 @p0 $0x1  }
0x13: {  	[smem:$0x3FB4] =	sst s0;
	s0 =	simm.s32 @!p1 $0x0  }
0x14: {  	s2 =	sld [smem:$0x3F98];
	s0 =	simm.s32 @p1 $0x1  }
0x15: {  	[smem:$0x3FB5] =	sst s0;
	s0 =	simm.s32 @!p2 $0x0  }
0x16: {  	s3 =	sld [smem:$0x3FDB];
	s0 =	simm.s32 @p2 $0x1  }
0x17: {  	s4 =	simm.s32 $0x1BF5;
	[smem:$0x3FB7] =	sst s0  }
0x18: {  	s0 =	sld [smem:$0x3F9A];
	_ =	swait.ge [sflag:s4], $0x0  }
0x19: {  	s7 =	sld [smem:$0x3F9B]  }
0x1a: {  	s8 =	sadd.s32 $0xFFFFE003, lr  }
0x1b: {  	s9 =	sadd.s32 $0xFFFFFEF7, lr;
	s5 =	simm.s32 $0xFFFFFFFF;
	p2 =	slt.u32 s8, $0xFFFFF086  }
0x1c: {  	p1 =	slt.u32 s9, $0xF7A;
	s5 =	simm.s32 @!p2 $0x0  }
0x1d: {  	s5 =	simm.s32 @p1 $0x1;
	p0 =	seq.s32 s7, s2  }
0x1e: {  	s7 =	smul.u32 @!p0 $0xF7A, s2;
	p2 =	seq.s32 @!p0 s5, $0x0  }
0x1f: {  	s9 =	smul.u32 $0xF7A, s1;
	s8 =	simm.s32 @!p0 $0x1BF5;
	p2 =	por !p2, p0  }
0x20: {  	[sflag:s8] =	ssyncset.s32 @!p0 $0xFFFFF086;
	s6 =	sadd.s32 @!p0 s3, s7;
	s7 =	simm.s32 @!p0 $0x108  }
0x21: {  	s3 =	sadd.s32 s3, s9;
	s6 =	sadd.s32 @!p0 $0x88, s6;
	s7 =	simm.s32 @p2 $0x1082  }
0x22: {  	[simem:s7], [sflag:s8] =	dma.local @!p0 [hbm:s6], $0xF7A  }
0x23: {  	s9 =	sor.u32 $0xD0000000, s2;
	s6 =	simm.s32 $0x108;
	_ =	swait.ge @!p0 [sflag:s8], $0x0  }
0x24: {  	s3 =	sadd.s32 $0x88, s3;
	s6 =	simm.s32 @!p1 $0x1082;
	[sflag:s4] =	ssyncset.s32 $0xFFFFF086  }
0x25: {  	[simem:s6], [sflag:s4] =	dma.local [hbm:s3], $0xF7A  }
0x26: {  	[smem:$0x3F9B] =	sst s1;
	(tag) =	ssettag s2;
	_ =	strace s9  }
0x27: {  	s1 =	sld [smem:$0x3FAB]  }
0x28: {  	s2 =	sld [smem:$0x3FAC]  }
0x29: {  	s4 =	sld [smem:$0x3FAE]  }
0x2a: {  	p0 =	seq.s32 s5, $0x0;
	s5 =	sld [smem:$0x3FAF]  }
0x2b: {  	s6 =	sld [smem:$0x3FB0]  }
0x2c: {  	s7 =	sld [smem:$0x3FB1]  }
0x2d: {  	s3 =	simm.s32 $0x108;
	s8 =	sld [smem:$0x3FB2]  }
0x2e: {  	s3 =	simm.s32 @!p0 $0x1082;
	s9 =	sld [smem:$0x3FB3]  }
0x2f: {  	lr =	sadd.s32 s0, s3;
	s0 =	sld [smem:$0x3FAA]  }
0x30: {  	s3 =	sld [smem:$0x3FAD]  }
0x31: {  	[smem:$0x3FB6] =	sst s10  }
0x32: {  	s10 =	sld [smem:$0x3FB4];
	_ =	sdelay $0x3  }
0x33: {  	p0 =	seq.s32 s10, $0x1;
	s10 =	sld [smem:$0x3FB6];
	_ =	sdelay $0x3  }
0x34: {  	[smem:$0x3FB6] =	sst s10  }
0x35: {  	s10 =	sld [smem:$0x3FB5];
	_ =	sdelay $0x3  }
0x36: {  	p1 =	seq.s32 s10, $0x1;
	s10 =	sld [smem:$0x3FB6];
	_ =	sdelay $0x3  }
0x37: {  	[smem:$0x3FB6] =	sst s10  }
0x38: {  	s10 =	sld [smem:$0x3FB7]  }
0x39: {  	_ = 	snop;
	(pc) =	sbr.ind lr, $3  }
0x3a: {  	_ = 	snop  }
0x3b: {  	_ = 	snop  }
0x3c: {  	p2 =	seq.s32 s10, $0x1;
	s10 =	sld [smem:$0x3FB6]  }
0x3d: {  	_ =	shalt  }
0x3e: {  	_ =	shalt  }
0x3f: {  	_ =	shalt  }
0x40: {  	_ =	shalt  }
0x41: {  	_ =	shalt  }
0x42: {  	_ =	shalt  }
0x43: {  	_ =	shalt  }
0x44: {  	_ =	shalt  }
0x45: {  	_ =	shalt  }
0x46: {  	_ =	shalt  }
0x47: {  	_ =	shalt  }
0x48: {  	_ =	shalt  }
0x49: {  	_ =	shalt  }
0x4a: {  	_ =	shalt  }
0x4b: {  	_ =	shalt  }
0x4c: {  	_ =	shalt  }
0x4d: {  	_ =	shalt  }
0x4e: {  	_ =	shalt  }
0x4f: {  	_ =	shalt  }
0x50: {  	_ =	shalt  }
0x51: {  	_ =	shalt  }
0x52: {  	_ =	shalt  }
0x53: {  	_ =	shalt  }
0x54: {  	_ =	shalt  }
0x55: {  	_ =	shalt  }
0x56: {  	_ =	shalt  }
0x57: {  	_ =	shalt  }
0x58: {  	_ =	shalt  }
0x59: {  	_ =	shalt  }
0x5a: {  	_ =	shalt  }
0x5b: {  	_ =	shalt  }
0x5c: {  	_ =	shalt  }
0x5d: {  	_ =	shalt  }
0x5e: {  	_ =	shalt  }
0x5f: {  	_ =	shalt  }
0x60: {  	_ =	shalt  }
0x61: {  	_ =	shalt  }
0x62: {  	_ =	shalt  }
0x63: {  	_ =	shalt  }
0x64: {  	_ =	shalt  }
0x65: {  	_ =	shalt  }
0x66: {  	_ =	shalt  }
0x67: {  	_ =	shalt  }
0x68: {  	_ =	shalt  }
0x69: {  	_ =	shalt  }
0x6a: {  	_ =	shalt  }
0x6b: {  	_ =	shalt  }
0x6c: {  	_ =	shalt  }
0x6d: {  	_ =	shalt  }
0x6e: {  	_ =	shalt  }
0x6f: {  	_ =	shalt  }
0x70: {  	_ =	shalt  }
0x71: {  	_ =	shalt  }
0x72: {  	_ =	shalt  }
0x73: {  	_ =	shalt  }
0x74: {  	_ =	shalt  }
0x75: {  	_ =	shalt  }
0x76: {  	_ =	shalt  }
0x77: {  	_ =	shalt  }
0x78: {  	_ =	shalt  }
0x79: {  	_ =	shalt  }
0x7a: {  	_ =	shalt  }
0x7b: {  	_ =	shalt  }
0x7c: {  	_ =	shalt  }
0x7d: {  	_ =	shalt  }
0x7e: {  	_ =	shalt  }
0x7f: {  	_ =	shalt  }
0x80: {  	_ =	shalt  }
0x81: {  	_ =	shalt  }
0x82: {  	_ =	shalt  }
0x83: {  	_ =	shalt  }
0x84: {  	_ =	shalt  }
0x85: {  	_ =	shalt  }
0x86: {  	_ =	shalt  }
0x87: {  	_ =	shalt  }
.Lfunc_end0:
.L_simem_size_0:
called_computation.1_lowered:
.L_overlay_start_0:
0x88: {  	s2 =	sld [smem:$0x3FD9]  }
0x89: {  	s3 =	sld [smem:$0x3FFE];
	_ =	sdelay $0x1  }
0x8a: {  	s1 =	srdreg.scid  }
0x8b: {  	s0 =	sand.u32 $0x1, s1  }
0x8c: {  	s16 =	sshll.u32 s0, $0xA;
	s2 =	sadd.s32 s3, s2  }
0x8d: {  	s2 =	sadd.s32 s2, s16  }
0x8e: {  	[smem:$0x3FC2] =	sst s2  }
0x8f: {  	_ = 	snop  }
0x90: {  	(tm) =	ssettm $0x1  }
0x91: {  	s17 =	sld [smem:$0x3FFB];
	_ =	sdelay $0x3  }
0x92: {  	_ =	strace s17  }
0x93: {  	s2 =	sld [smem:$0x3FFC];
	_ =	sdelay $0x3  }
0x94: {  	_ =	strace s2  }
0x95: {  	s2 =	sld [smem:$0x3FFD];
	_ =	sdelay $0x3  }
0x96: {  	_ =	strace s2  }
0x97: {  	_ =	strace $0x8FFFFFFF  }
0x98: {  	s18 =	sld [smem:$0x3FDB];
	_ =	sdelay $0x1  }
0x99: {  	s19 =	simm.s32 $_scs_section_size  }
0x9a: {  	s4 =	simm.s32 $_size__tile_overlayer_lowered;
	s5 =	simm.s32 $_tile_overlayer_lowered  }
0x9b: {  	s22 =	simm.s32 $0x1BFF;
	s21 =	sshll.u32 s5, $0x1;
	s2 =	sadd.s32 s19, s18  }
0x9c: {  	s6 =	simm.s32 $0x0;
	s20 =	sshll.u32 s4, $0x1;
	s4 =	sadd.s32 s21, s2  }
0x9d: {  	[timem:s6], [sflag:s22] =	dma.local [hbm:s4], s20  }
0x9e: {  	_ =	swait.ge [sflag:s22], s20  }
0x9f: {  	s3 =	ssub.s32 $0x0, s20;
	[sflag:s22] =	ssyncset.done $0x0  }
0xa0: {  	[sflag:s22] =	ssyncadd.s32 s3;
	_ =	sdelay $0x1  }
0xa1: {  	s23 =	simm.s32 $0x1B8B  }
0xa2: {  	_ =	swait.ge [sflag:s23], $0x1  }
0xa3: {  	[sflag:s23] =	ssyncset.done $0x0  }
0xa4: {  	s25 =	simm.s32 $0x1B8E;
	s24 =	sld [smem:$0x3FFE];
	[sflag:s23] =	ssyncadd.s32 $0xFFFFFFFF  }
0xa5: {  	s26 =	simm.s32 $execute0_lowered;
	[smem:$0x3FD2] =	sst s25  }
0xa6: {  	s4 =	sshll.u32 s26, $0x1;
	_ =	strace $0x80000049;
	[dreg:$0x1] =	wrdreg $0xFFFFFFFF  }
0xa7: {  	s28 =	simm.s32 $_size_execute0_lowered;
	s2 =	sadd.s32 s2, s4;
	[dreg:$0x0] =	wrdreg $0x0  }
0xa8: {  	s4 =	sshll.u32 s28, $0x1;
	[dreg:$0x2] =	wrdreg s2  }
0xa9: {  	[dreg:$0x3] =	wrdreg s4  }
0xaa: {  	[dreg:$0x4] =	wrdreg $0xC0  }
0xab: {  	_ =	task [dreg:s6], $0x5FFFF  }
0xac: {  	[dreg:$0x1] =	wrdreg $0xFFFFFFFF  }
0xad: {  	[dreg:$0x0] =	wrdreg $0x60  }
0xae: {  	[dreg:$0x2] =	wrdreg s24  }
0xaf: {  	[dreg:$0x3] =	wrdreg $0xA8000  }
0xb0: {  	[dreg:$0x4] =	wrdreg $0x148000  }
0xb1: {  	[dreg:$0x5] =	wrdreg $0x9  }
0xb2: {  	_ =	task.clear_ibuf [dreg:s6], $0x6FFFF;
	_ =	strace $0x90000049  }
0xb3: {  	s29 =	simm.s32 $0x9;
	_ =	strace $0x8000004B  }
0xb4: {  	_ =	swait.ge [sflag:s29], $0x1  }
0xb5: {  	[sflag:s29] =	ssyncadd.s32 $0xFFFFFFFF  }
0xb6: {  	_ =	strace $0x9000004B  }
0xb7: {  	_ =	sfence  }
0xb8: {  	s30 =	sld [smem:$0x0];
	_ =	sdelay $0x2  }
0xb9: {  	s31 =	sshll.u32 s1, $0xD;
	s1 =	sshrl.u32 s1, $0x2  }
0xba: {  	s3 =	sand.u32 $0x4000, s31;
	s1 =	sadd.s32 s1, s30  }
0xbb: {  	s0 =	sor.u32 s3, s0;
	s1 =	sshll.u32 s1, $0x11  }
0xbc: {  	s0 =	sor.u32 s1, s0  }
0xbd: {  	s0 =	sadd.s32 $0x8F2B, s0  }
0xbe: {  	[sflag:s0] =	ssyncadd.remote.s32 $0x1  }
0xbf: {  	_ =	sfence.sel $0xFFFF  }
0xc0: {  	[dreg:$0x0] =	wrdreg $0xFFFFFFFF;
	(pc) =	sbr.abs _section_cstart, $3  }
0xc1: {  	[dreg:$0x1] =	wrdreg $0xFFFFFFFF  }
0xc2: {  	_ =	task.clear_ibuf [dreg:s6], $0x2FFFF;
	_ =	strace $0x9FFFFFFF  }
0xc3: {  	(tm) =	ssettm $0x7FFFFFFF  }
tec
execute0_lowered:
.L_overlay_start_1:
0x0: {  	(tag) =	ssettag $0x1  }
0x1: {  	s0 =	rddreg [dreg:$0x0]  }
0x2: {  	s2 =	rddreg [dreg:$0x1];
	s1 =	srdreg.scid  }
0x3: {  	s3 =	rddreg [dreg:$0x2];
	s11 =	stileid.u32;
	s6 =	simm.s32 $0x0  }
0x4: {  	s29 =	simm.s32 $0x8800;
	s30 =	simm.s32 $0x1;
	s5 =	smul.u32 $0x1390, s11  }
0x5: {  	s31 =	simm.s32 $0x2;
	s1 =	sand.u32 $0x1, s1;
	s10 =	smul.u32 $0x1400, s11  }
0x6: {  	[smem:$0x7FF] =	sst s6;
	s8 =	sadd.s32 $0x15C00, s0;
	s13 =	smul.u32 $0x28000, s11  }
0x7: {  	s9 =	sadd.s32 $0x1A00, s0;
	s14 =	sadd.s32 $0xBA00, s0;
	s16 =	smul.u32 $0x27200, s11  }
0x8: {  	s18 =	sshll.u32 s11, $0x6;
	s4 =	smul.u32 $0x13900, s1;
	_ =	strace $0x8000004A  }
0x9: {  	s7 =	smul.u32 $0x14000, s1;
	[dreg:$0x4] =	wrdreg s14;
	s1 =	ssub.s32 $0x2, s1  }
0xa: {  	s14 =	simm.s32 $0x8;
	s15 =	sshrl.u32 s1, $0x1;
	s6 =	sshrl.u32 s13, $0x2  }
0xb: {  	s13 =	simm.s32 $0x7;
	s4 =	sadd.s32 s5, s4;
	s12 =	sadd.s32 s10, s7  }
0xc: {  	s1 =	ssub.s32 s1, s15;
	s17 =	sadd.s32 s6, s2;
	s10 =	smul.u32 $0x5000, s11  }
0xd: {  	s7 =	sshrl.u32 s16, $0x2;
	s11 =	smul.u32 $0xA00, s11;
	s6 =	sor.u32 $0x1C09, s18  }
0xe: {  	s15 =	simm.s32 $0x2600;
	s16 =	simm.s32 $0x1300;
	s18 =	simm.s32 $0x2780  }
0xf: {  	s4 =	sadd.s32 s4, s0;
	s0 =	sadd.s32 s12, s0;
	s7 =	sadd.s32 s7, s3  }
0x10: {  	s26 =	smax.u32 s1, $0x1;
	s5 =	sshrl.u32 s17, $0x3;
	s1 =	simm.s32 $0x3  }
0x11: {  	s12 =	simm.s32 $0x280;
	s17 =	simm.s32 $0x2680;
	s10 =	sshrl.u32 s10, $0x3  }
0x12: {  	s4 =	sadd.s32 $0x46E00, s4;
	s19 =	sadd.s32 s8, s11;
	[dreg:$0xf] =	wrdreg s26  }
0x13: {  	s11 =	sadd.s32 s9, s11;
	s0 =	sadd.s32 $0x6E000, s0;
	[dreg:$0x5] =	wrdreg s4  }
0x14: {  	s28 =	sshrl.u32 s7, $0x3;
	s26 =	simm.s32 $0x6800;
	[dreg:$0x6] =	wrdreg s19  }
0x15: {  	s7 =	simm.s32 $0x5;
	s20 =	sadd.s32 $0x280, s10;
	[dreg:$0x7] =	wrdreg s11  }
0x16: {  	s22 =	sadd.s32 $0x500, s10;
	s24 =	sadd.s32 $0x780, s10;
	[dreg:$0xe] =	wrdreg s0  }
0x17: {  	s19 =	simm.s32 $0x9;
	[dreg:$0x10] =	wrdreg s28;
	s21 =	sadd.s32 s8, s20  }
0x18: {  	s10 =	simm.s32 $0x1580;
	s4 =	sadd.s32 s9, s20;
	[dreg:$0x8] =	wrdreg s21  }
0x19: {  	s11 =	simm.s32 $0x6;
	s23 =	sadd.s32 s8, s22;
	[dreg:$0x9] =	wrdreg s4  }
0x1a: {  	s25 =	sadd.s32 s9, s22;
	s8 =	sadd.s32 s8, s24;
	[dreg:$0xa] =	wrdreg s23  }
0x1b: {  	s22 =	simm.s32 $0x80;
	s20 =	simm.s32 $0x1380;
	[dreg:$0xb] =	wrdreg s25  }
0x1c: {  	[dreg:$0xc] =	wrdreg s8;
	s4 =	sadd.s32 s9, s24;
	s21 =	simm.s32 $0x1400  }
0x1d: {  	s23 =	simm.s32 $0x2800;
	s24 =	simm.s32 $0x4800;
	s9 =	simm.s32 $0x4  }
0x1e: {  	s25 =	simm.s32 $0x0;
	[dreg:$0xd] =	wrdreg s4;
	s4 =	simm.s32 $0x2700  }
.LBB2_1:
0x1f: {  	s0 =	rddreg [dreg:$0x4]  }
0x20: {  	[spmem:s5], [sflag:s6] =	dma.local [hbm:s0], $0x1400  }
0x21: {  	_ =	swait.ge [sflag:s19], $0x1400  }
0x22: {  	[sflag:s19] =	ssyncset.done $0x0;
	s0 =	rddreg [dreg:$0x5]  }
0x23: {  	s8 =	smov.u32 s5;
	s5 =	rddreg [dreg:$0x10];
	[sflag:s19] =	ssyncadd.s32 $0xFFFFEC00  }
0x24: {  	[spmem:s5], [sflag:s6] =	dma.local [hbm:s0], $0x1390  }
0x25: {  	_ =	swait.ge [sflag:s19], $0x1390  }
0x26: {  	[sflag:s19] =	ssyncset.done $0x0  }
0x27: {  	[sflag:s19] =	ssyncadd.s32 $0xFFFFEC70  }
0x28: {  	[bflag:$0x0] =	sbarrier.arrive $0xFFFF  }
0x29: {  	s0 =	simm.s32 $0x0;
	s5 =	rddreg [dreg:$0x6]  }
0x2a: {  	[tilespmem:s0], [sflag:$0x9] =	stream.linear.gather [hbm4b:s5+s0], $0x1400, $0x38;
	[tilespmem:$0x1E480] =	vst v63  }
0x2b: {  	_ =	swait.ge [sflag:s19], $0x1400  }
0x2c: {  	[sflag:s19] =	ssyncset.done $0x0  }
0x2d: {  	s5 =	rddreg [dreg:$0x7];
	[sflag:s19] =	ssyncadd.s32 $0xFFFFEC00  }
0x2e: {  	[tilespmem:s21], [sflag:$0x9] =	stream.linear.gather [hbm4b:s5+s0], $0x1400, $0x38;
	[tilespmem:$0x1E480] =	vst v63  }
0x2f: {  	_ =	swait.ge [sflag:s19], $0x1400  }
0x30: {  	[sflag:s19] =	ssyncset.done $0x0  }
0x31: {  	[sflag:s19] =	ssyncadd.s32 $0xFFFFEC00  }
0x32: {  	[tilespmem:s23], [sflag:$0x1] =	stream.indirect.gather [spmem:s3], $0x40, s0, s22, $0xb8;
	[tilespmem:$0x1E480] =	vst v63  }
0x33: {  	_ = 	snop  }
0x34: {  	[tilespmem:s24], [sflag:$0x2] =	stream.indirect.gather [spmem:s3], $0x40, s22, s22, $0xb8;
	[tilespmem:$0x1E480] =	vst v63  }
0x35: {  	s5 =	simm.s32 $0x100  }
0x36: {  	[tilespmem:s26], [sflag:$0x3] =	stream.indirect.gather [spmem:s3], $0x40, s5, s22, $0xb8;
	[tilespmem:$0x1E480] =	vst v63  }
0x37: {  	s5 =	simm.s32 $0x180  }
0x38: {  	[tilespmem:s29], [sflag:$0x4] =	stream.indirect.gather [spmem:s3], $0x40, s5, s22, $0xb8;
	[tilespmem:$0x1E480] =	vst v63  }
0x39: {  	_ =	swait.ge [sflag:s30], $0x2000  }
0x3a: {  	[sflag:s30] =	ssyncset.done $0x0  }
0x3b: {  	[sflag:s30] =	ssyncadd.s32 $0xFFFFE000  }
0x3c: {  	[spmem:s2] =	stream.indirect.scatter.add.f32 [tilespmem:s23], [sflag:$0x5], $0x40, s21, s22, $0xb8;
	[tilespmem:$0x1E480] =	vst v63  }
0x3d: {  	_ =	swait.ge [sflag:s31], $0x2000  }
0x3e: {  	[sflag:s31] =	ssyncset.done $0x0  }
0x3f: {  	s5 =	simm.s32 $0x1480;
	[sflag:s31] =	ssyncadd.s32 $0xFFFFE000  }
0x40: {  	[spmem:s2] =	stream.indirect.scatter.add.f32 [tilespmem:s24], [sflag:$0x6], $0x40, s5, s22, $0xb8;
	[tilespmem:$0x1E480] =	vst v63  }
0x41: {  	_ =	swait.ge [sflag:s1], $0x2000  }
0x42: {  	[sflag:s1] =	ssyncset.done $0x0  }
0x43: {  	s5 =	simm.s32 $0x1500;
	[sflag:s1] =	ssyncadd.s32 $0xFFFFE000  }
0x44: {  	[spmem:s2] =	stream.indirect.scatter.add.f32 [tilespmem:s26], [sflag:$0x7], $0x40, s5, s22, $0xb8;
	[tilespmem:$0x1E480] =	vst v63  }
0x45: {  	_ =	swait.ge [sflag:s7], $0x2000  }
0x46: {  	[sflag:s7] =	ssyncset.done $0x0  }
0x47: {  	s5 =	simm.s32 $0x200;
	[sflag:s7] =	ssyncadd.s32 $0xFFFFE000  }
0x48: {  	[tilespmem:s23], [sflag:$0x1] =	stream.indirect.gather [spmem:s3], $0x40, s5, s22, $0xb8;
	[tilespmem:$0x1E480] =	vst v63  }
0x49: {  	_ =	swait.ge [sflag:s9], $0x2000  }
0x4a: {  	[sflag:s9] =	ssyncset.done $0x0  }
0x4b: {  	[sflag:s9] =	ssyncadd.s32 $0xFFFFE000  }
0x4c: {  	[spmem:s2] =	stream.indirect.scatter.add.f32 [tilespmem:s29], [sflag:$0x8], $0x40, s10, s22, $0xb8;
	[tilespmem:$0x1E480] =	vst v63  }
0x4d: {  	_ =	swait.ge [sflag:s11], $0x2000  }
0x4e: {  	[sflag:s11] =	ssyncset.done $0x0  }
0x4f: {  	[sflag:s11] =	ssyncadd.s32 $0xFFFFE000  }
0x50: {  	[tilespmem:s24], [sflag:$0x2] =	stream.indirect.gather [spmem:s3], $0x40, s12, s22, $0xb8;
	[tilespmem:$0x1E480] =	vst v63  }
0x51: {  	_ =	swait.ge [sflag:s30], $0x2000  }
0x52: {  	[sflag:s30] =	ssyncset.done $0x0  }
0x53: {  	s5 =	simm.s32 $0x1600;
	[sflag:s30] =	ssyncadd.s32 $0xFFFFE000  }
0x54: {  	[spmem:s2] =	stream.indirect.scatter.add.f32 [tilespmem:s23], [sflag:$0x5], $0x40, s5, s22, $0xb8;
	[tilespmem:$0x1E480] =	vst v63  }
0x55: {  	_ =	swait.ge [sflag:s13], $0x2000  }
0x56: {  	[sflag:s13] =	ssyncset.done $0x0  }
0x57: {  	s5 =	simm.s32 $0x300;
	[sflag:s13] =	ssyncadd.s32 $0xFFFFE000  }
0x58: {  	[tilespmem:s26], [sflag:$0x3] =	stream.indirect.gather [spmem:s3], $0x40, s5, s22, $0xb8;
	[tilespmem:$0x1E480] =	vst v63  }
0x59: {  	_ =	swait.ge [sflag:s31], $0x2000  }
0x5a: {  	[sflag:s31] =	ssyncset.done $0x0  }
0x5b: {  	s5 =	simm.s32 $0x1680;
	[sflag:s31] =	ssyncadd.s32 $0xFFFFE000  }
0x5c: {  	[spmem:s2] =	stream.indirect.scatter.add.f32 [tilespmem:s24], [sflag:$0x6], $0x40, s5, s22, $0xb8;
	[tilespmem:$0x1E480] =	vst v63  }
0x5d: {  	_ =	swait.ge [sflag:s14], $0x2000  }
0x5e: {  	[sflag:s14] =	ssyncset.done $0x0  }
0x5f: {  	s5 =	simm.s32 $0x380;
	[sflag:s14] =	ssyncadd.s32 $0xFFFFE000  }
0x60: {  	[tilespmem:s29], [sflag:$0x4] =	stream.indirect.gather [spmem:s3], $0x40, s5, s22, $0xb8;
	[tilespmem:$0x1E480] =	vst v63  }
0x61: {  	_ =	swait.ge [sflag:s1], $0x2000  }
0x62: {  	[sflag:s1] =	ssyncset.done $0x0  }
0x63: {  	s5 =	simm.s32 $0x1700;
	[sflag:s1] =	ssyncadd.s32 $0xFFFFE000  }
0x64: {  	[spmem:s2] =	stream.indirect.scatter.add.f32 [tilespmem:s26], [sflag:$0x7], $0x40, s5, s22, $0xb8;
	[tilespmem:$0x1E480] =	vst v63  }
0x65: {  	_ =	swait.ge [sflag:s7], $0x2000  }
0x66: {  	[sflag:s7] =	ssyncset.done $0x0  }
0x67: {  	s5 =	simm.s32 $0x400;
	[sflag:s7] =	ssyncadd.s32 $0xFFFFE000  }
0x68: {  	[tilespmem:s23], [sflag:$0x1] =	stream.indirect.gather [spmem:s3], $0x40, s5, s22, $0xb8;
	[tilespmem:$0x1E480] =	vst v63  }
0x69: {  	_ =	swait.ge [sflag:s9], $0x2000  }
0x6a: {  	[sflag:s9] =	ssyncset.done $0x0  }
0x6b: {  	s5 =	simm.s32 $0x1780;
	[sflag:s9] =	ssyncadd.s32 $0xFFFFE000  }
0x6c: {  	[spmem:s2] =	stream.indirect.scatter.add.f32 [tilespmem:s29], [sflag:$0x8], $0x40, s5, s22, $0xb8;
	[tilespmem:$0x1E480] =	vst v63  }
0x6d: {  	_ =	swait.ge [sflag:s11], $0x2000  }
0x6e: {  	[sflag:s11] =	ssyncset.done $0x0  }
0x6f: {  	s28 =	simm.s32 $0x800;
	s0 =	simm.s32 $0x480;
	[sflag:s11] =	ssyncadd.s32 $0xFFFFE000  }
.LBB2_2:
0x70: {  	[tilespmem:s24], [sflag:$0x2] =	stream.indirect.gather [spmem:s3], $0x40, s0, s22, $0xb8;
	[tilespmem:$0x1E480] =	vst v63  }
0x71: {  	s0 =	smov.u32 s28  }
0x72: {  	p0 =	sne.s32 s28, $0x3800;
	s28 =	sadd.s32 $0x800, s28;
	_ =	swait.ge [sflag:s30], $0x2000  }
0x73: {  	s0 =	sshra.s32 s0, $0x2;
	[sflag:s30] =	ssyncset.done $0x0  }
0x74: {  	s5 =	sadd.s32 $0x1600, s0;
	[sflag:s30] =	ssyncadd.s32 $0xFFFFE000  }
0x75: {  	[spmem:s2] =	stream.indirect.scatter.add.f32 [tilespmem:s23], [sflag:$0x5], $0x40, s5, s22, $0xb8;
	[tilespmem:$0x1E480] =	vst v63  }
0x76: {  	_ =	swait.ge [sflag:s13], $0x2000  }
0x77: {  	[sflag:s13] =	ssyncset.done $0x0  }
0x78: {  	s5 =	sadd.s32 $0x300, s0;
	[sflag:s13] =	ssyncadd.s32 $0xFFFFE000  }
0x79: {  	[tilespmem:s26], [sflag:$0x3] =	stream.indirect.gather [spmem:s3], $0x40, s5, s22, $0xb8;
	[tilespmem:$0x1E480] =	vst v63  }
0x7a: {  	_ =	swait.ge [sflag:s31], $0x2000  }
0x7b: {  	[sflag:s31] =	ssyncset.done $0x0  }
0x7c: {  	s5 =	sadd.s32 $0x1680, s0;
	[sflag:s31] =	ssyncadd.s32 $0xFFFFE000  }
0x7d: {  	[spmem:s2] =	stream.indirect.scatter.add.f32 [tilespmem:s24], [sflag:$0x6], $0x40, s5, s22, $0xb8;
	[tilespmem:$0x1E480] =	vst v63  }
0x7e: {  	_ =	swait.ge [sflag:s14], $0x2000  }
0x7f: {  	[sflag:s14] =	ssyncset.done $0x0  }
0x80: {  	s5 =	sadd.s32 $0x380, s0;
	[sflag:s14] =	ssyncadd.s32 $0xFFFFE000  }
0x81: {  	[tilespmem:s29], [sflag:$0x4] =	stream.indirect.gather [spmem:s3], $0x40, s5, s22, $0xb8;
	[tilespmem:$0x1E480] =	vst v63  }
0x82: {  	_ =	swait.ge [sflag:s1], $0x2000  }
0x83: {  	[sflag:s1] =	ssyncset.done $0x0  }
0x84: {  	s5 =	sadd.s32 $0x1700, s0;
	[sflag:s1] =	ssyncadd.s32 $0xFFFFE000  }
0x85: {  	[spmem:s2] =	stream.indirect.scatter.add.f32 [tilespmem:s26], [sflag:$0x7], $0x40, s5, s22, $0xb8;
	[tilespmem:$0x1E480] =	vst v63  }
0x86: {  	_ =	swait.ge [sflag:s7], $0x2000  }
0x87: {  	[sflag:s7] =	ssyncset.done $0x0  }
0x88: {  	s5 =	sadd.s32 $0x400, s0;
	[sflag:s7] =	ssyncadd.s32 $0xFFFFE000  }
0x89: {  	[tilespmem:s23], [sflag:$0x1] =	stream.indirect.gather [spmem:s3], $0x40, s5, s22, $0xb8;
	[tilespmem:$0x1E480] =	vst v63  }
0x8a: {  	_ =	swait.ge [sflag:s9], $0x2000  }
0x8b: {  	[sflag:s9] =	ssyncset.done $0x0  }
.Ltmp0:
0x8c: {  	s5 =	sadd.s32 $0x1780, s0;
	[sflag:s9] =	ssyncadd.s32 $0xFFFFE000;
	(pc) =	sbr.rel @p0 .LBB2_2-.Ltmp0, $4  }
0x8d: {  	[spmem:s2] =	stream.indirect.scatter.add.f32 [tilespmem:s29], [sflag:$0x8], $0x40, s5, s22, $0xb8;
	[tilespmem:$0x1E480] =	vst v63  }
0x8e: {  	_ =	swait.ge [sflag:s11], $0x2000  }
0x8f: {  	[sflag:s11] =	ssyncset.done $0x0  }
0x90: {  	s0 =	sadd.s32 $0x480, s0;
	[sflag:s11] =	ssyncadd.s32 $0xFFFFE000  }
0x91: {  	[tilespmem:s24], [sflag:$0x2] =	stream.indirect.gather [spmem:s3], $0x40, s0, s22, $0xb8;
	[tilespmem:$0x1E480] =	vst v63  }
0x92: {  	_ =	swait.ge [sflag:s30], $0x2000  }
0x93: {  	[sflag:s30] =	ssyncset.done $0x0  }
0x94: {  	[sflag:s30] =	ssyncadd.s32 $0xFFFFE000  }
0x95: {  	[spmem:s2] =	stream.indirect.scatter.add.f32 [tilespmem:s23], [sflag:$0x5], $0x40, s15, s22, $0xb8;
	[tilespmem:$0x1E480] =	vst v63  }
0x96: {  	_ =	swait.ge [sflag:s13], $0x2000  }
0x97: {  	[sflag:s13] =	ssyncset.done $0x0  }
0x98: {  	[sflag:s13] =	ssyncadd.s32 $0xFFFFE000  }
0x99: {  	[tilespmem:s26], [sflag:$0x3] =	stream.indirect.gather [spmem:s3], $0x40, s16, s22, $0xb8;
	[tilespmem:$0x1E480] =	vst v63  }
0x9a: {  	_ =	swait.ge [sflag:s31], $0x2000  }
0x9b: {  	[sflag:s31] =	ssyncset.done $0x0  }
0x9c: {  	[sflag:s31] =	ssyncadd.s32 $0xFFFFE000  }
0x9d: {  	[spmem:s2] =	stream.indirect.scatter.add.f32 [tilespmem:s24], [sflag:$0x6], $0x40, s17, s22, $0xb8;
	[tilespmem:$0x1E480] =	vst v63  }
0x9e: {  	_ =	swait.ge [sflag:s14], $0x2000  }
0x9f: {  	[sflag:s14] =	ssyncset.done $0x0  }
0xa0: {  	[sflag:s14] =	ssyncadd.s32 $0xFFFFE000  }
0xa1: {  	[tilespmem:s29], [sflag:$0x4] =	stream.indirect.gather [spmem:s3], $0x40, s20, s22, $0xb8;
	[tilespmem:$0x1E480] =	vst v63  }
0xa2: {  	_ =	swait.ge [sflag:s1], $0x2000  }
0xa3: {  	[sflag:s1] =	ssyncset.done $0x0  }
0xa4: {  	[sflag:s1] =	ssyncadd.s32 $0xFFFFE000  }
0xa5: {  	[spmem:s2] =	stream.indirect.scatter.add.f32 [tilespmem:s26], [sflag:$0x7], $0x40, s4, s22, $0xb8;
	[tilespmem:$0x1E480] =	vst v63  }
0xa6: {  	_ =	swait.ge [sflag:s7], $0x2000  }
0xa7: {  	[sflag:s7] =	ssyncset.done $0x0  }
0xa8: {  	[sflag:s7] =	ssyncadd.s32 $0xFFFFE000  }
0xa9: {  	_ =	swait.ge [sflag:s9], $0x2000  }
0xaa: {  	[sflag:s9] =	ssyncset.done $0x0  }
0xab: {  	[sflag:s9] =	ssyncadd.s32 $0xFFFFE000  }
0xac: {  	[spmem:s2] =	stream.indirect.scatter.add.f32 [tilespmem:s29], [sflag:$0x8], $0x40, s18, s22, $0xb8;
	[tilespmem:$0x1E480] =	vst v63  }
0xad: {  	_ =	swait.ge [sflag:s11], $0x2000  }
0xae: {  	[sflag:s11] =	ssyncset.done $0x0  }
0xaf: {  	[sflag:s11] =	ssyncadd.s32 $0xFFFFE000  }
0xb0: {  	_ =	swait.ge [sflag:s13], $0x2000  }
0xb1: {  	[sflag:s13] =	ssyncset.done $0x0  }
0xb2: {  	[sflag:s13] =	ssyncadd.s32 $0xFFFFE000  }
0xb3: {  	_ =	swait.ge [sflag:s14], $0x2000  }
0xb4: {  	[sflag:s14] =	ssyncset.done $0x0  }
0xb5: {  	s0 =	simm.s32 $0x0;
	s5 =	rddreg [dreg:$0x8];
	[sflag:s14] =	ssyncadd.s32 $0xFFFFE000  }
0xb6: {  	[tilespmem:s0], [sflag:$0x9] =	stream.linear.gather [hbm4b:s5+s0], $0x1400, $0x38;
	[tilespmem:$0x1E480] =	vst v63  }
0xb7: {  	_ =	swait.ge [sflag:s19], $0x1400  }
0xb8: {  	[sflag:s19] =	ssyncset.done $0x0  }
0xb9: {  	s5 =	rddreg [dreg:$0x9];
	[sflag:s19] =	ssyncadd.s32 $0xFFFFEC00  }
0xba: {  	[tilespmem:s21], [sflag:$0x9] =	stream.linear.gather [hbm4b:s5+s0], $0x1400, $0x38;
	[tilespmem:$0x1E480] =	vst v63  }
0xbb: {  	_ =	swait.ge [sflag:s19], $0x1400  }
0xbc: {  	[sflag:s19] =	ssyncset.done $0x0  }
0xbd: {  	[sflag:s19] =	ssyncadd.s32 $0xFFFFEC00  }
0xbe: {  	[tilespmem:s23], [sflag:$0x1] =	stream.indirect.gather [spmem:s3], $0x40, s0, s22, $0xb8;
	[tilespmem:$0x1E480] =	vst v63  }
0xbf: {  	_ = 	snop  }
0xc0: {  	[tilespmem:s24], [sflag:$0x2] =	stream.indirect.gather [spmem:s3], $0x40, s22, s22, $0xb8;
	[tilespmem:$0x1E480] =	vst v63  }
0xc1: {  	s5 =	simm.s32 $0x100  }
0xc2: {  	[tilespmem:s26], [sflag:$0x3] =	stream.indirect.gather [spmem:s3], $0x40, s5, s22, $0xb8;
	[tilespmem:$0x1E480] =	vst v63  }
0xc3: {  	s5 =	simm.s32 $0x180  }
0xc4: {  	[tilespmem:s29], [sflag:$0x4] =	stream.indirect.gather [spmem:s3], $0x40, s5, s22, $0xb8;
	[tilespmem:$0x1E480] =	vst v63  }
0xc5: {  	_ =	swait.ge [sflag:s30], $0x2000  }
0xc6: {  	[sflag:s30] =	ssyncset.done $0x0  }
0xc7: {  	[sflag:s30] =	ssyncadd.s32 $0xFFFFE000  }
0xc8: {  	[spmem:s2] =	stream.indirect.scatter.add.f32 [tilespmem:s23], [sflag:$0x5], $0x40, s21, s22, $0xb8;
	[tilespmem:$0x1E480] =	vst v63  }
0xc9: {  	_ =	swait.ge [sflag:s31], $0x2000  }
0xca: {  	[sflag:s31] =	ssyncset.done $0x0  }
0xcb: {  	s5 =	simm.s32 $0x1480;
	[sflag:s31] =	ssyncadd.s32 $0xFFFFE000  }
0xcc: {  	[spmem:s2] =	stream.indirect.scatter.add.f32 [tilespmem:s24], [sflag:$0x6], $0x40, s5, s22, $0xb8;
	[tilespmem:$0x1E480] =	vst v63  }
0xcd: {  	_ =	swait.ge [sflag:s1], $0x2000  }
0xce: {  	[sflag:s1] =	ssyncset.done $0x0  }
0xcf: {  	s5 =	simm.s32 $0x1500;
	[sflag:s1] =	ssyncadd.s32 $0xFFFFE000  }
0xd0: {  	[spmem:s2] =	stream.indirect.scatter.add.f32 [tilespmem:s26], [sflag:$0x7], $0x40, s5, s22, $0xb8;
	[tilespmem:$0x1E480] =	vst v63  }
0xd1: {  	_ =	swait.ge [sflag:s7], $0x2000  }
0xd2: {  	[sflag:s7] =	ssyncset.done $0x0  }
0xd3: {  	s5 =	simm.s32 $0x200;
	[sflag:s7] =	ssyncadd.s32 $0xFFFFE000  }
0xd4: {  	[tilespmem:s23], [sflag:$0x1] =	stream.indirect.gather [spmem:s3], $0x40, s5, s22, $0xb8;
	[tilespmem:$0x1E480] =	vst v63  }
0xd5: {  	_ =	swait.ge [sflag:s9], $0x2000  }
0xd6: {  	[sflag:s9] =	ssyncset.done $0x0  }
0xd7: {  	[sflag:s9] =	ssyncadd.s32 $0xFFFFE000  }
0xd8: {  	[spmem:s2] =	stream.indirect.scatter.add.f32 [tilespmem:s29], [sflag:$0x8], $0x40, s10, s22, $0xb8;
	[tilespmem:$0x1E480] =	vst v63  }
0xd9: {  	_ =	swait.ge [sflag:s11], $0x2000  }
0xda: {  	[sflag:s11] =	ssyncset.done $0x0  }
0xdb: {  	[sflag:s11] =	ssyncadd.s32 $0xFFFFE000  }
0xdc: {  	[tilespmem:s24], [sflag:$0x2] =	stream.indirect.gather [spmem:s3], $0x40, s12, s22, $0xb8;
	[tilespmem:$0x1E480] =	vst v63  }
0xdd: {  	_ =	swait.ge [sflag:s30], $0x2000  }
0xde: {  	[sflag:s30] =	ssyncset.done $0x0  }
0xdf: {  	s5 =	simm.s32 $0x1600;
	[sflag:s30] =	ssyncadd.s32 $0xFFFFE000  }
0xe0: {  	[spmem:s2] =	stream.indirect.scatter.add.f32 [tilespmem:s23], [sflag:$0x5], $0x40, s5, s22, $0xb8;
	[tilespmem:$0x1E480] =	vst v63  }
0xe1: {  	_ =	swait.ge [sflag:s13], $0x2000  }
0xe2: {  	[sflag:s13] =	ssyncset.done $0x0  }
0xe3: {  	s5 =	simm.s32 $0x300;
	[sflag:s13] =	ssyncadd.s32 $0xFFFFE000  }
0xe4: {  	[tilespmem:s26], [sflag:$0x3] =	stream.indirect.gather [spmem:s3], $0x40, s5, s22, $0xb8;
	[tilespmem:$0x1E480] =	vst v63  }
0xe5: {  	_ =	swait.ge [sflag:s31], $0x2000  }
0xe6: {  	[sflag:s31] =	ssyncset.done $0x0  }
0xe7: {  	s5 =	simm.s32 $0x1680;
	[sflag:s31] =	ssyncadd.s32 $0xFFFFE000  }
0xe8: {  	[spmem:s2] =	stream.indirect.scatter.add.f32 [tilespmem:s24], [sflag:$0x6], $0x40, s5, s22, $0xb8;
	[tilespmem:$0x1E480] =	vst v63  }
0xe9: {  	_ =	swait.ge [sflag:s14], $0x2000  }
0xea: {  	[sflag:s14] =	ssyncset.done $0x0  }
0xeb: {  	s5 =	simm.s32 $0x380;
	[sflag:s14] =	ssyncadd.s32 $0xFFFFE000  }
0xec: {  	[tilespmem:s29], [sflag:$0x4] =	stream.indirect.gather [spmem:s3], $0x40, s5, s22, $0xb8;
	[tilespmem:$0x1E480] =	vst v63  }
0xed: {  	_ =	swait.ge [sflag:s1], $0x2000  }
0xee: {  	[sflag:s1] =	ssyncset.done $0x0  }
0xef: {  	s5 =	simm.s32 $0x1700;
	[sflag:s1] =	ssyncadd.s32 $0xFFFFE000  }
0xf0: {  	[spmem:s2] =	stream.indirect.scatter.add.f32 [tilespmem:s26], [sflag:$0x7], $0x40, s5, s22, $0xb8;
	[tilespmem:$0x1E480] =	vst v63  }
0xf1: {  	_ =	swait.ge [sflag:s7], $0x2000  }
0xf2: {  	[sflag:s7] =	ssyncset.done $0x0  }
0xf3: {  	s5 =	simm.s32 $0x400;
	[sflag:s7] =	ssyncadd.s32 $0xFFFFE000  }
0xf4: {  	[tilespmem:s23], [sflag:$0x1] =	stream.indirect.gather [spmem:s3], $0x40, s5, s22, $0xb8;
	[tilespmem:$0x1E480] =	vst v63  }
0xf5: {  	_ =	swait.ge [sflag:s9], $0x2000  }
0xf6: {  	[sflag:s9] =	ssyncset.done $0x0  }
0xf7: {  	s5 =	simm.s32 $0x1780;
	[sflag:s9] =	ssyncadd.s32 $0xFFFFE000  }
0xf8: {  	[spmem:s2] =	stream.indirect.scatter.add.f32 [tilespmem:s29], [sflag:$0x8], $0x40, s5, s22, $0xb8;
	[tilespmem:$0x1E480] =	vst v63  }
0xf9: {  	_ =	swait.ge [sflag:s11], $0x2000  }
0xfa: {  	[sflag:s11] =	ssyncset.done $0x0  }
0xfb: {  	s28 =	simm.s32 $0x800;
	s0 =	simm.s32 $0x480;
	[sflag:s11] =	ssyncadd.s32 $0xFFFFE000  }
.LBB2_4:
0xfc: {  	[tilespmem:s24], [sflag:$0x2] =	stream.indirect.gather [spmem:s3], $0x40, s0, s22, $0xb8;
	[tilespmem:$0x1E480] =	vst v63  }
0xfd: {  	s0 =	smov.u32 s28  }
0xfe: {  	p0 =	sne.s32 s28, $0x3800;
	s28 =	sadd.s32 $0x800, s28;
	_ =	swait.ge [sflag:s30], $0x2000  }
0xff: {  	s0 =	sshra.s32 s0, $0x2;
	[sflag:s30] =	ssyncset.done $0x0  }
0x100: {  	s5 =	sadd.s32 $0x1600, s0;
	[sflag:s30] =	ssyncadd.s32 $0xFFFFE000  }
0x101: {  	[spmem:s2] =	stream.indirect.scatter.add.f32 [tilespmem:s23], [sflag:$0x5], $0x40, s5, s22, $0xb8;
	[tilespmem:$0x1E480] =	vst v63  }
0x102: {  	_ =	swait.ge [sflag:s13], $0x2000  }
0x103: {  	[sflag:s13] =	ssyncset.done $0x0  }
0x104: {  	s5 =	sadd.s32 $0x300, s0;
	[sflag:s13] =	ssyncadd.s32 $0xFFFFE000  }
0x105: {  	[tilespmem:s26], [sflag:$0x3] =	stream.indirect.gather [spmem:s3], $0x40, s5, s22, $0xb8;
	[tilespmem:$0x1E480] =	vst v63  }
0x106: {  	_ =	swait.ge [sflag:s31], $0x2000  }
0x107: {  	[sflag:s31] =	ssyncset.done $0x0  }
0x108: {  	s5 =	sadd.s32 $0x1680, s0;
	[sflag:s31] =	ssyncadd.s32 $0xFFFFE000  }
0x109: {  	[spmem:s2] =	stream.indirect.scatter.add.f32 [tilespmem:s24], [sflag:$0x6], $0x40, s5, s22, $0xb8;
	[tilespmem:$0x1E480] =	vst v63  }
0x10a: {  	_ =	swait.ge [sflag:s14], $0x2000  }
0x10b: {  	[sflag:s14] =	ssyncset.done $0x0  }
0x10c: {  	s5 =	sadd.s32 $0x380, s0;
	[sflag:s14] =	ssyncadd.s32 $0xFFFFE000  }
0x10d: {  	[tilespmem:s29], [sflag:$0x4] =	stream.indirect.gather [spmem:s3], $0x40, s5, s22, $0xb8;
	[tilespmem:$0x1E480] =	vst v63  }
0x10e: {  	_ =	swait.ge [sflag:s1], $0x2000  }
0x10f: {  	[sflag:s1] =	ssyncset.done $0x0  }
0x110: {  	s5 =	sadd.s32 $0x1700, s0;
	[sflag:s1] =	ssyncadd.s32 $0xFFFFE000  }
0x111: {  	[spmem:s2] =	stream.indirect.scatter.add.f32 [tilespmem:s26], [sflag:$0x7], $0x40, s5, s22, $0xb8;
	[tilespmem:$0x1E480] =	vst v63  }
0x112: {  	_ =	swait.ge [sflag:s7], $0x2000  }
0x113: {  	[sflag:s7] =	ssyncset.done $0x0  }
0x114: {  	s5 =	sadd.s32 $0x400, s0;
	[sflag:s7] =	ssyncadd.s32 $0xFFFFE000  }
0x115: {  	[tilespmem:s23], [sflag:$0x1] =	stream.indirect.gather [spmem:s3], $0x40, s5, s22, $0xb8;
	[tilespmem:$0x1E480] =	vst v63  }
0x116: {  	_ =	swait.ge [sflag:s9], $0x2000  }
0x117: {  	[sflag:s9] =	ssyncset.done $0x0  }
.Ltmp1:
0x118: {  	s5 =	sadd.s32 $0x1780, s0;
	[sflag:s9] =	ssyncadd.s32 $0xFFFFE000;
	(pc) =	sbr.rel @p0 .LBB2_4-.Ltmp1, $4  }
0x119: {  	[spmem:s2] =	stream.indirect.scatter.add.f32 [tilespmem:s29], [sflag:$0x8], $0x40, s5, s22, $0xb8;
	[tilespmem:$0x1E480] =	vst v63  }
0x11a: {  	_ =	swait.ge [sflag:s11], $0x2000  }
0x11b: {  	[sflag:s11] =	ssyncset.done $0x0  }
0x11c: {  	s0 =	sadd.s32 $0x480, s0;
	[sflag:s11] =	ssyncadd.s32 $0xFFFFE000  }
0x11d: {  	[tilespmem:s24], [sflag:$0x2] =	stream.indirect.gather [spmem:s3], $0x40, s0, s22, $0xb8;
	[tilespmem:$0x1E480] =	vst v63  }
0x11e: {  	_ =	swait.ge [sflag:s30], $0x2000  }
0x11f: {  	[sflag:s30] =	ssyncset.done $0x0  }
0x120: {  	[sflag:s30] =	ssyncadd.s32 $0xFFFFE000  }
0x121: {  	[spmem:s2] =	stream.indirect.scatter.add.f32 [tilespmem:s23], [sflag:$0x5], $0x40, s15, s22, $0xb8;
	[tilespmem:$0x1E480] =	vst v63  }
0x122: {  	_ =	swait.ge [sflag:s13], $0x2000  }
0x123: {  	[sflag:s13] =	ssyncset.done $0x0  }
0x124: {  	[sflag:s13] =	ssyncadd.s32 $0xFFFFE000  }
0x125: {  	[tilespmem:s26], [sflag:$0x3] =	stream.indirect.gather [spmem:s3], $0x40, s16, s22, $0xb8;
	[tilespmem:$0x1E480] =	vst v63  }
0x126: {  	_ =	swait.ge [sflag:s31], $0x2000  }
0x127: {  	[sflag:s31] =	ssyncset.done $0x0  }
0x128: {  	[sflag:s31] =	ssyncadd.s32 $0xFFFFE000  }
0x129: {  	[spmem:s2] =	stream.indirect.scatter.add.f32 [tilespmem:s24], [sflag:$0x6], $0x40, s17, s22, $0xb8;
	[tilespmem:$0x1E480] =	vst v63  }
0x12a: {  	_ =	swait.ge [sflag:s14], $0x2000  }
0x12b: {  	[sflag:s14] =	ssyncset.done $0x0  }
0x12c: {  	[sflag:s14] =	ssyncadd.s32 $0xFFFFE000  }
0x12d: {  	[tilespmem:s29], [sflag:$0x4] =	stream.indirect.gather [spmem:s3], $0x40, s20, s22, $0xb8;
	[tilespmem:$0x1E480] =	vst v63  }
0x12e: {  	_ =	swait.ge [sflag:s1], $0x2000  }
0x12f: {  	[sflag:s1] =	ssyncset.done $0x0  }
0x130: {  	[sflag:s1] =	ssyncadd.s32 $0xFFFFE000  }
0x131: {  	[spmem:s2] =	stream.indirect.scatter.add.f32 [tilespmem:s26], [sflag:$0x7], $0x40, s4, s22, $0xb8;
	[tilespmem:$0x1E480] =	vst v63  }
0x132: {  	_ =	swait.ge [sflag:s7], $0x2000  }
0x133: {  	[sflag:s7] =	ssyncset.done $0x0  }
0x134: {  	[sflag:s7] =	ssyncadd.s32 $0xFFFFE000  }
0x135: {  	_ =	swait.ge [sflag:s9], $0x2000  }
0x136: {  	[sflag:s9] =	ssyncset.done $0x0  }
0x137: {  	[sflag:s9] =	ssyncadd.s32 $0xFFFFE000  }
0x138: {  	[spmem:s2] =	stream.indirect.scatter.add.f32 [tilespmem:s29], [sflag:$0x8], $0x40, s18, s22, $0xb8;
	[tilespmem:$0x1E480] =	vst v63  }
0x139: {  	_ =	swait.ge [sflag:s11], $0x2000  }
0x13a: {  	[sflag:s11] =	ssyncset.done $0x0  }
0x13b: {  	[sflag:s11] =	ssyncadd.s32 $0xFFFFE000  }
0x13c: {  	_ =	swait.ge [sflag:s13], $0x2000  }
0x13d: {  	[sflag:s13] =	ssyncset.done $0x0  }
0x13e: {  	[sflag:s13] =	ssyncadd.s32 $0xFFFFE000  }
0x13f: {  	_ =	swait.ge [sflag:s14], $0x2000  }
0x140: {  	[sflag:s14] =	ssyncset.done $0x0  }
0x141: {  	s0 =	simm.s32 $0x0;
	s5 =	rddreg [dreg:$0xa];
	[sflag:s14] =	ssyncadd.s32 $0xFFFFE000  }
0x142: {  	[tilespmem:s0], [sflag:$0x9] =	stream.linear.gather [hbm4b:s5+s0], $0x1400, $0x38;
	[tilespmem:$0x1E480] =	vst v63  }
0x143: {  	_ =	swait.ge [sflag:s19], $0x1400  }
0x144: {  	[sflag:s19] =	ssyncset.done $0x0  }
0x145: {  	s5 =	rddreg [dreg:$0xb];
	[sflag:s19] =	ssyncadd.s32 $0xFFFFEC00  }
0x146: {  	[tilespmem:s21], [sflag:$0x9] =	stream.linear.gather [hbm4b:s5+s0], $0x1400, $0x38;
	[tilespmem:$0x1E480] =	vst v63  }
0x147: {  	_ =	swait.ge [sflag:s19], $0x1400  }
0x148: {  	[sflag:s19] =	ssyncset.done $0x0  }
0x149: {  	[sflag:s19] =	ssyncadd.s32 $0xFFFFEC00  }
0x14a: {  	[tilespmem:s23], [sflag:$0x1] =	stream.indirect.gather [spmem:s3], $0x40, s0, s22, $0xb8;
	[tilespmem:$0x1E480] =	vst v63  }
0x14b: {  	_ = 	snop  }
0x14c: {  	[tilespmem:s24], [sflag:$0x2] =	stream.indirect.gather [spmem:s3], $0x40, s22, s22, $0xb8;
	[tilespmem:$0x1E480] =	vst v63  }
0x14d: {  	s5 =	simm.s32 $0x100  }
0x14e: {  	[tilespmem:s26], [sflag:$0x3] =	stream.indirect.gather [spmem:s3], $0x40, s5, s22, $0xb8;
	[tilespmem:$0x1E480] =	vst v63  }
0x14f: {  	s5 =	simm.s32 $0x180  }
0x150: {  	[tilespmem:s29], [sflag:$0x4] =	stream.indirect.gather [spmem:s3], $0x40, s5, s22, $0xb8;
	[tilespmem:$0x1E480] =	vst v63  }
0x151: {  	_ =	swait.ge [sflag:s30], $0x2000  }
0x152: {  	[sflag:s30] =	ssyncset.done $0x0  }
0x153: {  	[sflag:s30] =	ssyncadd.s32 $0xFFFFE000  }
0x154: {  	[spmem:s2] =	stream.indirect.scatter.add.f32 [tilespmem:s23], [sflag:$0x5], $0x40, s21, s22, $0xb8;
	[tilespmem:$0x1E480] =	vst v63  }
0x155: {  	_ =	swait.ge [sflag:s31], $0x2000  }
0x156: {  	[sflag:s31] =	ssyncset.done $0x0  }
0x157: {  	s5 =	simm.s32 $0x1480;
	[sflag:s31] =	ssyncadd.s32 $0xFFFFE000  }
0x158: {  	[spmem:s2] =	stream.indirect.scatter.add.f32 [tilespmem:s24], [sflag:$0x6], $0x40, s5, s22, $0xb8;
	[tilespmem:$0x1E480] =	vst v63  }
0x159: {  	_ =	swait.ge [sflag:s1], $0x2000  }
0x15a: {  	[sflag:s1] =	ssyncset.done $0x0  }
0x15b: {  	s5 =	simm.s32 $0x1500;
	[sflag:s1] =	ssyncadd.s32 $0xFFFFE000  }
0x15c: {  	[spmem:s2] =	stream.indirect.scatter.add.f32 [tilespmem:s26], [sflag:$0x7], $0x40, s5, s22, $0xb8;
	[tilespmem:$0x1E480] =	vst v63  }
0x15d: {  	_ =	swait.ge [sflag:s7], $0x2000  }
0x15e: {  	[sflag:s7] =	ssyncset.done $0x0  }
0x15f: {  	s5 =	simm.s32 $0x200;
	[sflag:s7] =	ssyncadd.s32 $0xFFFFE000  }
0x160: {  	[tilespmem:s23], [sflag:$0x1] =	stream.indirect.gather [spmem:s3], $0x40, s5, s22, $0xb8;
	[tilespmem:$0x1E480] =	vst v63  }
0x161: {  	_ =	swait.ge [sflag:s9], $0x2000  }
0x162: {  	[sflag:s9] =	ssyncset.done $0x0  }
0x163: {  	[sflag:s9] =	ssyncadd.s32 $0xFFFFE000  }
0x164: {  	[spmem:s2] =	stream.indirect.scatter.add.f32 [tilespmem:s29], [sflag:$0x8], $0x40, s10, s22, $0xb8;
	[tilespmem:$0x1E480] =	vst v63  }
0x165: {  	_ =	swait.ge [sflag:s11], $0x2000  }
0x166: {  	[sflag:s11] =	ssyncset.done $0x0  }
0x167: {  	[sflag:s11] =	ssyncadd.s32 $0xFFFFE000  }
0x168: {  	[tilespmem:s24], [sflag:$0x2] =	stream.indirect.gather [spmem:s3], $0x40, s12, s22, $0xb8;
	[tilespmem:$0x1E480] =	vst v63  }
0x169: {  	_ =	swait.ge [sflag:s30], $0x2000  }
0x16a: {  	[sflag:s30] =	ssyncset.done $0x0  }
0x16b: {  	s5 =	simm.s32 $0x1600;
	[sflag:s30] =	ssyncadd.s32 $0xFFFFE000  }
0x16c: {  	[spmem:s2] =	stream.indirect.scatter.add.f32 [tilespmem:s23], [sflag:$0x5], $0x40, s5, s22, $0xb8;
	[tilespmem:$0x1E480] =	vst v63  }
0x16d: {  	_ =	swait.ge [sflag:s13], $0x2000  }
0x16e: {  	[sflag:s13] =	ssyncset.done $0x0  }
0x16f: {  	s5 =	simm.s32 $0x300;
	[sflag:s13] =	ssyncadd.s32 $0xFFFFE000  }
0x170: {  	[tilespmem:s26], [sflag:$0x3] =	stream.indirect.gather [spmem:s3], $0x40, s5, s22, $0xb8;
	[tilespmem:$0x1E480] =	vst v63  }
0x171: {  	_ =	swait.ge [sflag:s31], $0x2000  }
0x172: {  	[sflag:s31] =	ssyncset.done $0x0  }
0x173: {  	s5 =	simm.s32 $0x1680;
	[sflag:s31] =	ssyncadd.s32 $0xFFFFE000  }
0x174: {  	[spmem:s2] =	stream.indirect.scatter.add.f32 [tilespmem:s24], [sflag:$0x6], $0x40, s5, s22, $0xb8;
	[tilespmem:$0x1E480] =	vst v63  }
0x175: {  	_ =	swait.ge [sflag:s14], $0x2000  }
0x176: {  	[sflag:s14] =	ssyncset.done $0x0  }
0x177: {  	s5 =	simm.s32 $0x380;
	[sflag:s14] =	ssyncadd.s32 $0xFFFFE000  }
0x178: {  	[tilespmem:s29], [sflag:$0x4] =	stream.indirect.gather [spmem:s3], $0x40, s5, s22, $0xb8;
	[tilespmem:$0x1E480] =	vst v63  }
0x179: {  	_ =	swait.ge [sflag:s1], $0x2000  }
0x17a: {  	[sflag:s1] =	ssyncset.done $0x0  }
0x17b: {  	s5 =	simm.s32 $0x1700;
	[sflag:s1] =	ssyncadd.s32 $0xFFFFE000  }
0x17c: {  	[spmem:s2] =	stream.indirect.scatter.add.f32 [tilespmem:s26], [sflag:$0x7], $0x40, s5, s22, $0xb8;
	[tilespmem:$0x1E480] =	vst v63  }
0x17d: {  	_ =	swait.ge [sflag:s7], $0x2000  }
0x17e: {  	[sflag:s7] =	ssyncset.done $0x0  }
0x17f: {  	s5 =	simm.s32 $0x400;
	[sflag:s7] =	ssyncadd.s32 $0xFFFFE000  }
0x180: {  	[tilespmem:s23], [sflag:$0x1] =	stream.indirect.gather [spmem:s3], $0x40, s5, s22, $0xb8;
	[tilespmem:$0x1E480] =	vst v63  }
0x181: {  	_ =	swait.ge [sflag:s9], $0x2000  }
0x182: {  	[sflag:s9] =	ssyncset.done $0x0  }
0x183: {  	s5 =	simm.s32 $0x1780;
	[sflag:s9] =	ssyncadd.s32 $0xFFFFE000  }
0x184: {  	[spmem:s2] =	stream.indirect.scatter.add.f32 [tilespmem:s29], [sflag:$0x8], $0x40, s5, s22, $0xb8;
	[tilespmem:$0x1E480] =	vst v63  }
0x185: {  	_ =	swait.ge [sflag:s11], $0x2000  }
0x186: {  	[sflag:s11] =	ssyncset.done $0x0  }
0x187: {  	s28 =	simm.s32 $0x800;
	s0 =	simm.s32 $0x480;
	[sflag:s11] =	ssyncadd.s32 $0xFFFFE000  }
.LBB2_6:
0x188: {  	[tilespmem:s24], [sflag:$0x2] =	stream.indirect.gather [spmem:s3], $0x40, s0, s22, $0xb8;
	[tilespmem:$0x1E480] =	vst v63  }
0x189: {  	s0 =	smov.u32 s28  }
0x18a: {  	p0 =	sne.s32 s28, $0x3800;
	s28 =	sadd.s32 $0x800, s28;
	_ =	swait.ge [sflag:s30], $0x2000  }
0x18b: {  	s0 =	sshra.s32 s0, $0x2;
	[sflag:s30] =	ssyncset.done $0x0  }
0x18c: {  	s5 =	sadd.s32 $0x1600, s0;
	[sflag:s30] =	ssyncadd.s32 $0xFFFFE000  }
0x18d: {  	[spmem:s2] =	stream.indirect.scatter.add.f32 [tilespmem:s23], [sflag:$0x5], $0x40, s5, s22, $0xb8;
	[tilespmem:$0x1E480] =	vst v63  }
0x18e: {  	_ =	swait.ge [sflag:s13], $0x2000  }
0x18f: {  	[sflag:s13] =	ssyncset.done $0x0  }
0x190: {  	s5 =	sadd.s32 $0x300, s0;
	[sflag:s13] =	ssyncadd.s32 $0xFFFFE000  }
0x191: {  	[tilespmem:s26], [sflag:$0x3] =	stream.indirect.gather [spmem:s3], $0x40, s5, s22, $0xb8;
	[tilespmem:$0x1E480] =	vst v63  }
0x192: {  	_ =	swait.ge [sflag:s31], $0x2000  }
0x193: {  	[sflag:s31] =	ssyncset.done $0x0  }
0x194: {  	s5 =	sadd.s32 $0x1680, s0;
	[sflag:s31] =	ssyncadd.s32 $0xFFFFE000  }
0x195: {  	[spmem:s2] =	stream.indirect.scatter.add.f32 [tilespmem:s24], [sflag:$0x6], $0x40, s5, s22, $0xb8;
	[tilespmem:$0x1E480] =	vst v63  }
0x196: {  	_ =	swait.ge [sflag:s14], $0x2000  }
0x197: {  	[sflag:s14] =	ssyncset.done $0x0  }
0x198: {  	s5 =	sadd.s32 $0x380, s0;
	[sflag:s14] =	ssyncadd.s32 $0xFFFFE000  }
0x199: {  	[tilespmem:s29], [sflag:$0x4] =	stream.indirect.gather [spmem:s3], $0x40, s5, s22, $0xb8;
	[tilespmem:$0x1E480] =	vst v63  }
0x19a: {  	_ =	swait.ge [sflag:s1], $0x2000  }
0x19b: {  	[sflag:s1] =	ssyncset.done $0x0  }
0x19c: {  	s5 =	sadd.s32 $0x1700, s0;
	[sflag:s1] =	ssyncadd.s32 $0xFFFFE000  }
0x19d: {  	[spmem:s2] =	stream.indirect.scatter.add.f32 [tilespmem:s26], [sflag:$0x7], $0x40, s5, s22, $0xb8;
	[tilespmem:$0x1E480] =	vst v63  }
0x19e: {  	_ =	swait.ge [sflag:s7], $0x2000  }
0x19f: {  	[sflag:s7] =	ssyncset.done $0x0  }
0x1a0: {  	s5 =	sadd.s32 $0x400, s0;
	[sflag:s7] =	ssyncadd.s32 $0xFFFFE000  }
0x1a1: {  	[tilespmem:s23], [sflag:$0x1] =	stream.indirect.gather [spmem:s3], $0x40, s5, s22, $0xb8;
	[tilespmem:$0x1E480] =	vst v63  }
0x1a2: {  	_ =	swait.ge [sflag:s9], $0x2000  }
0x1a3: {  	[sflag:s9] =	ssyncset.done $0x0  }
.Ltmp2:
0x1a4: {  	s5 =	sadd.s32 $0x1780, s0;
	[sflag:s9] =	ssyncadd.s32 $0xFFFFE000;
	(pc) =	sbr.rel @p0 .LBB2_6-.Ltmp2, $4  }
0x1a5: {  	[spmem:s2] =	stream.indirect.scatter.add.f32 [tilespmem:s29], [sflag:$0x8], $0x40, s5, s22, $0xb8;
	[tilespmem:$0x1E480] =	vst v63  }
0x1a6: {  	_ =	swait.ge [sflag:s11], $0x2000  }
0x1a7: {  	[sflag:s11] =	ssyncset.done $0x0  }
0x1a8: {  	s0 =	sadd.s32 $0x480, s0;
	[sflag:s11] =	ssyncadd.s32 $0xFFFFE000  }
0x1a9: {  	[tilespmem:s24], [sflag:$0x2] =	stream.indirect.gather [spmem:s3], $0x40, s0, s22, $0xb8;
	[tilespmem:$0x1E480] =	vst v63  }
0x1aa: {  	_ =	swait.ge [sflag:s30], $0x2000  }
0x1ab: {  	[sflag:s30] =	ssyncset.done $0x0  }
0x1ac: {  	[sflag:s30] =	ssyncadd.s32 $0xFFFFE000  }
0x1ad: {  	[spmem:s2] =	stream.indirect.scatter.add.f32 [tilespmem:s23], [sflag:$0x5], $0x40, s15, s22, $0xb8;
	[tilespmem:$0x1E480] =	vst v63  }
0x1ae: {  	_ =	swait.ge [sflag:s13], $0x2000  }
0x1af: {  	[sflag:s13] =	ssyncset.done $0x0  }
0x1b0: {  	[sflag:s13] =	ssyncadd.s32 $0xFFFFE000  }
0x1b1: {  	[tilespmem:s26], [sflag:$0x3] =	stream.indirect.gather [spmem:s3], $0x40, s16, s22, $0xb8;
	[tilespmem:$0x1E480] =	vst v63  }
0x1b2: {  	_ =	swait.ge [sflag:s31], $0x2000  }
0x1b3: {  	[sflag:s31] =	ssyncset.done $0x0  }
0x1b4: {  	[sflag:s31] =	ssyncadd.s32 $0xFFFFE000  }
0x1b5: {  	[spmem:s2] =	stream.indirect.scatter.add.f32 [tilespmem:s24], [sflag:$0x6], $0x40, s17, s22, $0xb8;
	[tilespmem:$0x1E480] =	vst v63  }
0x1b6: {  	_ =	swait.ge [sflag:s14], $0x2000  }
0x1b7: {  	[sflag:s14] =	ssyncset.done $0x0  }
0x1b8: {  	[sflag:s14] =	ssyncadd.s32 $0xFFFFE000  }
0x1b9: {  	[tilespmem:s29], [sflag:$0x4] =	stream.indirect.gather [spmem:s3], $0x40, s20, s22, $0xb8;
	[tilespmem:$0x1E480] =	vst v63  }
0x1ba: {  	_ =	swait.ge [sflag:s1], $0x2000  }
0x1bb: {  	[sflag:s1] =	ssyncset.done $0x0  }
0x1bc: {  	[sflag:s1] =	ssyncadd.s32 $0xFFFFE000  }
0x1bd: {  	[spmem:s2] =	stream.indirect.scatter.add.f32 [tilespmem:s26], [sflag:$0x7], $0x40, s4, s22, $0xb8;
	[tilespmem:$0x1E480] =	vst v63  }
0x1be: {  	_ =	swait.ge [sflag:s7], $0x2000  }
0x1bf: {  	[sflag:s7] =	ssyncset.done $0x0  }
0x1c0: {  	[sflag:s7] =	ssyncadd.s32 $0xFFFFE000  }
0x1c1: {  	_ =	swait.ge [sflag:s9], $0x2000  }
0x1c2: {  	[sflag:s9] =	ssyncset.done $0x0  }
0x1c3: {  	[sflag:s9] =	ssyncadd.s32 $0xFFFFE000  }
0x1c4: {  	[spmem:s2] =	stream.indirect.scatter.add.f32 [tilespmem:s29], [sflag:$0x8], $0x40, s18, s22, $0xb8;
	[tilespmem:$0x1E480] =	vst v63  }
0x1c5: {  	_ =	swait.ge [sflag:s11], $0x2000  }
0x1c6: {  	[sflag:s11] =	ssyncset.done $0x0  }
0x1c7: {  	[sflag:s11] =	ssyncadd.s32 $0xFFFFE000  }
0x1c8: {  	_ =	swait.ge [sflag:s13], $0x2000  }
0x1c9: {  	[sflag:s13] =	ssyncset.done $0x0  }
0x1ca: {  	[sflag:s13] =	ssyncadd.s32 $0xFFFFE000  }
0x1cb: {  	_ =	swait.ge [sflag:s14], $0x2000  }
0x1cc: {  	[sflag:s14] =	ssyncset.done $0x0  }
0x1cd: {  	s0 =	simm.s32 $0x0;
	s5 =	rddreg [dreg:$0xc];
	[sflag:s14] =	ssyncadd.s32 $0xFFFFE000  }
0x1ce: {  	[tilespmem:s0], [sflag:$0x9] =	stream.linear.gather [hbm4b:s5+s0], $0x1400, $0x38;
	[tilespmem:$0x1E480] =	vst v63  }
0x1cf: {  	_ =	swait.ge [sflag:s19], $0x1400  }
0x1d0: {  	[sflag:s19] =	ssyncset.done $0x0  }
0x1d1: {  	s5 =	rddreg [dreg:$0xd];
	[sflag:s19] =	ssyncadd.s32 $0xFFFFEC00  }
0x1d2: {  	[tilespmem:s21], [sflag:$0x9] =	stream.linear.gather [hbm4b:s5+s0], $0x1400, $0x38;
	[tilespmem:$0x1E480] =	vst v63  }
0x1d3: {  	_ =	swait.ge [sflag:s19], $0x1400  }
0x1d4: {  	[sflag:s19] =	ssyncset.done $0x0  }
0x1d5: {  	[sflag:s19] =	ssyncadd.s32 $0xFFFFEC00  }
0x1d6: {  	[tilespmem:s23], [sflag:$0x1] =	stream.indirect.gather [spmem:s3], $0x40, s0, s22, $0xb8;
	[tilespmem:$0x1E480] =	vst v63  }
0x1d7: {  	_ = 	snop  }
0x1d8: {  	[tilespmem:s24], [sflag:$0x2] =	stream.indirect.gather [spmem:s3], $0x40, s22, s22, $0xb8;
	[tilespmem:$0x1E480] =	vst v63  }
0x1d9: {  	s5 =	simm.s32 $0x100  }
0x1da: {  	[tilespmem:s26], [sflag:$0x3] =	stream.indirect.gather [spmem:s3], $0x40, s5, s22, $0xb8;
	[tilespmem:$0x1E480] =	vst v63  }
0x1db: {  	s5 =	simm.s32 $0x180  }
0x1dc: {  	[tilespmem:s29], [sflag:$0x4] =	stream.indirect.gather [spmem:s3], $0x40, s5, s22, $0xb8;
	[tilespmem:$0x1E480] =	vst v63  }
0x1dd: {  	_ =	swait.ge [sflag:s30], $0x2000  }
0x1de: {  	[sflag:s30] =	ssyncset.done $0x0  }
0x1df: {  	[sflag:s30] =	ssyncadd.s32 $0xFFFFE000  }
0x1e0: {  	[spmem:s2] =	stream.indirect.scatter.add.f32 [tilespmem:s23], [sflag:$0x5], $0x40, s21, s22, $0xb8;
	[tilespmem:$0x1E480] =	vst v63  }
0x1e1: {  	_ =	swait.ge [sflag:s31], $0x2000  }
0x1e2: {  	[sflag:s31] =	ssyncset.done $0x0  }
0x1e3: {  	s5 =	simm.s32 $0x1480;
	[sflag:s31] =	ssyncadd.s32 $0xFFFFE000  }
0x1e4: {  	[spmem:s2] =	stream.indirect.scatter.add.f32 [tilespmem:s24], [sflag:$0x6], $0x40, s5, s22, $0xb8;
	[tilespmem:$0x1E480] =	vst v63  }
0x1e5: {  	_ =	swait.ge [sflag:s1], $0x2000  }
0x1e6: {  	[sflag:s1] =	ssyncset.done $0x0  }
0x1e7: {  	s5 =	simm.s32 $0x1500;
	[sflag:s1] =	ssyncadd.s32 $0xFFFFE000  }
0x1e8: {  	[spmem:s2] =	stream.indirect.scatter.add.f32 [tilespmem:s26], [sflag:$0x7], $0x40, s5, s22, $0xb8;
	[tilespmem:$0x1E480] =	vst v63  }
0x1e9: {  	_ =	swait.ge [sflag:s7], $0x2000  }
0x1ea: {  	[sflag:s7] =	ssyncset.done $0x0  }
0x1eb: {  	s5 =	simm.s32 $0x200;
	[sflag:s7] =	ssyncadd.s32 $0xFFFFE000  }
0x1ec: {  	[tilespmem:s23], [sflag:$0x1] =	stream.indirect.gather [spmem:s3], $0x40, s5, s22, $0xb8;
	[tilespmem:$0x1E480] =	vst v63  }
0x1ed: {  	_ =	swait.ge [sflag:s9], $0x2000  }
0x1ee: {  	[sflag:s9] =	ssyncset.done $0x0  }
0x1ef: {  	[sflag:s9] =	ssyncadd.s32 $0xFFFFE000  }
0x1f0: {  	[spmem:s2] =	stream.indirect.scatter.add.f32 [tilespmem:s29], [sflag:$0x8], $0x40, s10, s22, $0xb8;
	[tilespmem:$0x1E480] =	vst v63  }
0x1f1: {  	_ =	swait.ge [sflag:s11], $0x2000  }
0x1f2: {  	[sflag:s11] =	ssyncset.done $0x0  }
0x1f3: {  	[sflag:s11] =	ssyncadd.s32 $0xFFFFE000  }
0x1f4: {  	[tilespmem:s24], [sflag:$0x2] =	stream.indirect.gather [spmem:s3], $0x40, s12, s22, $0xb8;
	[tilespmem:$0x1E480] =	vst v63  }
0x1f5: {  	_ =	swait.ge [sflag:s30], $0x2000  }
0x1f6: {  	[sflag:s30] =	ssyncset.done $0x0  }
0x1f7: {  	s5 =	simm.s32 $0x1600;
	[sflag:s30] =	ssyncadd.s32 $0xFFFFE000  }
0x1f8: {  	[spmem:s2] =	stream.indirect.scatter.add.f32 [tilespmem:s23], [sflag:$0x5], $0x40, s5, s22, $0xb8;
	[tilespmem:$0x1E480] =	vst v63  }
0x1f9: {  	_ =	swait.ge [sflag:s13], $0x2000  }
0x1fa: {  	[sflag:s13] =	ssyncset.done $0x0  }
0x1fb: {  	s5 =	simm.s32 $0x300;
	[sflag:s13] =	ssyncadd.s32 $0xFFFFE000  }
0x1fc: {  	[tilespmem:s26], [sflag:$0x3] =	stream.indirect.gather [spmem:s3], $0x40, s5, s22, $0xb8;
	[tilespmem:$0x1E480] =	vst v63  }
0x1fd: {  	_ =	swait.ge [sflag:s31], $0x2000  }
0x1fe: {  	[sflag:s31] =	ssyncset.done $0x0  }
0x1ff: {  	s5 =	simm.s32 $0x1680;
	[sflag:s31] =	ssyncadd.s32 $0xFFFFE000  }
0x200: {  	[spmem:s2] =	stream.indirect.scatter.add.f32 [tilespmem:s24], [sflag:$0x6], $0x40, s5, s22, $0xb8;
	[tilespmem:$0x1E480] =	vst v63  }
0x201: {  	_ =	swait.ge [sflag:s14], $0x2000  }
0x202: {  	[sflag:s14] =	ssyncset.done $0x0  }
0x203: {  	s5 =	simm.s32 $0x380;
	[sflag:s14] =	ssyncadd.s32 $0xFFFFE000  }
0x204: {  	[tilespmem:s29], [sflag:$0x4] =	stream.indirect.gather [spmem:s3], $0x40, s5, s22, $0xb8;
	[tilespmem:$0x1E480] =	vst v63  }
0x205: {  	_ =	swait.ge [sflag:s1], $0x2000  }
0x206: {  	[sflag:s1] =	ssyncset.done $0x0  }
0x207: {  	s5 =	simm.s32 $0x1700;
	[sflag:s1] =	ssyncadd.s32 $0xFFFFE000  }
0x208: {  	[spmem:s2] =	stream.indirect.scatter.add.f32 [tilespmem:s26], [sflag:$0x7], $0x40, s5, s22, $0xb8;
	[tilespmem:$0x1E480] =	vst v63  }
0x209: {  	_ =	swait.ge [sflag:s7], $0x2000  }
0x20a: {  	[sflag:s7] =	ssyncset.done $0x0  }
0x20b: {  	s5 =	simm.s32 $0x400;
	[sflag:s7] =	ssyncadd.s32 $0xFFFFE000  }
0x20c: {  	[tilespmem:s23], [sflag:$0x1] =	stream.indirect.gather [spmem:s3], $0x40, s5, s22, $0xb8;
	[tilespmem:$0x1E480] =	vst v63  }
0x20d: {  	_ =	swait.ge [sflag:s9], $0x2000  }
0x20e: {  	[sflag:s9] =	ssyncset.done $0x0  }
0x20f: {  	s5 =	simm.s32 $0x1780;
	[sflag:s9] =	ssyncadd.s32 $0xFFFFE000  }
0x210: {  	[spmem:s2] =	stream.indirect.scatter.add.f32 [tilespmem:s29], [sflag:$0x8], $0x40, s5, s22, $0xb8;
	[tilespmem:$0x1E480] =	vst v63  }
0x211: {  	_ =	swait.ge [sflag:s11], $0x2000  }
0x212: {  	[sflag:s11] =	ssyncset.done $0x0  }
0x213: {  	s28 =	simm.s32 $0x800;
	s0 =	simm.s32 $0x480;
	[sflag:s11] =	ssyncadd.s32 $0xFFFFE000  }
.LBB2_8:
0x214: {  	[tilespmem:s24], [sflag:$0x2] =	stream.indirect.gather [spmem:s3], $0x40, s0, s22, $0xb8;
	[tilespmem:$0x1E480] =	vst v63  }
0x215: {  	s0 =	smov.u32 s28  }
0x216: {  	p0 =	sne.s32 s28, $0x3800;
	s28 =	sadd.s32 $0x800, s28;
	_ =	swait.ge [sflag:s30], $0x2000  }
0x217: {  	s0 =	sshra.s32 s0, $0x2;
	[sflag:s30] =	ssyncset.done $0x0  }
0x218: {  	s5 =	sadd.s32 $0x1600, s0;
	[sflag:s30] =	ssyncadd.s32 $0xFFFFE000  }
0x219: {  	[spmem:s2] =	stream.indirect.scatter.add.f32 [tilespmem:s23], [sflag:$0x5], $0x40, s5, s22, $0xb8;
	[tilespmem:$0x1E480] =	vst v63  }
0x21a: {  	_ =	swait.ge [sflag:s13], $0x2000  }
0x21b: {  	[sflag:s13] =	ssyncset.done $0x0  }
0x21c: {  	s5 =	sadd.s32 $0x300, s0;
	[sflag:s13] =	ssyncadd.s32 $0xFFFFE000  }
0x21d: {  	[tilespmem:s26], [sflag:$0x3] =	stream.indirect.gather [spmem:s3], $0x40, s5, s22, $0xb8;
	[tilespmem:$0x1E480] =	vst v63  }
0x21e: {  	_ =	swait.ge [sflag:s31], $0x2000  }
0x21f: {  	[sflag:s31] =	ssyncset.done $0x0  }
0x220: {  	s5 =	sadd.s32 $0x1680, s0;
	[sflag:s31] =	ssyncadd.s32 $0xFFFFE000  }
0x221: {  	[spmem:s2] =	stream.indirect.scatter.add.f32 [tilespmem:s24], [sflag:$0x6], $0x40, s5, s22, $0xb8;
	[tilespmem:$0x1E480] =	vst v63  }
0x222: {  	_ =	swait.ge [sflag:s14], $0x2000  }
0x223: {  	[sflag:s14] =	ssyncset.done $0x0  }
0x224: {  	s5 =	sadd.s32 $0x380, s0;
	[sflag:s14] =	ssyncadd.s32 $0xFFFFE000  }
0x225: {  	[tilespmem:s29], [sflag:$0x4] =	stream.indirect.gather [spmem:s3], $0x40, s5, s22, $0xb8;
	[tilespmem:$0x1E480] =	vst v63  }
0x226: {  	_ =	swait.ge [sflag:s1], $0x2000  }
0x227: {  	[sflag:s1] =	ssyncset.done $0x0  }
0x228: {  	s5 =	sadd.s32 $0x1700, s0;
	[sflag:s1] =	ssyncadd.s32 $0xFFFFE000  }
0x229: {  	[spmem:s2] =	stream.indirect.scatter.add.f32 [tilespmem:s26], [sflag:$0x7], $0x40, s5, s22, $0xb8;
	[tilespmem:$0x1E480] =	vst v63  }
0x22a: {  	_ =	swait.ge [sflag:s7], $0x2000  }
0x22b: {  	[sflag:s7] =	ssyncset.done $0x0  }
0x22c: {  	s5 =	sadd.s32 $0x400, s0;
	[sflag:s7] =	ssyncadd.s32 $0xFFFFE000  }
0x22d: {  	[tilespmem:s23], [sflag:$0x1] =	stream.indirect.gather [spmem:s3], $0x40, s5, s22, $0xb8;
	[tilespmem:$0x1E480] =	vst v63  }
0x22e: {  	_ =	swait.ge [sflag:s9], $0x2000  }
0x22f: {  	[sflag:s9] =	ssyncset.done $0x0  }
.Ltmp3:
0x230: {  	s5 =	sadd.s32 $0x1780, s0;
	[sflag:s9] =	ssyncadd.s32 $0xFFFFE000;
	(pc) =	sbr.rel @p0 .LBB2_8-.Ltmp3, $4  }
0x231: {  	[spmem:s2] =	stream.indirect.scatter.add.f32 [tilespmem:s29], [sflag:$0x8], $0x40, s5, s22, $0xb8;
	[tilespmem:$0x1E480] =	vst v63  }
0x232: {  	_ =	swait.ge [sflag:s11], $0x2000  }
0x233: {  	[sflag:s11] =	ssyncset.done $0x0  }
0x234: {  	s0 =	sadd.s32 $0x480, s0;
	[sflag:s11] =	ssyncadd.s32 $0xFFFFE000  }
0x235: {  	[tilespmem:s24], [sflag:$0x2] =	stream.indirect.gather [spmem:s3], $0x40, s0, s22, $0xb8;
	[tilespmem:$0x1E480] =	vst v63  }
0x236: {  	_ =	swait.ge [sflag:s30], $0x2000  }
0x237: {  	[sflag:s30] =	ssyncset.done $0x0  }
0x238: {  	[sflag:s30] =	ssyncadd.s32 $0xFFFFE000  }
0x239: {  	[spmem:s2] =	stream.indirect.scatter.add.f32 [tilespmem:s23], [sflag:$0x5], $0x40, s15, s22, $0xb8;
	[tilespmem:$0x1E480] =	vst v63  }
0x23a: {  	_ =	swait.ge [sflag:s13], $0x2000  }
0x23b: {  	[sflag:s13] =	ssyncset.done $0x0  }
0x23c: {  	[sflag:s13] =	ssyncadd.s32 $0xFFFFE000  }
0x23d: {  	[tilespmem:s26], [sflag:$0x3] =	stream.indirect.gather [spmem:s3], $0x40, s16, s22, $0xb8;
	[tilespmem:$0x1E480] =	vst v63  }
0x23e: {  	_ =	swait.ge [sflag:s31], $0x2000  }
0x23f: {  	[sflag:s31] =	ssyncset.done $0x0  }
0x240: {  	[sflag:s31] =	ssyncadd.s32 $0xFFFFE000  }
0x241: {  	[spmem:s2] =	stream.indirect.scatter.add.f32 [tilespmem:s24], [sflag:$0x6], $0x40, s17, s22, $0xb8;
	[tilespmem:$0x1E480] =	vst v63  }
0x242: {  	_ =	swait.ge [sflag:s14], $0x2000  }
0x243: {  	[sflag:s14] =	ssyncset.done $0x0  }
0x244: {  	[sflag:s14] =	ssyncadd.s32 $0xFFFFE000  }
0x245: {  	[tilespmem:s29], [sflag:$0x4] =	stream.indirect.gather [spmem:s3], $0x40, s20, s22, $0xb8;
	[tilespmem:$0x1E480] =	vst v63  }
0x246: {  	_ =	swait.ge [sflag:s1], $0x2000  }
0x247: {  	[sflag:s1] =	ssyncset.done $0x0  }
0x248: {  	[sflag:s1] =	ssyncadd.s32 $0xFFFFE000  }
0x249: {  	[spmem:s2] =	stream.indirect.scatter.add.f32 [tilespmem:s26], [sflag:$0x7], $0x40, s4, s22, $0xb8;
	[tilespmem:$0x1E480] =	vst v63  }
0x24a: {  	_ =	swait.ge [sflag:s7], $0x2000  }
0x24b: {  	[sflag:s7] =	ssyncset.done $0x0  }
0x24c: {  	[sflag:s7] =	ssyncadd.s32 $0xFFFFE000  }
0x24d: {  	_ =	swait.ge [sflag:s9], $0x2000  }
0x24e: {  	[sflag:s9] =	ssyncset.done $0x0  }
0x24f: {  	[sflag:s9] =	ssyncadd.s32 $0xFFFFE000  }
0x250: {  	[spmem:s2] =	stream.indirect.scatter.add.f32 [tilespmem:s29], [sflag:$0x8], $0x40, s18, s22, $0xb8;
	[tilespmem:$0x1E480] =	vst v63  }
0x251: {  	_ =	swait.ge [sflag:s11], $0x2000  }
0x252: {  	[sflag:s11] =	ssyncset.done $0x0  }
0x253: {  	[sflag:s11] =	ssyncadd.s32 $0xFFFFE000  }
0x254: {  	_ =	swait.ge [sflag:s13], $0x2000  }
0x255: {  	[sflag:s13] =	ssyncset.done $0x0  }
0x256: {  	[sflag:s13] =	ssyncadd.s32 $0xFFFFE000  }
0x257: {  	_ =	swait.ge [sflag:s14], $0x2000  }
0x258: {  	[sflag:s14] =	ssyncset.done $0x0  }
0x259: {  	[sflag:s14] =	ssyncadd.s32 $0xFFFFE000  }
0x25a: {  	[bflag:$0x0] =	sbarrier.arrive $0xFFFF  }
0x25b: {  	s28 =	rddreg [dreg:$0xe]  }
0x25c: {  	[hbm:s28], [sflag:s6] =	dma.local [spmem:s8], $0x1400  }
0x25d: {  	_ =	swait.ge [sflag:s19], $0x1400  }
0x25e: {  	s25 =	sadd.s32 $0x1, s25;
	s28 =	rddreg [dreg:$0xf]  }
0x25f: {  	p0 =	sne.s32 s25, s28  }
.Ltmp4:
0x260: {  	_ = 	snop;
	(pc) =	sbr.rel @p0 .LBB2_1-.Ltmp4, $3  }
0x261: {  	_ =	sdelay $0x1  }
0x262: {  	[sflag:s19] =	ssyncset.done $0x0  }
0x263: {  	s5 =	smov.u32 s8;
	[sflag:s19] =	ssyncadd.s32 $0xFFFFEC00  }
0x264: {  	_ =	sfence.sel $0x180000  }
0x265: {  	[bflag:$0x0] =	sbarrier.arrive $0xFFFF  }
0x266: {  	_ =	strace $0x9000004A  }
0x267: {  	s0 =	stileid.u32;
	[bflag:$0x2] =	sbarrier.arrive $0xFFFF  }
0x268: {  	p0 =	sne.s32 s0, $0x0;
	s0 =	rddreg [dreg:$0x3]  }
0x269: {  	s0 =	sadd.s32 @!p0 $0x100000, s0  }
0x26a: {  	[sflag:s0] =	ssyncadd.tile.s32 @!p0 $0x1;
	_ =	shalt  }
.Lfunc_end2:
_tile_overlayer_lowered:
.L_overlay_start_2:
0x26b: {  	(tag) =	ssettag $0x2  }
0x26c: {  	s0 =	rddreg [dreg:$0x0];
	s2 =	stileid.u32  }
0x26d: {  	s1 =	rddreg [dreg:$0x1];
	p0 =	sne.s32 s2, $0x0  }
0x26e: {  	s3 =	rddreg [dreg:$0x2];
	[bflag:$0x3] =	sbarrier.arrive $0xFFFF;
	s2 =	simm.s32 @!p0 $0x1C09  }
0x26f: {  	[timem:s3], [sflag:s2] =	dma.local @!p0 [hbm:s0], s1  }
0x270: {  	s0 =	simm.s32 @!p0 $0x9  }
0x271: {  	_ =	swait.ge @!p0 [sflag:s0], s1  }
0x272: {  	s1 =	ssub.s32 @!p0 $0x0, s1;
	[sflag:s0] =	ssyncset.done @!p0 $0x0  }
0x273: {  	[sflag:s0] =	ssyncadd.s32 @!p0 s1  }
0x274: {  	[bflag:$0x3] =	sbarrier.arrive $0xFFFF  }
0x275: {  	_ =	shalt  }

// kernel: kernel.14.cloned.1.call-start
scs
__scs_entry_jumppad:
0x0: {  	(pc) =	sbr.rel $0x88, $3  }
0x1: {  	(tag) =	ssettag $0x0;
	lr =	simm.s32 $0x1  }
0x2: {  	[smem:$0x3F9B] =	sst lr;
	_ =	strace $0xD0000000  }
0x3: {  	_ = 	snop  }
0x4: {  	_ = 	snop  }
0x5: {  	_ = 	snop  }
0x6: {  	_ = 	snop  }
0x7: {  	_ = 	snop  }
__scs_overlays_trampoline_lowered:
0x8: {  	[smem:$0x3FAA] =	sst s0  }
0x9: {  	[smem:$0x3FAB] =	sst s1  }
0xa: {  	[smem:$0x3FAC] =	sst s2  }
0xb: {  	[smem:$0x3FAD] =	sst s3  }
0xc: {  	[smem:$0x3FAE] =	sst s4  }
0xd: {  	[smem:$0x3FAF] =	sst s5  }
0xe: {  	[smem:$0x3FB0] =	sst s6  }
0xf: {  	[smem:$0x3FB1] =	sst s7  }
0x10: {  	[smem:$0x3FB2] =	sst s8  }
0x11: {  	[smem:$0x3FB3] =	sst s9;
	s0 =	simm.s32 @!p0 $0x0  }
0x12: {  	s1 =	sld [smem:$0x3F99];
	s0 =	simm.s32 @p0 $0x1  }
0x13: {  	[smem:$0x3FB4] =	sst s0;
	s0 =	simm.s32 @!p1 $0x0  }
0x14: {  	s2 =	sld [smem:$0x3F98];
	s0 =	simm.s32 @p1 $0x1  }
0x15: {  	[smem:$0x3FB5] =	sst s0;
	s0 =	simm.s32 @!p2 $0x0  }
0x16: {  	s3 =	sld [smem:$0x3FDB];
	s0 =	simm.s32 @p2 $0x1  }
0x17: {  	s4 =	simm.s32 $0x1BF5;
	[smem:$0x3FB7] =	sst s0  }
0x18: {  	s0 =	sld [smem:$0x3F9A];
	_ =	swait.ge [sflag:s4], $0x0  }
0x19: {  	s7 =	sld [smem:$0x3F9B]  }
0x1a: {  	s8 =	sadd.s32 $0xFFFFE003, lr  }
0x1b: {  	s9 =	sadd.s32 $0xFFFFFEF7, lr;
	s5 =	simm.s32 $0xFFFFFFFF;
	p2 =	slt.u32 s8, $0xFFFFF086  }
0x1c: {  	p1 =	slt.u32 s9, $0xF7A;
	s5 =	simm.s32 @!p2 $0x0  }
0x1d: {  	s5 =	simm.s32 @p1 $0x1;
	p0 =	seq.s32 s7, s2  }
0x1e: {  	s7 =	smul.u32 @!p0 $0xF7A, s2;
	p2 =	seq.s32 @!p0 s5, $0x0  }
0x1f: {  	s9 =	smul.u32 $0xF7A, s1;
	s8 =	simm.s32 @!p0 $0x1BF5;
	p2 =	por !p2, p0  }
0x20: {  	[sflag:s8] =	ssyncset.s32 @!p0 $0xFFFFF086;
	s6 =	sadd.s32 @!p0 s3, s7;
	s7 =	simm.s32 @!p0 $0x108  }
0x21: {  	s3 =	sadd.s32 s3, s9;
	s6 =	sadd.s32 @!p0 $0x88, s6;
	s7 =	simm.s32 @p2 $0x1082  }
0x22: {  	[simem:s7], [sflag:s8] =	dma.local @!p0 [hbm:s6], $0xF7A  }
0x23: {  	s9 =	sor.u32 $0xD0000000, s2;
	s6 =	simm.s32 $0x108;
	_ =	swait.ge @!p0 [sflag:s8], $0x0  }
0x24: {  	s3 =	sadd.s32 $0x88, s3;
	s6 =	simm.s32 @!p1 $0x1082;
	[sflag:s4] =	ssyncset.s32 $0xFFFFF086  }
0x25: {  	[simem:s6], [sflag:s4] =	dma.local [hbm:s3], $0xF7A  }
0x26: {  	[smem:$0x3F9B] =	sst s1;
	(tag) =	ssettag s2;
	_ =	strace s9  }
0x27: {  	s1 =	sld [smem:$0x3FAB]  }
0x28: {  	s2 =	sld [smem:$0x3FAC]  }
0x29: {  	s4 =	sld [smem:$0x3FAE]  }
0x2a: {  	p0 =	seq.s32 s5, $0x0;
	s5 =	sld [smem:$0x3FAF]  }
0x2b: {  	s6 =	sld [smem:$0x3FB0]  }
0x2c: {  	s7 =	sld [smem:$0x3FB1]  }
0x2d: {  	s3 =	simm.s32 $0x108;
	s8 =	sld [smem:$0x3FB2]  }
0x2e: {  	s3 =	simm.s32 @!p0 $0x1082;
	s9 =	sld [smem:$0x3FB3]  }
0x2f: {  	lr =	sadd.s32 s0, s3;
	s0 =	sld [smem:$0x3FAA]  }
0x30: {  	s3 =	sld [smem:$0x3FAD]  }
0x31: {  	[smem:$0x3FB6] =	sst s10  }
0x32: {  	s10 =	sld [smem:$0x3FB4];
	_ =	sdelay $0x3  }
0x33: {  	p0 =	seq.s32 s10, $0x1;
	s10 =	sld [smem:$0x3FB6];
	_ =	sdelay $0x3  }
0x34: {  	[smem:$0x3FB6] =	sst s10  }
0x35: {  	s10 =	sld [smem:$0x3FB5];
	_ =	sdelay $0x3  }
0x36: {  	p1 =	seq.s32 s10, $0x1;
	s10 =	sld [smem:$0x3FB6];
	_ =	sdelay $0x3  }
0x37: {  	[smem:$0x3FB6] =	sst s10  }
0x38: {  	s10 =	sld [smem:$0x3FB7]  }
0x39: {  	_ = 	snop;
	(pc) =	sbr.ind lr, $3  }
0x3a: {  	_ = 	snop  }
0x3b: {  	_ = 	snop  }
0x3c: {  	p2 =	seq.s32 s10, $0x1;
	s10 =	sld [smem:$0x3FB6]  }
0x3d: {  	_ =	shalt  }
0x3e: {  	_ =	shalt  }
0x3f: {  	_ =	shalt  }
0x40: {  	_ =	shalt  }
0x41: {  	_ =	shalt  }
0x42: {  	_ =	shalt  }
0x43: {  	_ =	shalt  }
0x44: {  	_ =	shalt  }
0x45: {  	_ =	shalt  }
0x46: {  	_ =	shalt  }
0x47: {  	_ =	shalt  }
0x48: {  	_ =	shalt  }
0x49: {  	_ =	shalt  }
0x4a: {  	_ =	shalt  }
0x4b: {  	_ =	shalt  }
0x4c: {  	_ =	shalt  }
0x4d: {  	_ =	shalt  }
0x4e: {  	_ =	shalt  }
0x4f: {  	_ =	shalt  }
0x50: {  	_ =	shalt  }
0x51: {  	_ =	shalt  }
0x52: {  	_ =	shalt  }
0x53: {  	_ =	shalt  }
0x54: {  	_ =	shalt  }
0x55: {  	_ =	shalt  }
0x56: {  	_ =	shalt  }
0x57: {  	_ =	shalt  }
0x58: {  	_ =	shalt  }
0x59: {  	_ =	shalt  }
0x5a: {  	_ =	shalt  }
0x5b: {  	_ =	shalt  }
0x5c: {  	_ =	shalt  }
0x5d: {  	_ =	shalt  }
0x5e: {  	_ =	shalt  }
0x5f: {  	_ =	shalt  }
0x60: {  	_ =	shalt  }
0x61: {  	_ =	shalt  }
0x62: {  	_ =	shalt  }
0x63: {  	_ =	shalt  }
0x64: {  	_ =	shalt  }
0x65: {  	_ =	shalt  }
0x66: {  	_ =	shalt  }
0x67: {  	_ =	shalt  }
0x68: {  	_ =	shalt  }
0x69: {  	_ =	shalt  }
0x6a: {  	_ =	shalt  }
0x6b: {  	_ =	shalt  }
0x6c: {  	_ =	shalt  }
0x6d: {  	_ =	shalt  }
0x6e: {  	_ =	shalt  }
0x6f: {  	_ =	shalt  }
0x70: {  	_ =	shalt  }
0x71: {  	_ =	shalt  }
0x72: {  	_ =	shalt  }
0x73: {  	_ =	shalt  }
0x74: {  	_ =	shalt  }
0x75: {  	_ =	shalt  }
0x76: {  	_ =	shalt  }
0x77: {  	_ =	shalt  }
0x78: {  	_ =	shalt  }
0x79: {  	_ =	shalt  }
0x7a: {  	_ =	shalt  }
0x7b: {  	_ =	shalt  }
0x7c: {  	_ =	shalt  }
0x7d: {  	_ =	shalt  }
0x7e: {  	_ =	shalt  }
0x7f: {  	_ =	shalt  }
0x80: {  	_ =	shalt  }
0x81: {  	_ =	shalt  }
0x82: {  	_ =	shalt  }
0x83: {  	_ =	shalt  }
0x84: {  	_ =	shalt  }
0x85: {  	_ =	shalt  }
0x86: {  	_ =	shalt  }
0x87: {  	_ =	shalt  }
.Lfunc_end0:
.L_simem_size_0:
called_computation.2_lowered:
.L_overlay_start_0:
0x88: {  	s2 =	sld [smem:$0x3FD9]  }
0x89: {  	s3 =	sld [smem:$0x3FFE];
	_ =	sdelay $0x1  }
0x8a: {  	s1 =	srdreg.scid  }
0x8b: {  	s0 =	sand.u32 $0x1, s1  }
0x8c: {  	s17 =	sshll.u32 s0, $0xA;
	s2 =	sadd.s32 s3, s2  }
0x8d: {  	s2 =	sadd.s32 s2, s17  }
0x8e: {  	[smem:$0x3FC2] =	sst s2  }
0x8f: {  	_ = 	snop  }
0x90: {  	s2 =	sld [smem:$0x3FD0];
	(tm) =	ssettm $0x1  }
0x91: {  	s18 =	sld [smem:$0x3FFB];
	_ =	sdelay $0x3  }
0x92: {  	_ =	strace s18  }
0x93: {  	s3 =	sld [smem:$0x3FFC];
	_ =	sdelay $0x3  }
0x94: {  	_ =	strace s3  }
0x95: {  	s3 =	sld [smem:$0x3FFD];
	_ =	sdelay $0x3  }
0x96: {  	_ =	strace s3  }
0x97: {  	_ =	strace $0x8FFFFFFF  }
0x98: {  	s19 =	sld [smem:$0x3FDB];
	_ =	sdelay $0x1  }
0x99: {  	s4 =	simm.s32 $_scs_section_size  }
0x9a: {  	s5 =	simm.s32 $_size__tile_overlayer_lowered;
	s6 =	simm.s32 $_tile_overlayer_lowered  }
0x9b: {  	s22 =	simm.s32 $0x1BFF;
	s21 =	sshll.u32 s6, $0x1;
	s3 =	sadd.s32 s4, s19  }
0x9c: {  	s7 =	simm.s32 $0x0;
	s20 =	sshll.u32 s5, $0x1;
	s5 =	sadd.s32 s21, s3  }
0x9d: {  	[timem:s7], [sflag:s22] =	dma.local [hbm:s5], s20  }
0x9e: {  	_ =	swait.ge [sflag:s22], s20  }
0x9f: {  	s4 =	ssub.s32 $0x0, s20;
	[sflag:s22] =	ssyncset.done $0x0  }
0xa0: {  	[sflag:s22] =	ssyncadd.s32 s4;
	_ =	sdelay $0x1  }
0xa1: {  	s23 =	simm.s32 $0x1B8B  }
0xa2: {  	_ =	swait.ge [sflag:s23], $0x1  }
0xa3: {  	[sflag:s23] =	ssyncset.done $0x0  }
0xa4: {  	s25 =	simm.s32 $0x1B8E;
	s24 =	sld [smem:$0x3FFE];
	[sflag:s23] =	ssyncadd.s32 $0xFFFFFFFF  }
0xa5: {  	s26 =	simm.s32 $execute0_lowered;
	[smem:$0x3FD2] =	sst s25  }
0xa6: {  	s5 =	sshll.u32 s26, $0x1;
	_ =	strace $0x8000004C;
	[dreg:$0x1] =	wrdreg $0xFFFFFFFF  }
0xa7: {  	s28 =	simm.s32 $_size_execute0_lowered;
	s3 =	sadd.s32 s3, s5;
	[dreg:$0x0] =	wrdreg $0x0  }
0xa8: {  	s5 =	sshll.u32 s28, $0x1;
	[dreg:$0x2] =	wrdreg s3  }
0xa9: {  	[dreg:$0x3] =	wrdreg s5  }
0xaa: {  	[dreg:$0x4] =	wrdreg $0xC0  }
0xab: {  	_ =	task [dreg:s7], $0x5FFFF  }
0xac: {  	[dreg:$0x1] =	wrdreg $0xFFFFFFFF  }
0xad: {  	[dreg:$0x0] =	wrdreg $0x60  }
0xae: {  	[dreg:$0x2] =	wrdreg s24  }
0xaf: {  	[dreg:$0x3] =	wrdreg s2  }
0xb0: {  	[dreg:$0x4] =	wrdreg $0x70000  }
0xb1: {  	[dreg:$0x5] =	wrdreg $0x98000  }
0xb2: {  	[dreg:$0x6] =	wrdreg $0x9  }
0xb3: {  	_ =	task.clear_ibuf [dreg:s7], $0x7FFFF;
	_ =	strace $0x9000004C  }
0xb4: {  	s29 =	simm.s32 $0x9;
	_ =	strace $0x8000004E  }
0xb5: {  	_ =	swait.ge [sflag:s29], $0x1  }
0xb6: {  	[sflag:s29] =	ssyncadd.s32 $0xFFFFFFFF  }
0xb7: {  	_ =	strace $0x9000004E  }
0xb8: {  	_ =	sfence  }
0xb9: {  	s30 =	sld [smem:$0x0];
	_ =	sdelay $0x2  }
0xba: {  	s31 =	sshll.u32 s1, $0xD;
	s1 =	sshrl.u32 s1, $0x2  }
0xbb: {  	s3 =	sand.u32 $0x4000, s31;
	s1 =	sadd.s32 s1, s30  }
0xbc: {  	s0 =	sor.u32 s3, s0;
	s1 =	sshll.u32 s1, $0x11  }
0xbd: {  	s0 =	sor.u32 s1, s0  }
0xbe: {  	s0 =	sadd.s32 $0x8F2B, s0  }
0xbf: {  	[sflag:s0] =	ssyncadd.remote.s32 $0x1  }
0xc0: {  	_ =	sfence.sel $0xFFFF  }
0xc1: {  	[dreg:$0x0] =	wrdreg $0xFFFFFFFF;
	(pc) =	sbr.abs _section_cstart, $3  }
0xc2: {  	[dreg:$0x1] =	wrdreg $0xFFFFFFFF  }
0xc3: {  	_ =	task.clear_ibuf [dreg:s7], $0x2FFFF;
	_ =	strace $0x9FFFFFFF  }
0xc4: {  	(tm) =	ssettm $0x7FFFFFFF  }
0xc5: {  	_ =	shalt  }
tec
execute0_lowered:
.L_overlay_start_1:
0x0: {  	(tag) =	ssettag $0x1  }
0x1: {  	s1 =	rddreg [dreg:$0x0]  }
0x2: {  	s0 =	srdreg.scid;
	s3 =	rddreg [dreg:$0x2]  }
0x3: {  	s10 =	stileid.u32;
	s4 =	rddreg [dreg:$0x3]  }
0x4: {  	s5 =	simm.s32 $0x0;
	s13 =	simm.s32 $0x9;
	s15 =	simm.s32 $0x2800  }
0x5: {  	s16 =	simm.s32 $0x80;
	s17 =	simm.s32 $0x5000;
	s18 =	simm.s32 $0x5800  }
0x6: {  	s20 =	simm.s32 $0x6000;
	s22 =	simm.s32 $0x6800;
	s23 =	simm.s32 $0x1  }
0x7: {  	s29 =	simm.s32 $0x5;
	s31 =	simm.s32 $0x4;
	s19 =	simm.s32 $0x7  }
0x8: {  	s21 =	simm.s32 $0x8;
	s28 =	simm.s32 $0x0;
	s7 =	smul.u32 $0x2720, s10  }
0x9: {  	s0 =	sand.u32 $0x1, s0;
	s6 =	smul.u32 $0x500, s10;
	[smem:$0x7FF] =	sst s5  }
0xa: {  	s24 =	smul.u32 $0xA000, s10;
	s30 =	sshll.u32 s10, $0x6;
	s2 =	sshll.u32 s0, $0x4  }
0xb: {  	s8 =	smul.u32 $0x5000, s0;
	_ =	strace $0x8000004D;
	s0 =	ssub.s32 $0x2, s0  }
0xc: {  	s2 =	sor.u32 s10, s2;
	s9 =	sshrl.u32 s7, $0x3;
	s25 =	sshrl.u32 s0, $0x1  }
0xd: {  	s26 =	sshrl.u32 s24, $0x2;
	s14 =	sadd.s32 s7, s4;
	s24 =	simm.s32 $0x2  }
0xe: {  	s2 =	smul.u32 $0x500, s2;
	s6 =	sadd.s32 s6, s8;
	s9 =	sadd.s32 s9, s1  }
0xf: {  	s0 =	ssub.s32 s0, s25;
	s12 =	sadd.s32 s26, s3;
	s14 =	sshrl.u32 s14, $0x3  }
0x10: {  	s26 =	simm.s32 $0x3;
	s25 =	simm.s32 $0x4F80;
	s7 =	sadd.s32 $0xD000, s9  }
0x11: {  	s11 =	smax.u32 s0, $0x1;
	s12 =	sshrl.u32 s12, $0x3;
	s0 =	simm.s32 $0x6  }
0x12: {  	s2 =	sadd.s32 s2, s1;
	s1 =	sadd.s32 s6, s1;
	s6 =	sor.u32 $0x1C09, s30  }
0x13: {  	s8 =	sadd.s32 $0x15C00, s2;
	s9 =	sadd.s32 $0x1A00, s2;
	s10 =	sadd.s32 $0x46E00, s1  }
.LBB2_1:
0x14: {  	s1 =	rddreg [dreg:$0x1]  }
0x15: {  	[spmem:s12], [sflag:s6] =	dma.local [hbm:s1], $0x500  }
0x16: {  	_ =	swait.ge [sflag:s13], $0x500  }
0x17: {  	[sflag:s13] =	ssyncset.done $0x0  }
0x18: {  	[sflag:s13] =	ssyncadd.s32 $0xFFFFFB00  }
0x19: {  	[spmem:s14], [sflag:s6] =	dma.local [hbm:s7], $0x4E4  }
0x1a: {  	_ =	swait.ge [sflag:s13], $0x4E4  }
0x1b: {  	[sflag:s13] =	ssyncset.done $0x0  }
0x1c: {  	[sflag:s13] =	ssyncadd.s32 $0xFFFFFB1C  }
0x1d: {  	[tilespmem:s5], [sflag:$0x9] =	stream.linear.gather [hbm4b:s8+s5], $0x2800, $0x38;
	[tilespmem:$0xBF20] =	vst v63  }
0x1e: {  	_ =	swait.ge [sflag:s13], $0x2800  }
0x1f: {  	[sflag:s13] =	ssyncset.done $0x0  }
0x20: {  	[sflag:s13] =	ssyncadd.s32 $0xFFFFD800  }
0x21: {  	[tilespmem:s15], [sflag:$0x9] =	stream.linear.gather [hbm4b:s9+s5], $0x2800, $0x38;
	[tilespmem:$0xBF20] =	vst v63  }
0x22: {  	_ =	swait.ge [sflag:s13], $0x2800  }
0x23: {  	[sflag:s13] =	ssyncset.done $0x0  }
0x24: {  	[sflag:s13] =	ssyncadd.s32 $0xFFFFD800  }
0x25: {  	[bflag:$0x0] =	sbarrier.arrive $0xFFFF  }
0x26: {  	[tilespmem:s17], [sflag:$0x1] =	stream.indirect.gather [spmem:s4], $0x10, s5, s16, $0xb8;
	[tilespmem:$0xBF20] =	vst v63  }
0x27: {  	_ = 	snop  }
0x28: {  	[tilespmem:s18], [sflag:$0x2] =	stream.indirect.gather [spmem:s4], $0x10, s16, s16, $0xb8;
	[tilespmem:$0xBF20] =	vst v63  }
0x29: {  	s2 =	simm.s32 $0x100  }
0x2a: {  	[tilespmem:s20], [sflag:$0x3] =	stream.indirect.gather [spmem:s4], $0x10, s2, s16, $0xb8;
	[tilespmem:$0xBF20] =	vst v63  }
0x2b: {  	s2 =	simm.s32 $0x180  }
0x2c: {  	[tilespmem:s22], [sflag:$0x4] =	stream.indirect.gather [spmem:s4], $0x10, s2, s16, $0xb8;
	[tilespmem:$0xBF20] =	vst v63  }
0x2d: {  	_ =	swait.ge [sflag:s23], $0x800  }
0x2e: {  	[sflag:s23] =	ssyncset.done $0x0  }
0x2f: {  	[sflag:s23] =	ssyncadd.s32 $0xFFFFF800  }
0x30: {  	[spmem:s3] =	stream.indirect.scatter.add.f32 [tilespmem:s17], [sflag:$0x5], $0x10, s15, s16, $0xb8;
	[tilespmem:$0xBF20] =	vst v63  }
0x31: {  	_ =	swait.ge [sflag:s24], $0x800  }
0x32: {  	[sflag:s24] =	ssyncset.done $0x0  }
0x33: {  	s2 =	simm.s32 $0x2880;
	[sflag:s24] =	ssyncadd.s32 $0xFFFFF800  }
0x34: {  	[spmem:s3] =	stream.indirect.scatter.add.f32 [tilespmem:s18], [sflag:$0x6], $0x10, s2, s16, $0xb8;
	[tilespmem:$0xBF20] =	vst v63  }
0x35: {  	_ =	swait.ge [sflag:s26], $0x800  }
0x36: {  	[sflag:s26] =	ssyncset.done $0x0  }
0x37: {  	s2 =	simm.s32 $0x2900;
	[sflag:s26] =	ssyncadd.s32 $0xFFFFF800  }
0x38: {  	[spmem:s3] =	stream.indirect.scatter.add.f32 [tilespmem:s20], [sflag:$0x7], $0x10, s2, s16, $0xb8;
	[tilespmem:$0xBF20] =	vst v63  }
0x39: {  	_ =	swait.ge [sflag:s29], $0x800  }
0x3a: {  	[sflag:s29] =	ssyncset.done $0x0  }
0x3b: {  	s2 =	simm.s32 $0x200;
	[sflag:s29] =	ssyncadd.s32 $0xFFFFF800  }
0x3c: {  	[tilespmem:s17], [sflag:$0x1] =	stream.indirect.gather [spmem:s4], $0x10, s2, s16, $0xb8;
	[tilespmem:$0xBF20] =	vst v63  }
0x3d: {  	_ =	swait.ge [sflag:s31], $0x800  }
0x3e: {  	[sflag:s31] =	ssyncset.done $0x0  }
0x3f: {  	s2 =	simm.s32 $0x2980;
	[sflag:s31] =	ssyncadd.s32 $0xFFFFF800  }
0x40: {  	[spmem:s3] =	stream.indirect.scatter.add.f32 [tilespmem:s22], [sflag:$0x8], $0x10, s2, s16, $0xb8;
	[tilespmem:$0xBF20] =	vst v63  }
0x41: {  	_ =	swait.ge [sflag:s0], $0x800  }
0x42: {  	[sflag:s0] =	ssyncset.done $0x0  }
0x43: {  	s2 =	simm.s32 $0x280;
	[sflag:s0] =	ssyncadd.s32 $0xFFFFF800  }
0x44: {  	[tilespmem:s18], [sflag:$0x2] =	stream.indirect.gather [spmem:s4], $0x10, s2, s16, $0xb8;
	[tilespmem:$0xBF20] =	vst v63  }
0x45: {  	_ =	swait.ge [sflag:s23], $0x800  }
0x46: {  	[sflag:s23] =	ssyncset.done $0x0  }
0x47: {  	s2 =	simm.s32 $0x2A00;
	[sflag:s23] =	ssyncadd.s32 $0xFFFFF800  }
0x48: {  	[spmem:s3] =	stream.indirect.scatter.add.f32 [tilespmem:s17], [sflag:$0x5], $0x10, s2, s16, $0xb8;
	[tilespmem:$0xBF20] =	vst v63  }
0x49: {  	_ =	swait.ge [sflag:s19], $0x800  }
0x4a: {  	[sflag:s19] =	ssyncset.done $0x0  }
0x4b: {  	s2 =	simm.s32 $0x300;
	[sflag:s19] =	ssyncadd.s32 $0xFFFFF800  }
0x4c: {  	[tilespmem:s20], [sflag:$0x3] =	stream.indirect.gather [spmem:s4], $0x10, s2, s16, $0xb8;
	[tilespmem:$0xBF20] =	vst v63  }
0x4d: {  	_ =	swait.ge [sflag:s24], $0x800  }
0x4e: {  	[sflag:s24] =	ssyncset.done $0x0  }
0x4f: {  	s2 =	simm.s32 $0x2A80;
	[sflag:s24] =	ssyncadd.s32 $0xFFFFF800  }
0x50: {  	[spmem:s3] =	stream.indirect.scatter.add.f32 [tilespmem:s18], [sflag:$0x6], $0x10, s2, s16, $0xb8;
	[tilespmem:$0xBF20] =	vst v63  }
0x51: {  	_ =	swait.ge [sflag:s21], $0x800  }
0x52: {  	[sflag:s21] =	ssyncset.done $0x0  }
0x53: {  	s2 =	simm.s32 $0x380;
	[sflag:s21] =	ssyncadd.s32 $0xFFFFF800  }
0x54: {  	[tilespmem:s22], [sflag:$0x4] =	stream.indirect.gather [spmem:s4], $0x10, s2, s16, $0xb8;
	[tilespmem:$0xBF20] =	vst v63  }
0x55: {  	_ =	swait.ge [sflag:s26], $0x800  }
0x56: {  	[sflag:s26] =	ssyncset.done $0x0  }
0x57: {  	s2 =	simm.s32 $0x2B00;
	[sflag:s26] =	ssyncadd.s32 $0xFFFFF800  }
0x58: {  	[spmem:s3] =	stream.indirect.scatter.add.f32 [tilespmem:s20], [sflag:$0x7], $0x10, s2, s16, $0xb8;
	[tilespmem:$0xBF20] =	vst v63  }
0x59: {  	_ =	swait.ge [sflag:s29], $0x800  }
0x5a: {  	[sflag:s29] =	ssyncset.done $0x0  }
0x5b: {  	s2 =	simm.s32 $0x400;
	[sflag:s29] =	ssyncadd.s32 $0xFFFFF800  }
0x5c: {  	[tilespmem:s17], [sflag:$0x1] =	stream.indirect.gather [spmem:s4], $0x10, s2, s16, $0xb8;
	[tilespmem:$0xBF20] =	vst v63  }
0x5d: {  	_ =	swait.ge [sflag:s31], $0x800  }
0x5e: {  	[sflag:s31] =	ssyncset.done $0x0  }
0x5f: {  	s2 =	simm.s32 $0x2B80;
	[sflag:s31] =	ssyncadd.s32 $0xFFFFF800  }
0x60: {  	[spmem:s3] =	stream.indirect.scatter.add.f32 [tilespmem:s22], [sflag:$0x8], $0x10, s2, s16, $0xb8;
	[tilespmem:$0xBF20] =	vst v63  }
0x61: {  	_ =	swait.ge [sflag:s0], $0x800  }
0x62: {  	[sflag:s0] =	ssyncset.done $0x0  }
0x63: {  	s30 =	simm.s32 $0x800;
	s1 =	simm.s32 $0x480;
	[sflag:s0] =	ssyncadd.s32 $0xFFFFF800  }
.LBB2_2:
0x64: {  	[tilespmem:s18], [sflag:$0x2] =	stream.indirect.gather [spmem:s4], $0x10, s1, s16, $0xb8;
	[tilespmem:$0xBF20] =	vst v63  }
0x65: {  	s1 =	smov.u32 s30  }
0x66: {  	p0 =	sne.s32 s30, $0x8800;
	s30 =	sadd.s32 $0x800, s30;
	_ =	swait.ge [sflag:s23], $0x800  }
0x67: {  	s1 =	sshra.s32 s1, $0x2;
	[sflag:s23] =	ssyncset.done $0x0  }
0x68: {  	s2 =	sadd.s32 $0x2A00, s1;
	[sflag:s23] =	ssyncadd.s32 $0xFFFFF800  }
0x69: {  	[spmem:s3] =	stream.indirect.scatter.add.f32 [tilespmem:s17], [sflag:$0x5], $0x10, s2, s16, $0xb8;
	[tilespmem:$0xBF20] =	vst v63  }
0x6a: {  	_ =	swait.ge [sflag:s19], $0x800  }
0x6b: {  	[sflag:s19] =	ssyncset.done $0x0  }
0x6c: {  	s2 =	sadd.s32 $0x300, s1;
	[sflag:s19] =	ssyncadd.s32 $0xFFFFF800  }
0x6d: {  	[tilespmem:s20], [sflag:$0x3] =	stream.indirect.gather [spmem:s4], $0x10, s2, s16, $0xb8;
	[tilespmem:$0xBF20] =	vst v63  }
0x6e: {  	_ =	swait.ge [sflag:s24], $0x800  }
0x6f: {  	[sflag:s24] =	ssyncset.done $0x0  }
0x70: {  	s2 =	sadd.s32 $0x2A80, s1;
	[sflag:s24] =	ssyncadd.s32 $0xFFFFF800  }
0x71: {  	[spmem:s3] =	stream.indirect.scatter.add.f32 [tilespmem:s18], [sflag:$0x6], $0x10, s2, s16, $0xb8;
	[tilespmem:$0xBF20] =	vst v63  }
0x72: {  	_ =	swait.ge [sflag:s21], $0x800  }
0x73: {  	[sflag:s21] =	ssyncset.done $0x0  }
0x74: {  	s2 =	sadd.s32 $0x380, s1;
	[sflag:s21] =	ssyncadd.s32 $0xFFFFF800  }
0x75: {  	[tilespmem:s22], [sflag:$0x4] =	stream.indirect.gather [spmem:s4], $0x10, s2, s16, $0xb8;
	[tilespmem:$0xBF20] =	vst v63  }
0x76: {  	_ =	swait.ge [sflag:s26], $0x800  }
0x77: {  	[sflag:s26] =	ssyncset.done $0x0  }
0x78: {  	s2 =	sadd.s32 $0x2B00, s1;
	[sflag:s26] =	ssyncadd.s32 $0xFFFFF800  }
0x79: {  	[spmem:s3] =	stream.indirect.scatter.add.f32 [tilespmem:s20], [sflag:$0x7], $0x10, s2, s16, $0xb8;
	[tilespmem:$0xBF20] =	vst v63  }
0x7a: {  	_ =	swait.ge [sflag:s29], $0x800  }
0x7b: {  	[sflag:s29] =	ssyncset.done $0x0  }
0x7c: {  	s2 =	sadd.s32 $0x400, s1;
	[sflag:s29] =	ssyncadd.s32 $0xFFFFF800  }
0x7d: {  	[tilespmem:s17], [sflag:$0x1] =	stream.indirect.gather [spmem:s4], $0x10, s2, s16, $0xb8;
	[tilespmem:$0xBF20] =	vst v63  }
0x7e: {  	_ =	swait.ge [sflag:s31], $0x800  }
0x7f: {  	[sflag:s31] =	ssyncset.done $0x0  }
.Ltmp0:
0x80: {  	s2 =	sadd.s32 $0x2B80, s1;
	[sflag:s31] =	ssyncadd.s32 $0xFFFFF800;
	(pc) =	sbr.rel @p0 .LBB2_2-.Ltmp0, $4  }
0x81: {  	[spmem:s3] =	stream.indirect.scatter.add.f32 [tilespmem:s22], [sflag:$0x8], $0x10, s2, s16, $0xb8;
	[tilespmem:$0xBF20] =	vst v63  }
0x82: {  	_ =	swait.ge [sflag:s0], $0x800  }
0x83: {  	[sflag:s0] =	ssyncset.done $0x0  }
0x84: {  	s1 =	sadd.s32 $0x480, s1;
	[sflag:s0] =	ssyncadd.s32 $0xFFFFF800  }
0x85: {  	[tilespmem:s18], [sflag:$0x2] =	stream.indirect.gather [spmem:s4], $0x10, s1, s16, $0xb8;
	[tilespmem:$0xBF20] =	vst v63  }
0x86: {  	_ =	swait.ge [sflag:s23], $0x800  }
0x87: {  	[sflag:s23] =	ssyncset.done $0x0  }
0x88: {  	s30 =	simm.s32 $0x4E00;
	[sflag:s23] =	ssyncadd.s32 $0xFFFFF800  }
0x89: {  	[spmem:s3] =	stream.indirect.scatter.add.f32 [tilespmem:s17], [sflag:$0x5], $0x10, s30, s16, $0xb8;
	[tilespmem:$0xBF20] =	vst v63  }
0x8a: {  	_ =	swait.ge [sflag:s19], $0x800  }
0x8b: {  	[sflag:s19] =	ssyncset.done $0x0  }
0x8c: {  	s2 =	simm.s32 $0x2700;
	[sflag:s19] =	ssyncadd.s32 $0xFFFFF800  }
0x8d: {  	[tilespmem:s20], [sflag:$0x3] =	stream.indirect.gather [spmem:s4], $0x10, s2, s16, $0xb8;
	[tilespmem:$0xBF20] =	vst v63  }
0x8e: {  	_ =	swait.ge [sflag:s24], $0x800  }
0x8f: {  	[sflag:s24] =	ssyncset.done $0x0  }
0x90: {  	s30 =	simm.s32 $0x4E80;
	[sflag:s24] =	ssyncadd.s32 $0xFFFFF800  }
0x91: {  	[spmem:s3] =	stream.indirect.scatter.add.f32 [tilespmem:s18], [sflag:$0x6], $0x10, s30, s16, $0xb8;
	[tilespmem:$0xBF20] =	vst v63  }
0x92: {  	_ =	swait.ge [sflag:s21], $0x800  }
0x93: {  	[sflag:s21] =	ssyncset.done $0x0  }
0x94: {  	s2 =	simm.s32 $0x2780;
	[sflag:s21] =	ssyncadd.s32 $0xFFFFF800  }
0x95: {  	[tilespmem:s22], [sflag:$0x4] =	stream.indirect.gather [spmem:s4], $0x10, s2, s16, $0xb8;
	[tilespmem:$0xBF20] =	vst v63  }
0x96: {  	_ =	swait.ge [sflag:s26], $0x800  }
0x97: {  	[sflag:s26] =	ssyncset.done $0x0  }
0x98: {  	s30 =	simm.s32 $0x4F00;
	[sflag:s26] =	ssyncadd.s32 $0xFFFFF800  }
0x99: {  	[spmem:s3] =	stream.indirect.scatter.add.f32 [tilespmem:s20], [sflag:$0x7], $0x10, s30, s16, $0xb8;
	[tilespmem:$0xBF20] =	vst v63  }
0x9a: {  	_ =	swait.ge [sflag:s29], $0x800  }
0x9b: {  	[sflag:s29] =	ssyncset.done $0x0  }
0x9c: {  	[sflag:s29] =	ssyncadd.s32 $0xFFFFF800  }
0x9d: {  	_ =	swait.ge [sflag:s31], $0x800  }
0x9e: {  	[sflag:s31] =	ssyncset.done $0x0  }
0x9f: {  	[sflag:s31] =	ssyncadd.s32 $0xFFFFF800  }
0xa0: {  	[spmem:s3] =	stream.indirect.scatter.add.f32 [tilespmem:s22], [sflag:$0x8], $0x10, s25, s16, $0xb8;
	[tilespmem:$0xBF20] =	vst v63  }
0xa1: {  	_ =	swait.ge [sflag:s0], $0x800  }
0xa2: {  	[sflag:s0] =	ssyncset.done $0x0  }
0xa3: {  	[sflag:s0] =	ssyncadd.s32 $0xFFFFF800  }
0xa4: {  	_ =	swait.ge [sflag:s19], $0x800  }
0xa5: {  	[sflag:s19] =	ssyncset.done $0x0  }
0xa6: {  	[sflag:s19] =	ssyncadd.s32 $0xFFFFF800  }
0xa7: {  	_ =	swait.ge [sflag:s21], $0x800  }
0xa8: {  	s28 =	sadd.s32 $0x1, s28;
	[sflag:s21] =	ssyncset.done $0x0  }
0xa9: {  	p0 =	sne.s32 s28, s11;
	[sflag:s21] =	ssyncadd.s32 $0xFFFFF800  }
.Ltmp1:
0xaa: {  	[bflag:$0x0] =	sbarrier.arrive $0xFFFF;
	(pc) =	sbr.rel @p0 .LBB2_1-.Ltmp1, $4  }
0xab: {  	[hbm:s10], [sflag:s6] =	dma.local [spmem:s12], $0x500  }
0xac: {  	_ =	swait.ge [sflag:s13], $0x500  }
0xad: {  	[sflag:s13] =	ssyncset.done $0x0  }
0xae: {  	[sflag:s13] =	ssyncadd.s32 $0xFFFFFB00  }
0xaf: {  	_ =	sfence.sel $0x180000  }
0xb0: {  	[bflag:$0x0] =	sbarrier.arrive $0xFFFF  }
0xb1: {  	_ =	strace $0x9000004D  }
0xb2: {  	s0 =	stileid.u32;
	[bflag:$0x2] =	sbarrier.arrive $0xFFFF  }
0xb3: {  	p0 =	sne.s32 s0, $0x0;
	s0 =	rddreg [dreg:$0x4]  }
0xb4: {  	s0 =	sadd.s32 @!p0 $0x100000, s0  }
0xb5: {  	[sflag:s0] =	ssyncadd.tile.s32 @!p0 $0x1;
	_ =	shalt  }
.Lfunc_end2:
_tile_overlayer_lowered:
.L_overlay_start_2:
0xb6: {  	(tag) =	ssettag $0x2  }
0xb7: {  	s0 =	rddreg [dreg:$0x0];
	s2 =	stileid.u32  }
0xb8: {  	s1 =	rddreg [dreg:$0x1];
	p0 =	sne.s32 s2, $0x0  }
0xb9: {  	s3 =	rddreg [dreg:$0x2];
	[bflag:$0x3] =	sbarrier.arrive $0xFFFF;
	s2 =	simm.s32 @!p0 $0x1C09  }
0xba: {  	[timem:s3], [sflag:s2] =	dma.local @!p0 [hbm:s0], s1  }
0xbb: {  	s0 =	simm.s32 @!p0 $0x9  }
0xbc: {  	_ =	swait.ge @!p0 [sflag:s0], s1  }
0xbd: {  	s1 =	ssub.s32 @!p0 $0x0, s1;
	[sflag:s0] =	ssyncset.done @!p0 $0x0  }
0xbe: {  	[sflag:s0] =	ssyncadd.s32 @!p0 s1  }
0xbf: {  	[bflag:$0x3] =	sbarrier.arrive $0xFFFF  }
0xc0: {  	_ =	shalt  }

// kernel: kernel.8.cloned.1.call-start
scs
__scs_entry_jumppad:
0x0: {  	(pc) =	sbr.rel $0x88, $3  }
0x1: {  	(tag) =	ssettag $0x0;
	lr =	simm.s32 $0x1  }
0x2: {  	[smem:$0x3F9B] =	sst lr;
	_ =	strace $0xD0000000  }
0x3: {  	_ = 	snop  }
0x4: {  	_ = 	snop  }
0x5: {  	_ = 	snop  }
0x6: {  	_ = 	snop  }
0x7: {  	_ = 	snop  }
__scs_overlays_trampoline_lowered:
0x8: {  	[smem:$0x3FAA] =	sst s0  }
0x9: {  	[smem:$0x3FAB] =	sst s1  }
0xa: {  	[smem:$0x3FAC] =	sst s2  }
0xb: {  	[smem:$0x3FAD] =	sst s3  }
0xc: {  	[smem:$0x3FAE] =	sst s4  }
0xd: {  	[smem:$0x3FAF] =	sst s5  }
0xe: {  	[smem:$0x3FB0] =	sst s6  }
0xf: {  	[smem:$0x3FB1] =	sst s7  }
0x10: {  	[smem:$0x3FB2] =	sst s8  }
0x11: {  	[smem:$0x3FB3] =	sst s9;
	s0 =	simm.s32 @!p0 $0x0  }
0x12: {  	s1 =	sld [smem:$0x3F99];
	s0 =	simm.s32 @p0 $0x1  }
0x13: {  	[smem:$0x3FB4] =	sst s0;
	s0 =	simm.s32 @!p1 $0x0  }
0x14: {  	s2 =	sld [smem:$0x3F98];
	s0 =	simm.s32 @p1 $0x1  }
0x15: {  	[smem:$0x3FB5] =	sst s0;
	s0 =	simm.s32 @!p2 $0x0  }
0x16: {  	s3 =	sld [smem:$0x3FDB];
	s0 =	simm.s32 @p2 $0x1  }
0x17: {  	s4 =	simm.s32 $0x1BF5;
	[smem:$0x3FB7] =	sst s0  }
0x18: {  	s0 =	sld [smem:$0x3F9A];
	_ =	swait.ge [sflag:s4], $0x0  }
0x19: {  	s7 =	sld [smem:$0x3F9B]  }
0x1a: {  	s8 =	sadd.s32 $0xFFFFE003, lr  }
0x1b: {  	s9 =	sadd.s32 $0xFFFFFEF7, lr;
	s5 =	simm.s32 $0xFFFFFFFF;
	p2 =	slt.u32 s8, $0xFFFFF086  }
0x1c: {  	p1 =	slt.u32 s9, $0xF7A;
	s5 =	simm.s32 @!p2 $0x0  }
0x1d: {  	s5 =	simm.s32 @p1 $0x1;
	p0 =	seq.s32 s7, s2  }
0x1e: {  	s7 =	smul.u32 @!p0 $0xF7A, s2;
	p2 =	seq.s32 @!p0 s5, $0x0  }
0x1f: {  	s9 =	smul.u32 $0xF7A, s1;
	s8 =	simm.s32 @!p0 $0x1BF5;
	p2 =	por !p2, p0  }
0x20: {  	[sflag:s8] =	ssyncset.s32 @!p0 $0xFFFFF086;
	s6 =	sadd.s32 @!p0 s3, s7;
	s7 =	simm.s32 @!p0 $0x108  }
0x21: {  	s3 =	sadd.s32 s3, s9;
	s6 =	sadd.s32 @!p0 $0x88, s6;
	s7 =	simm.s32 @p2 $0x1082  }
0x22: {  	[simem:s7], [sflag:s8] =	dma.local @!p0 [hbm:s6], $0xF7A  }
0x23: {  	s9 =	sor.u32 $0xD0000000, s2;
	s6 =	simm.s32 $0x108;
	_ =	swait.ge @!p0 [sflag:s8], $0x0  }
0x24: {  	s3 =	sadd.s32 $0x88, s3;
	s6 =	simm.s32 @!p1 $0x1082;
	[sflag:s4] =	ssyncset.s32 $0xFFFFF086  }
0x25: {  	[simem:s6], [sflag:s4] =	dma.local [hbm:s3], $0xF7A  }
0x26: {  	[smem:$0x3F9B] =	sst s1;
	(tag) =	ssettag s2;
	_ =	strace s9  }
0x27: {  	s1 =	sld [smem:$0x3FAB]  }
0x28: {  	s2 =	sld [smem:$0x3FAC]  }
0x29: {  	s4 =	sld [smem:$0x3FAE]  }
0x2a: {  	p0 =	seq.s32 s5, $0x0;
	s5 =	sld [smem:$0x3FAF]  }
0x2b: {  	s6 =	sld [smem:$0x3FB0]  }
0x2c: {  	s7 =	sld [smem:$0x3FB1]  }
0x2d: {  	s3 =	simm.s32 $0x108;
	s8 =	sld [smem:$0x3FB2]  }
0x2e: {  	s3 =	simm.s32 @!p0 $0x1082;
	s9 =	sld [smem:$0x3FB3]  }
0x2f: {  	lr =	sadd.s32 s0, s3;
	s0 =	sld [smem:$0x3FAA]  }
0x30: {  	s3 =	sld [smem:$0x3FAD]  }
0x31: {  	[smem:$0x3FB6] =	sst s10  }
0x32: {  	s10 =	sld [smem:$0x3FB4];
	_ =	sdelay $0x3  }
0x33: {  	p0 =	seq.s32 s10, $0x1;
	s10 =	sld [smem:$0x3FB6];
	_ =	sdelay $0x3  }
0x34: {  	[smem:$0x3FB6] =	sst s10  }
0x35: {  	s10 =	sld [smem:$0x3FB5];
	_ =	sdelay $0x3  }
0x36: {  	p1 =	seq.s32 s10, $0x1;
	s10 =	sld [smem:$0x3FB6];
	_ =	sdelay $0x3  }
0x37: {  	[smem:$0x3FB6] =	sst s10  }
0x38: {  	s10 =	sld [smem:$0x3FB7]  }
0x39: {  	_ = 	snop;
	(pc) =	sbr.ind lr, $3  }
0x3a: {  	_ = 	snop  }
0x3b: {  	_ = 	snop  }
0x3c: {  	p2 =	seq.s32 s10, $0x1;
	s10 =	sld [smem:$0x3FB6]  }
0x3d: {  	_ =	shalt  }
0x3e: {  	_ =	shalt  }
0x3f: {  	_ =	shalt  }
0x40: {  	_ =	shalt  }
0x41: {  	_ =	shalt  }
0x42: {  	_ =	shalt  }
0x43: {  	_ =	shalt  }
0x44: {  	_ =	shalt  }
0x45: {  	_ =	shalt  }
0x46: {  	_ =	shalt  }
0x47: {  	_ =	shalt  }
0x48: {  	_ =	shalt  }
0x49: {  	_ =	shalt  }
0x4a: {  	_ =	shalt  }
0x4b: {  	_ =	shalt  }
0x4c: {  	_ =	shalt  }
0x4d: {  	_ =	shalt  }
0x4e: {  	_ =	shalt  }
0x4f: {  	_ =	shalt  }
0x50: {  	_ =	shalt  }
0x51: {  	_ =	shalt  }
0x52: {  	_ =	shalt  }
0x53: {  	_ =	shalt  }
0x54: {  	_ =	shalt  }
0x55: {  	_ =	shalt  }
0x56: {  	_ =	shalt  }
0x57: {  	_ =	shalt  }
0x58: {  	_ =	shalt  }
0x59: {  	_ =	shalt  }
0x5a: {  	_ =	shalt  }
0x5b: {  	_ =	shalt  }
0x5c: {  	_ =	shalt  }
0x5d: {  	_ =	shalt  }
0x5e: {  	_ =	shalt  }
0x5f: {  	_ =	shalt  }
0x60: {  	_ =	shalt  }
0x61: {  	_ =	shalt  }
0x62: {  	_ =	shalt  }
0x63: {  	_ =	shalt  }
0x64: {  	_ =	shalt  }
0x65: {  	_ =	shalt  }
0x66: {  	_ =	shalt  }
0x67: {  	_ =	shalt  }
0x68: {  	_ =	shalt  }
0x69: {  	_ =	shalt  }
0x6a: {  	_ =	shalt  }
0x6b: {  	_ =	shalt  }
0x6c: {  	_ =	shalt  }
0x6d: {  	_ =	shalt  }
0x6e: {  	_ =	shalt  }
0x6f: {  	_ =	shalt  }
0x70: {  	_ =	shalt  }
0x71: {  	_ =	shalt  }
0x72: {  	_ =	shalt  }
0x73: {  	_ =	shalt  }
0x74: {  	_ =	shalt  }
0x75: {  	_ =	shalt  }
0x76: {  	_ =	shalt  }
0x77: {  	_ =	shalt  }
0x78: {  	_ =	shalt  }
0x79: {  	_ =	shalt  }
0x7a: {  	_ =	shalt  }
0x7b: {  	_ =	shalt  }
0x7c: {  	_ =	shalt  }
0x7d: {  	_ =	shalt  }
0x7e: {  	_ =	shalt  }
0x7f: {  	_ =	shalt  }
0x80: {  	_ =	shalt  }
0x81: {  	_ =	shalt  }
0x82: {  	_ =	shalt  }
0x83: {  	_ =	shalt  }
0x84: {  	_ =	shalt  }
0x85: {  	_ =	shalt  }
0x86: {  	_ =	shalt  }
0x87: {  	_ =	shalt  }
.Lfunc_end0:
.L_simem_size_0:
called_computation_lowered:
.L_overlay_start_0:
0x88: {  	s2 =	sld [smem:$0x3FD9]  }
0x89: {  	s3 =	sld [smem:$0x3FFE];
	_ =	sdelay $0x1  }
0x8a: {  	s1 =	srdreg.scid  }
0x8b: {  	s0 =	sand.u32 $0x1, s1  }
0x8c: {  	s17 =	sshll.u32 s0, $0xA;
	s2 =	sadd.s32 s3, s2  }
0x8d: {  	s2 =	sadd.s32 s2, s17  }
0x8e: {  	[smem:$0x3FC2] =	sst s2  }
0x8f: {  	_ = 	snop  }
0x90: {  	s2 =	sld [smem:$0x3FD0];
	(tm) =	ssettm $0x1  }
0x91: {  	s18 =	sld [smem:$0x3FFB];
	_ =	sdelay $0x3  }
0x92: {  	_ =	strace s18  }
0x93: {  	s3 =	sld [smem:$0x3FFC];
	_ =	sdelay $0x3  }
0x94: {  	_ =	strace s3  }
0x95: {  	s3 =	sld [smem:$0x3FFD];
	_ =	sdelay $0x3  }
0x96: {  	_ =	strace s3  }
0x97: {  	_ =	strace $0x8FFFFFFF  }
0x98: {  	s19 =	sld [smem:$0x3FDB];
	_ =	sdelay $0x1  }
0x99: {  	s4 =	simm.s32 $_scs_section_size  }
0x9a: {  	s5 =	simm.s32 $_size__tile_overlayer_lowered;
	s6 =	simm.s32 $_tile_overlayer_lowered  }
0x9b: {  	s22 =	simm.s32 $0x1BFF;
	s21 =	sshll.u32 s6, $0x1;
	s3 =	sadd.s32 s4, s19  }
0x9c: {  	s7 =	simm.s32 $0x0;
	s20 =	sshll.u32 s5, $0x1;
	s5 =	sadd.s32 s21, s3  }
0x9d: {  	[timem:s7], [sflag:s22] =	dma.local [hbm:s5], s20  }
0x9e: {  	_ =	swait.ge [sflag:s22], s20  }
0x9f: {  	s4 =	ssub.s32 $0x0, s20;
	[sflag:s22] =	ssyncset.done $0x0  }
0xa0: {  	[sflag:s22] =	ssyncadd.s32 s4;
	_ =	sdelay $0x1  }
0xa1: {  	s23 =	simm.s32 $0x1B8B  }
0xa2: {  	_ =	swait.ge [sflag:s23], $0x1  }
0xa3: {  	[sflag:s23] =	ssyncset.done $0x0  }
0xa4: {  	s25 =	simm.s32 $0x1B8E;
	s24 =	sld [smem:$0x3FFE];
	[sflag:s23] =	ssyncadd.s32 $0xFFFFFFFF  }
0xa5: {  	s26 =	simm.s32 $execute0_lowered;
	[smem:$0x3FD2] =	sst s25  }
0xa6: {  	s5 =	sshll.u32 s26, $0x1;
	_ =	strace $0x80000046;
	[dreg:$0x1] =	wrdreg $0xFFFFFFFF  }
0xa7: {  	s28 =	simm.s32 $_size_execute0_lowered;
	s3 =	sadd.s32 s3, s5;
	[dreg:$0x0] =	wrdreg $0x0  }
0xa8: {  	s5 =	sshll.u32 s28, $0x1;
	[dreg:$0x2] =	wrdreg s3  }
0xa9: {  	[dreg:$0x3] =	wrdreg s5  }
0xaa: {  	[dreg:$0x4] =	wrdreg $0xC0  }
0xab: {  	_ =	task [dreg:s7], $0x5FFFF  }
0xac: {  	[dreg:$0x1] =	wrdreg $0xFFFFFFFF  }
0xad: {  	[dreg:$0x0] =	wrdreg $0x60  }
0xae: {  	[dreg:$0x2] =	wrdreg s24  }
0xaf: {  	[dreg:$0x3] =	wrdreg s2  }
0xb0: {  	[dreg:$0x4] =	wrdreg $0x30000  }
0xb1: {  	[dreg:$0x5] =	wrdreg $0x9  }
0xb2: {  	_ =	task.clear_ibuf [dreg:s7], $0x6FFFF;
	_ =	strace $0x90000046  }
0xb3: {  	s29 =	simm.s32 $0x9;
	_ =	strace $0x80000048  }
0xb4: {  	_ =	swait.ge [sflag:s29], $0x1  }
0xb5: {  	[sflag:s29] =	ssyncadd.s32 $0xFFFFFFFF  }
0xb6: {  	_ =	strace $0x90000048  }
0xb7: {  	_ =	sfence  }
0xb8: {  	s30 =	sld [smem:$0x0];
	_ =	sdelay $0x2  }
0xb9: {  	s31 =	sshll.u32 s1, $0xD;
	s1 =	sshrl.u32 s1, $0x2  }
0xba: {  	s3 =	sand.u32 $0x4000, s31;
	s1 =	sadd.s32 s1, s30  }
0xbb: {  	s0 =	sor.u32 s3, s0;
	s1 =	sshll.u32 s1, $0x11  }
0xbc: {  	s0 =	sor.u32 s1, s0  }
0xbd: {  	s0 =	sadd.s32 $0x8F2B, s0  }
0xbe: {  	[sflag:s0] =	ssyncadd.remote.s32 $0x1  }
0xbf: {  	_ =	sfence.sel $0xFFFF  }
0xc0: {  	[dreg:$0x0] =	wrdreg $0xFFFFFFFF;
	(pc) =	sbr.abs _section_cstart, $3  }
0xc1: {  	[dreg:$0x1] =	wrdreg $0xFFFFFFFF  }
0xc2: {  	_ =	task.clear_ibuf [dreg:s7], $0x2FFFF;
	_ =	strace $0x9FFFFFFF  }
0xc3: {  	(tm) =	ssettm $0x7FFFFFFF  }
tec
execute0_lowered:
.L_overlay_start_1:
0x0: {  	(tag) =	ssettag $0x1  }
0x1: {  	s7 =	rddreg [dreg:$0x0]  }
0x2: {  	s0 =	srdreg.scid;
	s2 =	rddreg [dreg:$0x1]  }
0x3: {  	s3 =	rddreg [dreg:$0x2];
	s6 =	sand.u32 $0x1, s0;
	s0 =	stileid.u32  }
0x4: {  	s4 =	simm.s32 $0x0;
	s14 =	simm.s32 $0x1;
	s8 =	smul.u32 $0x500, s0  }
0x5: {  	s15 =	simm.s32 $0x0;
	[smem:$0x7FF] =	sst s4;
	s9 =	smul.u32 $0x5000, s6  }
0x6: {  	s1 =	sshll.u32 s6, $0x4;
	s30 =	smul.u32 $0xA000, s0;
	s6 =	ssub.s32 $0x2, s6  }
0x7: {  	s11 =	sshll.u32 s0, $0x6;
	s1 =	sor.u32 s0, s1;
	s31 =	sshrl.u32 s6, $0x1  }
0x8: {  	s5 =	smul.u32 $0x500, s1;
	s1 =	rddreg [dreg:$0x3];
	_ =	strace $0x80000047  }
0x9: {  	s8 =	sadd.s32 s8, s9;
	s9 =	sshrl.u32 s30, $0x2;
	s12 =	ssub.s32 s6, s31  }
0xa: {  	s6 =	sor.u32 $0x1C02, s11;
	s11 =	simm.s32 $0x2;
	s8 =	sadd.s32 s8, s7  }
0xb: {  	s13 =	sadd.s32 s9, s3;
	s9 =	smax.u32 s12, $0x1;
	s12 =	simm.s32 $0x2800  }
0xc: {  	s10 =	sadd.s32 s5, s7;
	s5 =	sadd.s32 $0xBA00, s7;
	s8 =	sadd.s32 $0xBC00, s8  }
0xd: {  	s7 =	sadd.s32 $0x1A00, s10;
	s10 =	sshrl.u32 s13, $0x3;
	s13 =	simm.s32 $0x80  }
.LBB2_1:
0xe: {  	[spmem:s10], [sflag:s6] =	dma.local [hbm:s2], $0x500  }
0xf: {  	_ =	swait.ge [sflag:s11], $0x500  }
0x10: {  	[sflag:s11] =	ssyncset.done $0x0  }
0x11: {  	[sflag:s11] =	ssyncadd.s32 $0xFFFFFB00  }
0x12: {  	[tilespmem:s4], [sflag:$0x2] =	stream.linear.gather [hbm4b:s7+s4], $0x2800, $0x38;
	[tilespmem:$0x5800] =	vst v63  }
0x13: {  	_ =	swait.ge [sflag:s11], $0x2800  }
0x14: {  	[sflag:s11] =	ssyncset.done $0x0  }
0x15: {  	[sflag:s11] =	ssyncadd.s32 $0xFFFFD800  }
0x16: {  	[tilespmem:s12], [sflag:$0x2] =	stream.linear.gather [hbm4b:s5+s4], $0x800, $0x38;
	[tilespmem:$0x5800] =	vst v63  }
0x17: {  	_ =	swait.ge [sflag:s11], $0x800  }
0x18: {  	[sflag:s11] =	ssyncset.done $0x0  }
0x19: {  	[sflag:s11] =	ssyncadd.s32 $0xFFFFF800  }
0x1a: {  	s16 =	simm.s32 $0x0;
	[bflag:$0x0] =	sbarrier.arrive $0xFFFF  }
.LBB2_2:
0x1b: {  	p0 =	sne.s32 s16, $0x9E00  }
.Ltmp0:
0x1c: {  	_ = 	snop;
	(pc) =	sbr.rel @p0 .LBB2_2-.Ltmp0, $3  }
0x1d: {  	_ =	sdelay $0x1  }
0x1e: {  	s17 =	sshra.s32 s16, $0x2;
	s16 =	sadd.s32 $0x200, s16  }
0x1f: {  	[spmem:s3] =	stream.indirect.scatter.add.f32 [tilespmem:s12], [sflag:$0x1], $0x10, s17, s13, $0xb8;
	[tilespmem:$0x5800] =	vst v63  }
0x20: {  	_ =	swait.ge [sflag:s14], $0x800  }
0x21: {  	s16 =	simm.s32 $0x4F;
	[sflag:s14] =	ssyncset.done $0x0  }
.LBB2_4:
0x22: {  	p0 =	sne.s32 s16, $0x1;
	s16 =	sadd.s32 $0xFFFFFFFF, s16;
	[sflag:s14] =	ssyncadd.s32 $0xFFFFF800  }
.Ltmp1:
0x23: {  	(pc) =	sbr.rel @p0 .LBB2_4-.Ltmp1, $3  }
0x24: {  	_ =	sdelay $0x1  }
0x25: {  	_ =	swait.ge [sflag:s14], $0x800  }
0x26: {  	[sflag:s14] =	ssyncset.done $0x0  }
0x27: {  	s15 =	sadd.s32 $0x1, s15  }
0x28: {  	[sflag:s14] =	ssyncadd.s32 $0xFFFFF800;
	p0 =	sne.s32 s15, s9  }
.Ltmp2:
0x29: {  	[bflag:$0x0] =	sbarrier.arrive $0xFFFF;
	(pc) =	sbr.rel @p0 .LBB2_1-.Ltmp2, $4  }
0x2a: {  	[hbm:s8], [sflag:s6] =	dma.local [spmem:s10], $0x500  }
0x2b: {  	_ =	swait.ge [sflag:s11], $0x500  }
0x2c: {  	[sflag:s11] =	ssyncset.done $0x0  }
0x2d: {  	[sflag:s11] =	ssyncadd.s32 $0xFFFFFB00  }
0x2e: {  	_ =	sfence.sel $0x180000  }
0x2f: {  	[bflag:$0x0] =	sbarrier.arrive $0xFFFF  }
0x30: {  	p0 =	sne.s32 s0, $0x0;
	_ =	strace $0x90000047  }
0x31: {  	s0 =	sadd.s32 @!p0 $0x100000, s1;
	[bflag:$0x2] =	sbarrier.arrive $0xFFFF  }
0x32: {  	[sflag:s0] =	ssyncadd.tile.s32 @!p0 $0x1;
	_ =	shalt  }
.Lfunc_end2:
_tile_overlayer_lowered:
.L_overlay_start_2:
0x33: {  	(tag) =	ssettag $0x2  }
0x34: {  	s0 =	rddreg [dreg:$0x0];
	s2 =	stileid.u32  }
0x35: {  	s1 =	rddreg [dreg:$0x1];
	p0 =	sne.s32 s2, $0x0  }
0x36: {  	s3 =	rddreg [dreg:$0x2];
	[bflag:$0x3] =	sbarrier.arrive $0xFFFF;
	s2 =	simm.s32 @!p0 $0x1C02  }
0x37: {  	[timem:s3], [sflag:s2] =	dma.local @!p0 [hbm:s0], s1  }
0x38: {  	s0 =	simm.s32 @!p0 $0x2  }
0x39: {  	_ =	swait.ge @!p0 [sflag:s0], s1  }
0x3a: {  	s1 =	ssub.s32 @!p0 $0x0, s1;
	[sflag:s0] =	ssyncset.done @!p0 $0x0  }
0x3b: {  	[sflag:s0] =	ssyncadd.s32 @!p0 s1  }
0x3c: {  	[bflag:$0x3] =	sbarrier.arrive $0xFFFF  }
0x3d: {  	_ =	shalt  }

</sc_bundles>
